<compile_context>
chip_gen: v7x
topology: tpu7x:2x2x1
jax: 0.10.2.dev20260603
libtpu: 0.0.44.dev20260713+nightly
codegen_flags: <defaults>
</compile_context>

<pallas_src>
import functools

import jax
import jax.numpy as jnp
from jax import lax
from jax.experimental import pallas as pl
from jax.experimental.pallas import tpu as pltpu
from jax.experimental.pallas import tpu_sc as plsc

N = 10000
E = 320000
D = 128
H = 128
O = 64

NC = 2
NS = 16
NW = NC * NS
CH = 128
NCH = 80
NPAIR = NCH // 2
EPW = CH * NCH
EP = NW * EPW
NP = 10240
RPT = NP // NS
ZB = 64

@functools.cache
def _mesh():
    return plsc.VectorSubcoreMesh(core_axis_name="c", subcore_axis_name="s")




def _sc_aggregate(h, e2, with_counts=False):

    out_t = jax.ShapeDtypeStruct((NC, NP, H), jnp.float32)
    NT = NCH // 4

    @functools.partial(
        pl.kernel,
        out_type=[out_t, out_t] if with_counts else out_t,
        mesh=_mesh(),
        scratch_types=[
            [pltpu.VMEM((2, CH), jnp.int32) for _ in range(4)],
            [pltpu.VMEM((CH, H), jnp.float32) for _ in range(2)],
            pltpu.VMEM((ZB, H), jnp.float32),
            pltpu.VMEM_SHARED((NP, H), jnp.float32),
            [pltpu.SemaphoreType.DMA for _ in range(4)],
            [pltpu.SemaphoreType.DMA for _ in range(2)],
            [pltpu.SemaphoreType.DMA for _ in range(2)],
        ],
    )
    def k(h_hbm, e2_hbm, *rest):
        if with_counts:
            cnt_hbm, out_hbm = rest[0], rest[1]
            ibuf, rows, zbuf, acc, isem, gsem, ssem = rest[2:]
        else:
            out_hbm = rest[0]
            ibuf, rows, zbuf, acc, isem, gsem, ssem = rest[1:]
        c = lax.axis_index("c")
        s = lax.axis_index("s")
        base_c = (c * NS + s) * NCH

        def start_idx(j, u):
            pltpu.async_copy(e2_hbm.at[base_c + j], ibuf[u], isem[u])

        def wait_idx(u):
            pltpu.make_async_copy(e2_hbm.at[base_c], ibuf[u], isem[u]).wait()

        def start_gather(u, p):
            pltpu.async_copy(h_hbm.at[ibuf[u].at[0]], rows[p], gsem[p])

        def wait_gather(u, p):
            pltpu.make_async_copy(h_hbm.at[ibuf[u].at[0]], rows[p],
                                  gsem[p]).wait()

        def start_scat(u, p, src_rows):
            pltpu.async_copy(src_rows, acc.at[ibuf[u].at[1]], ssem[p],
                             add=True)

        def wait_scat(u, p, src_rows):
            pltpu.make_async_copy(src_rows, acc.at[ibuf[u].at[1]],
                                  ssem[p]).wait()

        def refill(t, cq):
            u2 = (cq + 2) % 4
            if cq < 2:
                start_idx(4 * t + cq + 2, u2)
            else:
                @pl.when(t < NT - 1)
                def _():
                    start_idx(4 * t + cq + 2, u2)

        for u in range(4):
            start_idx(u, u)

        @pl.loop(0, ZB)
        def _(r):
            @pl.loop(0, H // 16)
            def _(q):
                zbuf[r, pl.ds(q * 16, 16)] = jnp.zeros((16,), jnp.float32)

        @pl.loop(0, RPT // ZB)
        def _(i):
            pltpu.sync_copy(zbuf, acc.at[pl.ds(s * RPT + i * ZB, ZB)])

        plsc.subcore_barrier()

        if with_counts:
            @pl.loop(0, CH)
            def _(r):
                @pl.loop(0, H // 16)
                def _(q):
                    rows[1][r, pl.ds(q * 16, 16)] = jnp.ones((16,),
                                                             jnp.float32)

            @pl.loop(0, NT)
            def _(t):
                for cq in range(4):
                    u, p, u2 = cq, cq % 2, (cq + 2) % 4
                    wait_idx(u)
                    if cq < 2:
                        @pl.when(t > 0)
                        def _():
                            wait_scat(u2, p, rows[1])
                            refill(t, cq)
                    else:
                        wait_scat(u2, p, rows[1])
                        refill(t, cq)
                    start_scat(u, p, rows[1])

            wait_scat(2, 0, rows[1])
            wait_scat(3, 1, rows[1])
            plsc.subcore_barrier()
            pltpu.sync_copy(acc.at[pl.ds(s * RPT, RPT)],
                            cnt_hbm.at[c, pl.ds(s * RPT, RPT)])

            @pl.loop(0, RPT // ZB)
            def _(i):
                pltpu.sync_copy(zbuf, acc.at[pl.ds(s * RPT + i * ZB, ZB)])

            plsc.subcore_barrier()

            for u in range(4):
                start_idx(u, u)

        @pl.loop(0, NT)
        def _(t):
            for cq in range(4):
                u, p, u2, um, q = cq, cq % 2, (cq + 2) % 4, (cq - 1) % 4, \
                    1 - cq % 2
                wait_idx(u)
                if cq < 2:
                    @pl.when(t > 0)
                    def _():
                        wait_scat(u2, p, rows[p])
                        refill(t, cq)
                else:
                    wait_scat(u2, p, rows[p])
                    refill(t, cq)
                start_gather(u, p)
                if cq == 0:
                    @pl.when(t > 0)
                    def _():
                        wait_gather(um, q)
                        start_scat(um, q, rows[q])
                else:
                    wait_gather(um, q)
                    start_scat(um, q, rows[q])

        wait_gather(3, 1)
        start_scat(3, 1, rows[1])
        wait_scat(2, 0, rows[0])
        wait_scat(3, 1, rows[1])
        plsc.subcore_barrier()
        pltpu.sync_copy(acc.at[pl.ds(s * RPT, RPT)],
                        out_hbm.at[c, pl.ds(s * RPT, RPT)])

    return k(h, e2)


BB = 2000


def _dot(a, b):
    return lax.dot_general(a, b, (((1,), (0,)), ((), ())),
                           precision=lax.Precision.HIGHEST,
                           preferred_element_type=jnp.float32)


def _tc_lin0(x, wT, b):
    def body(x_ref, w_ref, b_ref, o_ref):
        o_ref[...] = jnp.maximum(_dot(x_ref[...], w_ref[...]) + b_ref[...], 0.0)

    return pl.pallas_call(
        body,
        grid=(N // BB,),
        in_specs=[pl.BlockSpec((BB, D), lambda i: (i, 0)),
                  pl.BlockSpec((D, H), lambda i: (0, 0)),
                  pl.BlockSpec((1, H), lambda i: (0, 0))],
        out_specs=pl.BlockSpec((BB, H), lambda i: (i, 0)),
        out_shape=jax.ShapeDtypeStruct((N, H), jnp.float32),
    )(x, wT, b)


def _sage_update(x_blk, acc_ref, cnt_ref, waT, ba):
    cnt = cnt_ref[0, :, 0:1] + cnt_ref[1, :, 0:1]
    agg = (acc_ref[0] + acc_ref[1]) / jnp.maximum(cnt, 1.0)
    cat = jnp.concatenate([x_blk, agg], axis=1)
    o = jnp.maximum(_dot(cat, waT) + ba, 0.0)
    nrm = jnp.maximum(jnp.sqrt(jnp.sum(o * o, axis=1, keepdims=True)), 1e-12)
    return o / nrm


def _tc_update0(x, acc, cnt, waT, ba, wlT, bl):
    def body(x_ref, acc_ref, cnt_ref, wa_ref, ba_ref, wl_ref, bl_ref,
             h0_ref, h1_ref):
        h0 = _sage_update(x_ref[...], acc_ref, cnt_ref, wa_ref[...], ba_ref[...])
        h0_ref[...] = h0
        h1_ref[...] = jnp.maximum(_dot(h0, wl_ref[...]) + bl_ref[...], 0.0)

    return pl.pallas_call(
        body,
        grid=(N // BB,),
        in_specs=[pl.BlockSpec((BB, H), lambda i: (i, 0)),
                  pl.BlockSpec((NC, BB, H), lambda i: (0, i, 0)),
                  pl.BlockSpec((NC, BB, H), lambda i: (0, i, 0)),
                  pl.BlockSpec((D + H, H), lambda i: (0, 0)),
                  pl.BlockSpec((1, H), lambda i: (0, 0)),
                  pl.BlockSpec((H, H), lambda i: (0, 0)),
                  pl.BlockSpec((1, H), lambda i: (0, 0))],
        out_specs=[pl.BlockSpec((BB, H), lambda i: (i, 0)),
                   pl.BlockSpec((BB, H), lambda i: (i, 0))],
        out_shape=[jax.ShapeDtypeStruct((N, H), jnp.float32),
                   jax.ShapeDtypeStruct((N, H), jnp.float32)],
    )(x, acc, cnt, waT, ba, wlT, bl)


def _tc_final(h0, acc, cnt, waT, ba, wp1T, bp1, wp2T, bp2):
    def body(x_ref, acc_ref, cnt_ref, wa_ref, ba_ref, w1_ref, b1_ref,
             w2_ref, b2_ref, o_ref):
        h1 = _sage_update(x_ref[...], acc_ref, cnt_ref, wa_ref[...], ba_ref[...])
        p = _dot(h1, w1_ref[...]) + b1_ref[...]
        q = _dot(p, w2_ref[...]) + b2_ref[...]
        m = jnp.max(q, axis=1, keepdims=True)
        lse = m + jnp.log(jnp.sum(jnp.exp(q - m), axis=1, keepdims=True))
        o_ref[...] = q - lse

    return pl.pallas_call(
        body,
        grid=(N // BB,),
        in_specs=[pl.BlockSpec((BB, H), lambda i: (i, 0)),
                  pl.BlockSpec((NC, BB, H), lambda i: (0, i, 0)),
                  pl.BlockSpec((NC, BB, H), lambda i: (0, i, 0)),
                  pl.BlockSpec((D + H, H), lambda i: (0, 0)),
                  pl.BlockSpec((1, H), lambda i: (0, 0)),
                  pl.BlockSpec((H, H), lambda i: (0, 0)),
                  pl.BlockSpec((1, H), lambda i: (0, 0)),
                  pl.BlockSpec((H, O), lambda i: (0, 0)),
                  pl.BlockSpec((1, O), lambda i: (0, 0))],
        out_specs=pl.BlockSpec((BB, O), lambda i: (i, 0)),
        out_shape=jax.ShapeDtypeStruct((N, O), jnp.float32),
    )(h0, acc, cnt, waT, ba, wp1T, bp1, wp2T, bp2)


def kernel(x, edge_index, W_lin0, b_lin0, W_agg0, b_agg0,
           W_lin1, b_lin1, W_agg1, b_agg1, Wp1, bp1, Wp2, bp2):
    npad = EPW - E // NW
    pad_src = (jnp.arange(npad, dtype=jnp.int32)[None, :] * 41
               + 97 * jnp.arange(NW, dtype=jnp.int32)[:, None]) % N
    pad_dst = jnp.broadcast_to(N + jnp.arange(npad, dtype=jnp.int32)[None, :],
                               (NW, npad))
    src_p = jnp.concatenate(
        [edge_index[0].reshape(NW, -1), pad_src], axis=1).reshape(EP)
    dst_p = jnp.concatenate(
        [edge_index[1].reshape(NW, -1), pad_dst], axis=1).reshape(EP)
    h = _tc_lin0(x, W_lin0.T, b_lin0.reshape(1, H))
    e2 = jnp.stack([src_p.reshape(NW * NCH, CH),
                    dst_p.reshape(NW * NCH, CH)], axis=1)
    cnt, acc0 = _sc_aggregate(h, e2, with_counts=True)
    h0, h1l = _tc_update0(x, acc0, cnt, W_agg0.T, b_agg0.reshape(1, H),
                          W_lin1.T, b_lin1.reshape(1, H))
    acc1 = _sc_aggregate(h1l, e2)
    return _tc_final(h0, acc1, cnt, W_agg1.T, b_agg1.reshape(1, H),
                     Wp1.T, bp1.reshape(1, H), Wp2.T, bp2.reshape(1, O))

# --- scband reference (transcript-rebuilt; emitter-appended) ---
"""Pipeline reference for scband-gnnstack-6425271075235 (READ-ONLY COPY).

The authoritative reference and input builder live on the scoring server;
editing this copy changes nothing except your own understanding.
"""

import jax, jax.numpy as jnp
import numpy as np

N = 10000
E = 320000
D = 128
H = 128
O = 64


def _glorot(key, shape):
    fan_in = shape[-1]
    return (jax.random.normal(key, shape, jnp.float32) / np.sqrt(fan_in)).astype(jnp.float32)


def setup_inputs(seed: int = 0) -> dict:
    key = jax.random.key(seed)
    ks = jax.random.split(key, 16)
    x = jax.random.normal(ks[0], (N, D), jnp.float32)
    edge_index = jax.random.randint(ks[1], (2, E), 0, N, dtype=jnp.int32)
    # GraphSage layer 0: lin (D->H), agg_lin (D+H -> H)
    W_lin0 = _glorot(ks[2], (H, D)); b_lin0 = jnp.zeros((H,), jnp.float32)
    W_agg0 = _glorot(ks[3], (H, D + H)); b_agg0 = jnp.zeros((H,), jnp.float32)
    # GraphSage layer 1: lin (H->H), agg_lin (H+H -> H)
    W_lin1 = _glorot(ks[4], (H, H)); b_lin1 = jnp.zeros((H,), jnp.float32)
    W_agg1 = _glorot(ks[5], (H, H + H)); b_agg1 = jnp.zeros((H,), jnp.float32)
    # post_mp: Linear(H,H), Dropout(0), Linear(H,O)
    Wp1 = _glorot(ks[6], (H, H)); bp1 = jnp.zeros((H,), jnp.float32)
    Wp2 = _glorot(ks[7], (O, H)); bp2 = jnp.zeros((O,), jnp.float32)
    return {"x": x, "edge_index": edge_index,
            "W_lin0": W_lin0, "b_lin0": b_lin0, "W_agg0": W_agg0, "b_agg0": b_agg0,
            "W_lin1": W_lin1, "b_lin1": b_lin1, "W_agg1": W_agg1, "b_agg1": b_agg1,
            "Wp1": Wp1, "bp1": bp1, "Wp2": Wp2, "bp2": bp2}


def _sage_layer(x, edge_index, W_lin, b_lin, W_agg, b_agg):
    n = x.shape[0]
    src = edge_index[0]
    dst = edge_index[1]
    # message: relu(lin(x_j)) per edge (compute once per node, gather per edge)
    h = jax.nn.relu(x @ W_lin.T + b_lin)
    msg = jnp.take(h, src, axis=0)
    # aggr='mean' at destination nodes
    s = jax.ops.segment_sum(msg, dst, num_segments=n)
    cnt = jax.ops.segment_sum(jnp.ones((edge_index.shape[1],), x.dtype), dst, num_segments=n)
    agg = s / jnp.clip(cnt, 1.0, None)[:, None]
    # update: relu(agg_lin(cat([x, agg]))) then L2 normalize (eps=1e-12)
    out = jax.nn.relu(jnp.concatenate([x, agg], axis=1) @ W_agg.T + b_agg)
    norm = jnp.maximum(jnp.linalg.norm(out, axis=1, keepdims=True), 1e-12)
    return out / norm


def reference(x, edge_index, W_lin0, b_lin0, W_agg0, b_agg0,
              W_lin1, b_lin1, W_agg1, b_agg1, Wp1, bp1, Wp2, bp2):
    # GNNStack forward with model_type='GraphSage', num_layers=2, dropout=0.0 (identity)
    h = _sage_layer(x, edge_index, W_lin0, b_lin0, W_agg0, b_agg0)
    h = jax.nn.relu(h)
    h = _sage_layer(h, edge_index, W_lin1, b_lin1, W_agg1, b_agg1)
    h = jax.nn.relu(h)
    # post_mp: Linear -> Dropout(0) -> Linear
    p = h @ Wp1.T + bp1
    p = p @ Wp2.T + bp2
    return jax.nn.log_softmax(p, axis=1)

if __name__ == "__main__":
    import jax
    _d = setup_inputs()
    print(jax.jit(kernel)(*tuple(_d.values())))

</pallas_src>

<mosaic_0001>
#map = affine_map<(d0, d1) -> (0, 0)>
#map1 = affine_map<(d0, d1) -> (0, 0, 0)>
module attributes {stable_mosaic.version = 14 : i64} {
  func.func @k(%arg0: i32, %arg1: i32, %arg2: memref<10000x128xf32, #tpu.memory_space<hbm>>, %arg3: memref<2560x2x128xi32, #tpu.memory_space<hbm>>, %arg4: memref<2x10240x128xf32, #tpu.memory_space<hbm>>, %arg5: memref<2x10240x128xf32, #tpu.memory_space<hbm>>, %arg6: memref<2x128xi32, #tpu.memory_space<vmem>>, %arg7: memref<2x128xi32, #tpu.memory_space<vmem>>, %arg8: memref<2x128xi32, #tpu.memory_space<vmem>>, %arg9: memref<2x128xi32, #tpu.memory_space<vmem>>, %arg10: memref<128x128xf32, #tpu.memory_space<vmem>>, %arg11: memref<128x128xf32, #tpu.memory_space<vmem>>, %arg12: memref<64x128xf32, #tpu.memory_space<vmem>>, %arg13: memref<10240x128xf32, #tpu.memory_space<vmem_shared>>, %arg14: memref<!tpu.dma_semaphore, #tpu.memory_space<semaphore_mem>>, %arg15: memref<!tpu.dma_semaphore, #tpu.memory_space<semaphore_mem>>, %arg16: memref<!tpu.dma_semaphore, #tpu.memory_space<semaphore_mem>>, %arg17: memref<!tpu.dma_semaphore, #tpu.memory_space<semaphore_mem>>, %arg18: memref<!tpu.dma_semaphore, #tpu.memory_space<semaphore_mem>>, %arg19: memref<!tpu.dma_semaphore, #tpu.memory_space<semaphore_mem>>, %arg20: memref<!tpu.dma_semaphore, #tpu.memory_space<semaphore_mem>>, %arg21: memref<!tpu.dma_semaphore, #tpu.memory_space<semaphore_mem>>) attributes {dimension_semantics = [#tpu.dimension_semantics<core_parallel>, #tpu.dimension_semantics<subcore_parallel>], iteration_bounds = array<i64: 2, 16>, scalar_prefetch = 0 : i64, scratch_operands = 16 : i64, tpu.core_type = #tpu.core_type<sc_vector_subcore>, window_params = [{transform_indices = #map}, {transform_indices = #map1}, {transform_indices = #map1}, {transform_indices = #map1}]} {
    %mul3A = arith.constant 16 : i32
    %mul3A_0 = arith.muli %arg0, %mul3A : i32
    %add3A = arith.addi %mul3A_0, %arg1 : i32
    %mul3A_1 = arith.constant 80 : i32
    %mul3A_2 = arith.muli %add3A, %mul3A_1 : i32
    %add3A_3 = arith.constant 0 : i32
    %add3A_4 = arith.addi %mul3A_2, %add3A_3 : i32
    %dma_start3A = arith.constant 0 : i32
    %dma_start3A_5 = arith.constant 0 : i32
    %dma_start3A_6 = tpu.memref_slice %arg3[%add3A_4, %dma_start3A, %dma_start3A_5] : memref<2560x2x128xi32, #tpu.memory_space<hbm>> -> memref<1x2x128xi32, #tpu.memory_space<hbm>>
    %dma_start3A_7 = tpu.memref_squeeze %dma_start3A_6 : memref<1x2x128xi32, #tpu.memory_space<hbm>> -> memref<2x128xi32, #tpu.memory_space<hbm>>
    %dma_start3A_8 = arith.constant 0 : i32
    %dma_start3A_9 = arith.constant 0 : i32
    %dma_start3A_10 = tpu.memref_slice %arg3[%add3A_4, %dma_start3A_8, %dma_start3A_9] : memref<2560x2x128xi32, #tpu.memory_space<hbm>> -> memref<1x2x128xi32, #tpu.memory_space<hbm>>
    %dma_start3A_11 = tpu.memref_squeeze %dma_start3A_10 : memref<1x2x128xi32, #tpu.memory_space<hbm>> -> memref<2x128xi32, #tpu.memory_space<hbm>>
    tpu.enqueue_dma source(%dma_start3A_11 : memref<2x128xi32, #tpu.memory_space<hbm>>) target(%arg6 : memref<2x128xi32, #tpu.memory_space<vmem>>) target_semaphore(%arg14 : memref<!tpu.dma_semaphore, #tpu.memory_space<semaphore_mem>>)
    %add3A_12 = arith.constant 1 : i32
    %add3A_13 = arith.addi %mul3A_2, %add3A_12 : i32
    %dma_start3A_14 = arith.constant 0 : i32
    %dma_start3A_15 = arith.constant 0 : i32
    %dma_start3A_16 = tpu.memref_slice %arg3[%add3A_13, %dma_start3A_14, %dma_start3A_15] : memref<2560x2x128xi32, #tpu.memory_space<hbm>> -> memref<1x2x128xi32, #tpu.memory_space<hbm>>
    %dma_start3A_17 = tpu.memref_squeeze %dma_start3A_16 : memref<1x2x128xi32, #tpu.memory_space<hbm>> -> memref<2x128xi32, #tpu.memory_space<hbm>>
    %dma_start3A_18 = arith.constant 0 : i32
    %dma_start3A_19 = arith.constant 0 : i32
    %dma_start3A_20 = tpu.memref_slice %arg3[%add3A_13, %dma_start3A_18, %dma_start3A_19] : memref<2560x2x128xi32, #tpu.memory_space<hbm>> -> memref<1x2x128xi32, #tpu.memory_space<hbm>>
    %dma_start3A_21 = tpu.memref_squeeze %dma_start3A_20 : memref<1x2x128xi32, #tpu.memory_space<hbm>> -> memref<2x128xi32, #tpu.memory_space<hbm>>
    tpu.enqueue_dma source(%dma_start3A_21 : memref<2x128xi32, #tpu.memory_space<hbm>>) target(%arg7 : memref<2x128xi32, #tpu.memory_space<vmem>>) target_semaphore(%arg15 : memref<!tpu.dma_semaphore, #tpu.memory_space<semaphore_mem>>)
    %add3A_22 = arith.constant 2 : i32
    %add3A_23 = arith.addi %mul3A_2, %add3A_22 : i32
    %dma_start3A_24 = arith.constant 0 : i32
    %dma_start3A_25 = arith.constant 0 : i32
    %dma_start3A_26 = tpu.memref_slice %arg3[%add3A_23, %dma_start3A_24, %dma_start3A_25] : memref<2560x2x128xi32, #tpu.memory_space<hbm>> -> memref<1x2x128xi32, #tpu.memory_space<hbm>>
    %dma_start3A_27 = tpu.memref_squeeze %dma_start3A_26 : memref<1x2x128xi32, #tpu.memory_space<hbm>> -> memref<2x128xi32, #tpu.memory_space<hbm>>
    %dma_start3A_28 = arith.constant 0 : i32
    %dma_start3A_29 = arith.constant 0 : i32
    %dma_start3A_30 = tpu.memref_slice %arg3[%add3A_23, %dma_start3A_28, %dma_start3A_29] : memref<2560x2x128xi32, #tpu.memory_space<hbm>> -> memref<1x2x128xi32, #tpu.memory_space<hbm>>
    %dma_start3A_31 = tpu.memref_squeeze %dma_start3A_30 : memref<1x2x128xi32, #tpu.memory_space<hbm>> -> memref<2x128xi32, #tpu.memory_space<hbm>>
    tpu.enqueue_dma source(%dma_start3A_31 : memref<2x128xi32, #tpu.memory_space<hbm>>) target(%arg8 : memref<2x128xi32, #tpu.memory_space<vmem>>) target_semaphore(%arg16 : memref<!tpu.dma_semaphore, #tpu.memory_space<semaphore_mem>>)
    %add3A_32 = arith.constant 3 : i32
    %add3A_33 = arith.addi %mul3A_2, %add3A_32 : i32
    %dma_start3A_34 = arith.constant 0 : i32
    %dma_start3A_35 = arith.constant 0 : i32
    %dma_start3A_36 = tpu.memref_slice %arg3[%add3A_33, %dma_start3A_34, %dma_start3A_35] : memref<2560x2x128xi32, #tpu.memory_space<hbm>> -> memref<1x2x128xi32, #tpu.memory_space<hbm>>
    %dma_start3A_37 = tpu.memref_squeeze %dma_start3A_36 : memref<1x2x128xi32, #tpu.memory_space<hbm>> -> memref<2x128xi32, #tpu.memory_space<hbm>>
    %dma_start3A_38 = arith.constant 0 : i32
    %dma_start3A_39 = arith.constant 0 : i32
    %dma_start3A_40 = tpu.memref_slice %arg3[%add3A_33, %dma_start3A_38, %dma_start3A_39] : memref<2560x2x128xi32, #tpu.memory_space<hbm>> -> memref<1x2x128xi32, #tpu.memory_space<hbm>>
    %dma_start3A_41 = tpu.memref_squeeze %dma_start3A_40 : memref<1x2x128xi32, #tpu.memory_space<hbm>> -> memref<2x128xi32, #tpu.memory_space<hbm>>
    tpu.enqueue_dma source(%dma_start3A_41 : memref<2x128xi32, #tpu.memory_space<hbm>>) target(%arg9 : memref<2x128xi32, #tpu.memory_space<vmem>>) target_semaphore(%arg17 : memref<!tpu.dma_semaphore, #tpu.memory_space<semaphore_mem>>)
    %scan3A = arith.constant 0 : i32
    %scan3A_42 = arith.constant 64 : i32
    %scan3A_43 = arith.addi %scan3A, %scan3A_42 : i32
    %scan3A_44 = arith.constant 1 : i32
    scf.for %scan3A_163 = %scan3A to %scan3A_43 step %scan3A_44  : i32 {
      %mul3A_164 = arith.constant 1 : i32
      %mul3A_165 = arith.muli %scan3A_163, %mul3A_164 : i32
      %add3A_166 = arith.constant 0 : i32
      %add3A_167 = arith.addi %add3A_166, %mul3A_165 : i32
      %scan3A_168 = arith.constant 0 : i32
      %scan3A_169 = arith.constant 8 : i32
      %scan3A_170 = arith.addi %scan3A_168, %scan3A_169 : i32
      %scan3A_171 = arith.constant 1 : i32
      scf.for %scan3A_173 = %scan3A_168 to %scan3A_170 step %scan3A_171  : i32 {
        %mul3A_174 = arith.constant 1 : i32
        %mul3A_175 = arith.muli %scan3A_173, %mul3A_174 : i32
        %add3A_176 = arith.constant 0 : i32
        %add3A_177 = arith.addi %add3A_176, %mul3A_175 : i32
        %broadcast_in_dim3A = arith.constant 0.000000e+00 : f32
        %broadcast_in_dim3A_178 = vector.broadcast %broadcast_in_dim3A : f32 to vector<16xf32>
        %mul3A_179 = arith.constant 16 : i32
        %mul3A_180 = arith.muli %add3A_177, %mul3A_179 : i32
        %swap3A = arith.index_cast %add3A_167 : i32 to index
        %swap3A_181 = arith.index_cast %mul3A_180 : i32 to index
        %swap3A_182 = tpu.vector_load %arg12[%swap3A, %swap3A_181] {strides = array<i32>} : memref<64x128xf32, #tpu.memory_space<vmem>>, vector<1x16xf32>,
        %swap3A_183 = vector.shape_cast %swap3A_182 : vector<1x16xf32> to vector<16xf32>
        %swap3A_184 = vector.shape_cast %broadcast_in_dim3A_178 : vector<16xf32> to vector<1x16xf32>
        tpu.vector_store %arg12[%swap3A, %swap3A_181], %swap3A_184 {strides = array<i32>} : memref<64x128xf32, #tpu.memory_space<vmem>>, vector<1x16xf32>,
      }
      %scan3A_172 = arith.constant 8 : i32
    }
    %scan3A_45 = arith.constant 64 : i32
    %scan3A_46 = arith.constant 0 : i32
    %scan3A_47 = arith.constant 10 : i32
    %scan3A_48 = arith.addi %scan3A_46, %scan3A_47 : i32
    %scan3A_49 = arith.constant 1 : i32
    scf.for %scan3A_163 = %scan3A_46 to %scan3A_48 step %scan3A_49  : i32 {
      %mul3A_164 = arith.constant 1 : i32
      %mul3A_165 = arith.muli %scan3A_163, %mul3A_164 : i32
      %add3A_166 = arith.constant 0 : i32
      %add3A_167 = arith.addi %add3A_166, %mul3A_165 : i32
      %mul3A_168 = arith.constant 640 : i32
      %mul3A_169 = arith.muli %arg1, %mul3A_168 : i32
      %mul3A_170 = arith.constant 64 : i32
      %mul3A_171 = arith.muli %add3A_167, %mul3A_170 : i32
      %add3A_172 = arith.addi %mul3A_169, %mul3A_171 : i32
      "tpu.region"() ({
        %run_scoped3A = tpu.sem_alloc : memref<!tpu.dma_semaphore, #tpu.memory_space<semaphore_mem>>
        %dma_start3A_173 = arith.constant 0 : i32
        %dma_start3A_174 = tpu.memref_slice %arg13[%add3A_172, %dma_start3A_173] : memref<10240x128xf32, #tpu.memory_space<vmem_shared>> -> memref<64x128xf32, #tpu.memory_space<vmem_shared>>
        %dma_start3A_175 = arith.constant 0 : i32
        %dma_start3A_176 = tpu.memref_slice %arg13[%add3A_172, %dma_start3A_175] : memref<10240x128xf32, #tpu.memory_space<vmem_shared>> -> memref<64x128xf32, #tpu.memory_space<vmem_shared>>
        tpu.enqueue_dma source(%arg12 : memref<64x128xf32, #tpu.memory_space<vmem>>) target(%dma_start3A_176 : memref<64x128xf32, #tpu.memory_space<vmem_shared>>) target_semaphore(%run_scoped3A : memref<!tpu.dma_semaphore, #tpu.memory_space<semaphore_mem>>)
        %dma_wait3A_177 = arith.constant 0 : i32
        %dma_wait3A_178 = tpu.memref_slice %arg13[%add3A_172, %dma_wait3A_177] : memref<10240x128xf32, #tpu.memory_space<vmem_shared>> -> memref<64x128xf32, #tpu.memory_space<vmem_shared>>
        %dma_wait3A_179 = arith.constant 0 : i32
        %dma_wait3A_180 = tpu.memref_slice %arg13[%add3A_172, %dma_wait3A_179] : memref<10240x128xf32, #tpu.memory_space<vmem_shared>> -> memref<64x128xf32, #tpu.memory_space<vmem_shared>>
        tpu.wait_dma2 semaphore(%run_scoped3A : memref<!tpu.dma_semaphore, #tpu.memory_space<semaphore_mem>>) src(%arg12 : memref<64x128xf32, #tpu.memory_space<vmem>>) dst(%dma_wait3A_180 : memref<64x128xf32, #tpu.memory_space<vmem_shared>>)
        tpu.yield
      }) : () -> ()
    }
    %scan3A_50 = arith.constant 10 : i32
    %barrier3A = arith.constant 0 : index
    tpu.barrier barrier_id(%barrier3A)
    %scan3A_51 = arith.constant 0 : i32
    %scan3A_52 = arith.constant 128 : i32
    %scan3A_53 = arith.addi %scan3A_51, %scan3A_52 : i32
    %scan3A_54 = arith.constant 1 : i32
    scf.for %scan3A_163 = %scan3A_51 to %scan3A_53 step %scan3A_54  : i32 {
      %mul3A_164 = arith.constant 1 : i32
      %mul3A_165 = arith.muli %scan3A_163, %mul3A_164 : i32
      %add3A_166 = arith.constant 0 : i32
      %add3A_167 = arith.addi %add3A_166, %mul3A_165 : i32
      %scan3A_168 = arith.constant 0 : i32
      %scan3A_169 = arith.constant 8 : i32
      %scan3A_170 = arith.addi %scan3A_168, %scan3A_169 : i32
      %scan3A_171 = arith.constant 1 : i32
      scf.for %scan3A_173 = %scan3A_168 to %scan3A_170 step %scan3A_171  : i32 {
        %mul3A_174 = arith.constant 1 : i32
        %mul3A_175 = arith.muli %scan3A_173, %mul3A_174 : i32
        %add3A_176 = arith.constant 0 : i32
        %add3A_177 = arith.addi %add3A_176, %mul3A_175 : i32
        %broadcast_in_dim3A = arith.constant 1.000000e+00 : f32
        %broadcast_in_dim3A_178 = vector.broadcast %broadcast_in_dim3A : f32 to vector<16xf32>
        %mul3A_179 = arith.constant 16 : i32
        %mul3A_180 = arith.muli %add3A_177, %mul3A_179 : i32
        %swap3A = arith.index_cast %add3A_167 : i32 to index
        %swap3A_181 = arith.index_cast %mul3A_180 : i32 to index
        %swap3A_182 = tpu.vector_load %arg11[%swap3A, %swap3A_181] {strides = array<i32>} : memref<128x128xf32, #tpu.memory_space<vmem>>, vector<1x16xf32>,
        %swap3A_183 = vector.shape_cast %swap3A_182 : vector<1x16xf32> to vector<16xf32>
        %swap3A_184 = vector.shape_cast %broadcast_in_dim3A_178 : vector<16xf32> to vector<1x16xf32>
        tpu.vector_store %arg11[%swap3A, %swap3A_181], %swap3A_184 {strides = array<i32>} : memref<128x128xf32, #tpu.memory_space<vmem>>, vector<1x16xf32>,
      }
      %scan3A_172 = arith.constant 8 : i32
    }
    %scan3A_55 = arith.constant 128 : i32
    %scan3A_56 = arith.constant 0 : i32
    %scan3A_57 = arith.constant 20 : i32
    %scan3A_58 = arith.addi %scan3A_56, %scan3A_57 : i32
    %scan3A_59 = arith.constant 1 : i32
    scf.for %scan3A_163 = %scan3A_56 to %scan3A_58 step %scan3A_59  : i32 {
      %mul3A_164 = arith.constant 1 : i32
      %mul3A_165 = arith.muli %scan3A_163, %mul3A_164 : i32
      %add3A_166 = arith.constant 0 : i32
      %add3A_167 = arith.addi %add3A_166, %mul3A_165 : i32
      %dma_wait3A_168 = arith.constant 0 : i32
      %dma_wait3A_169 = arith.constant 0 : i32
      %dma_wait3A_170 = tpu.memref_slice %arg3[%mul3A_2, %dma_wait3A_168, %dma_wait3A_169] : memref<2560x2x128xi32, #tpu.memory_space<hbm>> -> memref<1x2x128xi32, #tpu.memory_space<hbm>>
      %dma_wait3A_171 = tpu.memref_squeeze %dma_wait3A_170 : memref<1x2x128xi32, #tpu.memory_space<hbm>> -> memref<2x128xi32, #tpu.memory_space<hbm>>
      %dma_wait3A_172 = arith.constant 0 : i32
      %dma_wait3A_173 = arith.constant 0 : i32
      %dma_wait3A_174 = tpu.memref_slice %arg3[%mul3A_2, %dma_wait3A_172, %dma_wait3A_173] : memref<2560x2x128xi32, #tpu.memory_space<hbm>> -> memref<1x2x128xi32, #tpu.memory_space<hbm>>
      %dma_wait3A_175 = tpu.memref_squeeze %dma_wait3A_174 : memref<1x2x128xi32, #tpu.memory_space<hbm>> -> memref<2x128xi32, #tpu.memory_space<hbm>>
      tpu.wait_dma2 semaphore(%arg14 : memref<!tpu.dma_semaphore, #tpu.memory_space<semaphore_mem>>) src(%dma_wait3A_175 : memref<2x128xi32, #tpu.memory_space<hbm>>) dst(%arg6 : memref<2x128xi32, #tpu.memory_space<vmem>>)
      %gt3A = arith.constant 0 : i32
      %gt3A_176 = arith.cmpi sgt, %add3A_167, %gt3A : i32
      %convert_element_type3A = arith.extui %gt3A_176 : i1 to i32
      %cond3A = arith.constant 0 : i32
      %cond3A_177 = arith.cmpi ne, %convert_element_type3A, %cond3A : i32
      scf.if %cond3A_177 {
        %dma_wait3A_258 = arith.constant 1 : i32
        %dma_wait3A_259 = arith.constant 0 : i32
        %dma_wait3A_260 = tpu.memref_slice %arg8[%dma_wait3A_258, %dma_wait3A_259] : memref<2x128xi32, #tpu.memory_space<vmem>> -> memref<1x128xi32, #tpu.memory_space<vmem>>
        %dma_wait3A_261 = tpu.memref_squeeze %dma_wait3A_260 : memref<1x128xi32, #tpu.memory_space<vmem>> -> memref<128xi32, #tpu.memory_space<vmem>>
        %dma_wait3A_262 = arith.constant 0 : i32
        %dma_wait3A_263 = arith.constant 0 : i32
        %dma_wait3A_264 = tpu.memref_slice %arg13[%dma_wait3A_262, %dma_wait3A_263] : memref<10240x128xf32, #tpu.memory_space<vmem_shared>> -> memref<10240x128xf32, #tpu.memory_space<vmem_shared>>
        tpu.wait_indirect_dma semaphore(%arg20 : memref<!tpu.dma_semaphore, #tpu.memory_space<semaphore_mem>>) src(%arg11 : memref<128x128xf32, #tpu.memory_space<vmem>>) dst(%dma_wait3A_264 : memref<10240x128xf32, #tpu.memory_space<vmem_shared>>)
        %mul3A_265 = arith.constant 4 : i32
        %mul3A_266 = arith.muli %mul3A_265, %add3A_167 : i32
        %add3A_267 = arith.constant 0 : i32
        %add3A_268 = arith.addi %mul3A_266, %add3A_267 : i32
        %add3A_269 = arith.constant 2 : i32
        %add3A_270 = arith.addi %add3A_268, %add3A_269 : i32
        %add3A_271 = arith.addi %mul3A_2, %add3A_270 : i32
        %dma_start3A_272 = arith.constant 0 : i32
        %dma_start3A_273 = arith.constant 0 : i32
        %dma_start3A_274 = tpu.memref_slice %arg3[%add3A_271, %dma_start3A_272, %dma_start3A_273] : memref<2560x2x128xi32, #tpu.memory_space<hbm>> -> memref<1x2x128xi32, #tpu.memory_space<hbm>>
        %dma_start3A_275 = tpu.memref_squeeze %dma_start3A_274 : memref<1x2x128xi32, #tpu.memory_space<hbm>> -> memref<2x128xi32, #tpu.memory_space<hbm>>
        %dma_start3A_276 = arith.constant 0 : i32
        %dma_start3A_277 = arith.constant 0 : i32
        %dma_start3A_278 = tpu.memref_slice %arg3[%add3A_271, %dma_start3A_276, %dma_start3A_277] : memref<2560x2x128xi32, #tpu.memory_space<hbm>> -> memref<1x2x128xi32, #tpu.memory_space<hbm>>
        %dma_start3A_279 = tpu.memref_squeeze %dma_start3A_278 : memref<1x2x128xi32, #tpu.memory_space<hbm>> -> memref<2x128xi32, #tpu.memory_space<hbm>>
        tpu.enqueue_dma source(%dma_start3A_279 : memref<2x128xi32, #tpu.memory_space<hbm>>) target(%arg8 : memref<2x128xi32, #tpu.memory_space<vmem>>) target_semaphore(%arg16 : memref<!tpu.dma_semaphore, #tpu.memory_space<semaphore_mem>>)
      } else {
      }
      %dma_start3A_178 = arith.constant 1 : i32
      %dma_start3A_179 = arith.constant 0 : i32
      %dma_start3A_180 = tpu.memref_slice %arg6[%dma_start3A_178, %dma_start3A_179] : memref<2x128xi32, #tpu.memory_space<vmem>> -> memref<1x128xi32, #tpu.memory_space<vmem>>
      %dma_start3A_181 = tpu.memref_squeeze %dma_start3A_180 : memref<1x128xi32, #tpu.memory_space<vmem>> -> memref<128xi32, #tpu.memory_space<vmem>>
      %dma_start3A_182 = arith.constant 0 : i32
      %dma_start3A_183 = arith.constant 0 : i32
      %dma_start3A_184 = tpu.memref_slice %arg13[%dma_start3A_182, %dma_start3A_183] : memref<10240x128xf32, #tpu.memory_space<vmem_shared>> -> memref<10240x128xf32, #tpu.memory_space<vmem_shared>>
      tpu.enqueue_indirect_dma source(%arg11 : memref<128x128xf32, #tpu.memory_space<vmem>>) target(%dma_start3A_184 : memref<10240x128xf32, #tpu.memory_space<vmem_shared>>) offsets(%dma_start3A_181 : memref<128xi32, #tpu.memory_space<vmem>>) semaphore(%arg20 : memref<!tpu.dma_semaphore, #tpu.memory_space<semaphore_mem>>) {add = true}
      %dma_wait3A_185 = arith.constant 0 : i32
      %dma_wait3A_186 = arith.constant 0 : i32
      %dma_wait3A_187 = tpu.memref_slice %arg3[%mul3A_2, %dma_wait3A_185, %dma_wait3A_186] : memref<2560x2x128xi32, #tpu.memory_space<hbm>> -> memref<1x2x128xi32, #tpu.memory_space<hbm>>
      %dma_wait3A_188 = tpu.memref_squeeze %dma_wait3A_187 : memref<1x2x128xi32, #tpu.memory_space<hbm>> -> memref<2x128xi32, #tpu.memory_space<hbm>>
      %dma_wait3A_189 = arith.constant 0 : i32
      %dma_wait3A_190 = arith.constant 0 : i32
      %dma_wait3A_191 = tpu.memref_slice %arg3[%mul3A_2, %dma_wait3A_189, %dma_wait3A_190] : memref<2560x2x128xi32, #tpu.memory_space<hbm>> -> memref<1x2x128xi32, #tpu.memory_space<hbm>>
      %dma_wait3A_192 = tpu.memref_squeeze %dma_wait3A_191 : memref<1x2x128xi32, #tpu.memory_space<hbm>> -> memref<2x128xi32, #tpu.memory_space<hbm>>
      tpu.wait_dma2 semaphore(%arg15 : memref<!tpu.dma_semaphore, #tpu.memory_space<semaphore_mem>>) src(%dma_wait3A_192 : memref<2x128xi32, #tpu.memory_space<hbm>>) dst(%arg7 : memref<2x128xi32, #tpu.memory_space<vmem>>)
      %gt3A_193 = arith.constant 0 : i32
      %gt3A_194 = arith.cmpi sgt, %add3A_167, %gt3A_193 : i32
      %convert_element_type3A_195 = arith.extui %gt3A_194 : i1 to i32
      %cond3A_196 = arith.constant 0 : i32
      %cond3A_197 = arith.cmpi ne, %convert_element_type3A_195, %cond3A_196 : i32
      scf.if %cond3A_197 {
        %dma_wait3A_258 = arith.constant 1 : i32
        %dma_wait3A_259 = arith.constant 0 : i32
        %dma_wait3A_260 = tpu.memref_slice %arg9[%dma_wait3A_258, %dma_wait3A_259] : memref<2x128xi32, #tpu.memory_space<vmem>> -> memref<1x128xi32, #tpu.memory_space<vmem>>
        %dma_wait3A_261 = tpu.memref_squeeze %dma_wait3A_260 : memref<1x128xi32, #tpu.memory_space<vmem>> -> memref<128xi32, #tpu.memory_space<vmem>>
        %dma_wait3A_262 = arith.constant 0 : i32
        %dma_wait3A_263 = arith.constant 0 : i32
        %dma_wait3A_264 = tpu.memref_slice %arg13[%dma_wait3A_262, %dma_wait3A_263] : memref<10240x128xf32, #tpu.memory_space<vmem_shared>> -> memref<10240x128xf32, #tpu.memory_space<vmem_shared>>
        tpu.wait_indirect_dma semaphore(%arg21 : memref<!tpu.dma_semaphore, #tpu.memory_space<semaphore_mem>>) src(%arg11 : memref<128x128xf32, #tpu.memory_space<vmem>>) dst(%dma_wait3A_264 : memref<10240x128xf32, #tpu.memory_space<vmem_shared>>)
        %mul3A_265 = arith.constant 4 : i32
        %mul3A_266 = arith.muli %mul3A_265, %add3A_167 : i32
        %add3A_267 = arith.constant 1 : i32
        %add3A_268 = arith.addi %mul3A_266, %add3A_267 : i32
        %add3A_269 = arith.constant 2 : i32
        %add3A_270 = arith.addi %add3A_268, %add3A_269 : i32
        %add3A_271 = arith.addi %mul3A_2, %add3A_270 : i32
        %dma_start3A_272 = arith.constant 0 : i32
        %dma_start3A_273 = arith.constant 0 : i32
        %dma_start3A_274 = tpu.memref_slice %arg3[%add3A_271, %dma_start3A_272, %dma_start3A_273] : memref<2560x2x128xi32, #tpu.memory_space<hbm>> -> memref<1x2x128xi32, #tpu.memory_space<hbm>>
        %dma_start3A_275 = tpu.memref_squeeze %dma_start3A_274 : memref<1x2x128xi32, #tpu.memory_space<hbm>> -> memref<2x128xi32, #tpu.memory_space<hbm>>
        %dma_start3A_276 = arith.constant 0 : i32
        %dma_start3A_277 = arith.constant 0 : i32
        %dma_start3A_278 = tpu.memref_slice %arg3[%add3A_271, %dma_start3A_276, %dma_start3A_277] : memref<2560x2x128xi32, #tpu.memory_space<hbm>> -> memref<1x2x128xi32, #tpu.memory_space<hbm>>
        %dma_start3A_279 = tpu.memref_squeeze %dma_start3A_278 : memref<1x2x128xi32, #tpu.memory_space<hbm>> -> memref<2x128xi32, #tpu.memory_space<hbm>>
        tpu.enqueue_dma source(%dma_start3A_279 : memref<2x128xi32, #tpu.memory_space<hbm>>) target(%arg9 : memref<2x128xi32, #tpu.memory_space<vmem>>) target_semaphore(%arg17 : memref<!tpu.dma_semaphore, #tpu.memory_space<semaphore_mem>>)
      } else {
      }
      %dma_start3A_198 = arith.constant 1 : i32
      %dma_start3A_199 = arith.constant 0 : i32
      %dma_start3A_200 = tpu.memref_slice %arg7[%dma_start3A_198, %dma_start3A_199] : memref<2x128xi32, #tpu.memory_space<vmem>> -> memref<1x128xi32, #tpu.memory_space<vmem>>
      %dma_start3A_201 = tpu.memref_squeeze %dma_start3A_200 : memref<1x128xi32, #tpu.memory_space<vmem>> -> memref<128xi32, #tpu.memory_space<vmem>>
      %dma_start3A_202 = arith.constant 0 : i32
      %dma_start3A_203 = arith.constant 0 : i32
      %dma_start3A_204 = tpu.memref_slice %arg13[%dma_start3A_202, %dma_start3A_203] : memref<10240x128xf32, #tpu.memory_space<vmem_shared>> -> memref<10240x128xf32, #tpu.memory_space<vmem_shared>>
      tpu.enqueue_indirect_dma source(%arg11 : memref<128x128xf32, #tpu.memory_space<vmem>>) target(%dma_start3A_204 : memref<10240x128xf32, #tpu.memory_space<vmem_shared>>) offsets(%dma_start3A_201 : memref<128xi32, #tpu.memory_space<vmem>>) semaphore(%arg21 : memref<!tpu.dma_semaphore, #tpu.memory_space<semaphore_mem>>) {add = true}
      %dma_wait3A_205 = arith.constant 0 : i32
      %dma_wait3A_206 = arith.constant 0 : i32
      %dma_wait3A_207 = tpu.memref_slice %arg3[%mul3A_2, %dma_wait3A_205, %dma_wait3A_206] : memref<2560x2x128xi32, #tpu.memory_space<hbm>> -> memref<1x2x128xi32, #tpu.memory_space<hbm>>
      %dma_wait3A_208 = tpu.memref_squeeze %dma_wait3A_207 : memref<1x2x128xi32, #tpu.memory_space<hbm>> -> memref<2x128xi32, #tpu.memory_space<hbm>>
      %dma_wait3A_209 = arith.constant 0 : i32
      %dma_wait3A_210 = arith.constant 0 : i32
      %dma_wait3A_211 = tpu.memref_slice %arg3[%mul3A_2, %dma_wait3A_209, %dma_wait3A_210] : memref<2560x2x128xi32, #tpu.memory_space<hbm>> -> memref<1x2x128xi32, #tpu.memory_space<hbm>>
      %dma_wait3A_212 = tpu.memref_squeeze %dma_wait3A_211 : memref<1x2x128xi32, #tpu.memory_space<hbm>> -> memref<2x128xi32, #tpu.memory_space<hbm>>
      tpu.wait_dma2 semaphore(%arg16 : memref<!tpu.dma_semaphore, #tpu.memory_space<semaphore_mem>>) src(%dma_wait3A_212 : memref<2x128xi32, #tpu.memory_space<hbm>>) dst(%arg8 : memref<2x128xi32, #tpu.memory_space<vmem>>)
      %dma_wait3A_213 = arith.constant 1 : i32
      %dma_wait3A_214 = arith.constant 0 : i32
      %dma_wait3A_215 = tpu.memref_slice %arg6[%dma_wait3A_213, %dma_wait3A_214] : memref<2x128xi32, #tpu.memory_space<vmem>> -> memref<1x128xi32, #tpu.memory_space<vmem>>
      %dma_wait3A_216 = tpu.memref_squeeze %dma_wait3A_215 : memref<1x128xi32, #tpu.memory_space<vmem>> -> memref<128xi32, #tpu.memory_space<vmem>>
      %dma_wait3A_217 = arith.constant 0 : i32
      %dma_wait3A_218 = arith.constant 0 : i32
      %dma_wait3A_219 = tpu.memref_slice %arg13[%dma_wait3A_217, %dma_wait3A_218] : memref<10240x128xf32, #tpu.memory_space<vmem_shared>> -> memref<10240x128xf32, #tpu.memory_space<vmem_shared>>
      tpu.wait_indirect_dma semaphore(%arg20 : memref<!tpu.dma_semaphore, #tpu.memory_space<semaphore_mem>>) src(%arg11 : memref<128x128xf32, #tpu.memory_space<vmem>>) dst(%dma_wait3A_219 : memref<10240x128xf32, #tpu.memory_space<vmem_shared>>)
      %lt3A = arith.constant 19 : i32
      %lt3A_220 = arith.cmpi slt, %add3A_167, %lt3A : i32
      %convert_element_type3A_221 = arith.extui %lt3A_220 : i1 to i32
      %cond3A_222 = arith.constant 0 : i32
      %cond3A_223 = arith.cmpi ne, %convert_element_type3A_221, %cond3A_222 : i32
      scf.if %cond3A_223 {
        %mul3A_258 = arith.constant 4 : i32
        %mul3A_259 = arith.muli %mul3A_258, %add3A_167 : i32
        %add3A_260 = arith.constant 2 : i32
        %add3A_261 = arith.addi %mul3A_259, %add3A_260 : i32
        %add3A_262 = arith.constant 2 : i32
        %add3A_263 = arith.addi %add3A_261, %add3A_262 : i32
        %add3A_264 = arith.addi %mul3A_2, %add3A_263 : i32
        %dma_start3A_265 = arith.constant 0 : i32
        %dma_start3A_266 = arith.constant 0 : i32
        %dma_start3A_267 = tpu.memref_slice %arg3[%add3A_264, %dma_start3A_265, %dma_start3A_266] : memref<2560x2x128xi32, #tpu.memory_space<hbm>> -> memref<1x2x128xi32, #tpu.memory_space<hbm>>
        %dma_start3A_268 = tpu.memref_squeeze %dma_start3A_267 : memref<1x2x128xi32, #tpu.memory_space<hbm>> -> memref<2x128xi32, #tpu.memory_space<hbm>>
        %dma_start3A_269 = arith.constant 0 : i32
        %dma_start3A_270 = arith.constant 0 : i32
        %dma_start3A_271 = tpu.memref_slice %arg3[%add3A_264, %dma_start3A_269, %dma_start3A_270] : memref<2560x2x128xi32, #tpu.memory_space<hbm>> -> memref<1x2x128xi32, #tpu.memory_space<hbm>>
        %dma_start3A_272 = tpu.memref_squeeze %dma_start3A_271 : memref<1x2x128xi32, #tpu.memory_space<hbm>> -> memref<2x128xi32, #tpu.memory_space<hbm>>
        tpu.enqueue_dma source(%dma_start3A_272 : memref<2x128xi32, #tpu.memory_space<hbm>>) target(%arg6 : memref<2x128xi32, #tpu.memory_space<vmem>>) target_semaphore(%arg14 : memref<!tpu.dma_semaphore, #tpu.memory_space<semaphore_mem>>)
      } else {
      }
      %dma_start3A_224 = arith.constant 1 : i32
      %dma_start3A_225 = arith.constant 0 : i32
      %dma_start3A_226 = tpu.memref_slice %arg8[%dma_start3A_224, %dma_start3A_225] : memref<2x128xi32, #tpu.memory_space<vmem>> -> memref<1x128xi32, #tpu.memory_space<vmem>>
      %dma_start3A_227 = tpu.memref_squeeze %dma_start3A_226 : memref<1x128xi32, #tpu.memory_space<vmem>> -> memref<128xi32, #tpu.memory_space<vmem>>
      %dma_start3A_228 = arith.constant 0 : i32
      %dma_start3A_229 = arith.constant 0 : i32
      %dma_start3A_230 = tpu.memref_slice %arg13[%dma_start3A_228, %dma_start3A_229] : memref<10240x128xf32, #tpu.memory_space<vmem_shared>> -> memref<10240x128xf32, #tpu.memory_space<vmem_shared>>
      tpu.enqueue_indirect_dma source(%arg11 : memref<128x128xf32, #tpu.memory_space<vmem>>) target(%dma_start3A_230 : memref<10240x128xf32, #tpu.memory_space<vmem_shared>>) offsets(%dma_start3A_227 : memref<128xi32, #tpu.memory_space<vmem>>) semaphore(%arg20 : memref<!tpu.dma_semaphore, #tpu.memory_space<semaphore_mem>>) {add = true}
      %dma_wait3A_231 = arith.constant 0 : i32
      %dma_wait3A_232 = arith.constant 0 : i32
      %dma_wait3A_233 = tpu.memref_slice %arg3[%mul3A_2, %dma_wait3A_231, %dma_wait3A_232] : memref<2560x2x128xi32, #tpu.memory_space<hbm>> -> memref<1x2x128xi32, #tpu.memory_space<hbm>>
      %dma_wait3A_234 = tpu.memref_squeeze %dma_wait3A_233 : memref<1x2x128xi32, #tpu.memory_space<hbm>> -> memref<2x128xi32, #tpu.memory_space<hbm>>
      %dma_wait3A_235 = arith.constant 0 : i32
      %dma_wait3A_236 = arith.constant 0 : i32
      %dma_wait3A_237 = tpu.memref_slice %arg3[%mul3A_2, %dma_wait3A_235, %dma_wait3A_236] : memref<2560x2x128xi32, #tpu.memory_space<hbm>> -> memref<1x2x128xi32, #tpu.memory_space<hbm>>
      %dma_wait3A_238 = tpu.memref_squeeze %dma_wait3A_237 : memref<1x2x128xi32, #tpu.memory_space<hbm>> -> memref<2x128xi32, #tpu.memory_space<hbm>>
      tpu.wait_dma2 semaphore(%arg17 : memref<!tpu.dma_semaphore, #tpu.memory_space<semaphore_mem>>) src(%dma_wait3A_238 : memref<2x128xi32, #tpu.memory_space<hbm>>) dst(%arg9 : memref<2x128xi32, #tpu.memory_space<vmem>>)
      %dma_wait3A_239 = arith.constant 1 : i32
      %dma_wait3A_240 = arith.constant 0 : i32
      %dma_wait3A_241 = tpu.memref_slice %arg7[%dma_wait3A_239, %dma_wait3A_240] : memref<2x128xi32, #tpu.memory_space<vmem>> -> memref<1x128xi32, #tpu.memory_space<vmem>>
      %dma_wait3A_242 = tpu.memref_squeeze %dma_wait3A_241 : memref<1x128xi32, #tpu.memory_space<vmem>> -> memref<128xi32, #tpu.memory_space<vmem>>
      %dma_wait3A_243 = arith.constant 0 : i32
      %dma_wait3A_244 = arith.constant 0 : i32
      %dma_wait3A_245 = tpu.memref_slice %arg13[%dma_wait3A_243, %dma_wait3A_244] : memref<10240x128xf32, #tpu.memory_space<vmem_shared>> -> memref<10240x128xf32, #tpu.memory_space<vmem_shared>>
      tpu.wait_indirect_dma semaphore(%arg21 : memref<!tpu.dma_semaphore, #tpu.memory_space<semaphore_mem>>) src(%arg11 : memref<128x128xf32, #tpu.memory_space<vmem>>) dst(%dma_wait3A_245 : memref<10240x128xf32, #tpu.memory_space<vmem_shared>>)
      %lt3A_246 = arith.constant 19 : i32
      %lt3A_247 = arith.cmpi slt, %add3A_167, %lt3A_246 : i32
      %convert_element_type3A_248 = arith.extui %lt3A_247 : i1 to i32
      %cond3A_249 = arith.constant 0 : i32
      %cond3A_250 = arith.cmpi ne, %convert_element_type3A_248, %cond3A_249 : i32
      scf.if %cond3A_250 {
        %mul3A_258 = arith.constant 4 : i32
        %mul3A_259 = arith.muli %mul3A_258, %add3A_167 : i32
        %add3A_260 = arith.constant 3 : i32
        %add3A_261 = arith.addi %mul3A_259, %add3A_260 : i32
        %add3A_262 = arith.constant 2 : i32
        %add3A_263 = arith.addi %add3A_261, %add3A_262 : i32
        %add3A_264 = arith.addi %mul3A_2, %add3A_263 : i32
        %dma_start3A_265 = arith.constant 0 : i32
        %dma_start3A_266 = arith.constant 0 : i32
        %dma_start3A_267 = tpu.memref_slice %arg3[%add3A_264, %dma_start3A_265, %dma_start3A_266] : memref<2560x2x128xi32, #tpu.memory_space<hbm>> -> memref<1x2x128xi32, #tpu.memory_space<hbm>>
        %dma_start3A_268 = tpu.memref_squeeze %dma_start3A_267 : memref<1x2x128xi32, #tpu.memory_space<hbm>> -> memref<2x128xi32, #tpu.memory_space<hbm>>
        %dma_start3A_269 = arith.constant 0 : i32
        %dma_start3A_270 = arith.constant 0 : i32
        %dma_start3A_271 = tpu.memref_slice %arg3[%add3A_264, %dma_start3A_269, %dma_start3A_270] : memref<2560x2x128xi32, #tpu.memory_space<hbm>> -> memref<1x2x128xi32, #tpu.memory_space<hbm>>
        %dma_start3A_272 = tpu.memref_squeeze %dma_start3A_271 : memref<1x2x128xi32, #tpu.memory_space<hbm>> -> memref<2x128xi32, #tpu.memory_space<hbm>>
        tpu.enqueue_dma source(%dma_start3A_272 : memref<2x128xi32, #tpu.memory_space<hbm>>) target(%arg7 : memref<2x128xi32, #tpu.memory_space<vmem>>) target_semaphore(%arg15 : memref<!tpu.dma_semaphore, #tpu.memory_space<semaphore_mem>>)
      } else {
      }
      %dma_start3A_251 = arith.constant 1 : i32
      %dma_start3A_252 = arith.constant 0 : i32
      %dma_start3A_253 = tpu.memref_slice %arg9[%dma_start3A_251, %dma_start3A_252] : memref<2x128xi32, #tpu.memory_space<vmem>> -> memref<1x128xi32, #tpu.memory_space<vmem>>
      %dma_start3A_254 = tpu.memref_squeeze %dma_start3A_253 : memref<1x128xi32, #tpu.memory_space<vmem>> -> memref<128xi32, #tpu.memory_space<vmem>>
      %dma_start3A_255 = arith.constant 0 : i32
      %dma_start3A_256 = arith.constant 0 : i32
      %dma_start3A_257 = tpu.memref_slice %arg13[%dma_start3A_255, %dma_start3A_256] : memref<10240x128xf32, #tpu.memory_space<vmem_shared>> -> memref<10240x128xf32, #tpu.memory_space<vmem_shared>>
      tpu.enqueue_indirect_dma source(%arg11 : memref<128x128xf32, #tpu.memory_space<vmem>>) target(%dma_start3A_257 : memref<10240x128xf32, #tpu.memory_space<vmem_shared>>) offsets(%dma_start3A_254 : memref<128xi32, #tpu.memory_space<vmem>>) semaphore(%arg21 : memref<!tpu.dma_semaphore, #tpu.memory_space<semaphore_mem>>) {add = true}
    }
    %scan3A_60 = arith.constant 20 : i32
    %dma_wait3A = arith.constant 1 : i32
    %dma_wait3A_61 = arith.constant 0 : i32
    %dma_wait3A_62 = tpu.memref_slice %arg8[%dma_wait3A, %dma_wait3A_61] : memref<2x128xi32, #tpu.memory_space<vmem>> -> memref<1x128xi32, #tpu.memory_space<vmem>>
    %dma_wait3A_63 = tpu.memref_squeeze %dma_wait3A_62 : memref<1x128xi32, #tpu.memory_space<vmem>> -> memref<128xi32, #tpu.memory_space<vmem>>
    %dma_wait3A_64 = arith.constant 0 : i32
    %dma_wait3A_65 = arith.constant 0 : i32
    %dma_wait3A_66 = tpu.memref_slice %arg13[%dma_wait3A_64, %dma_wait3A_65] : memref<10240x128xf32, #tpu.memory_space<vmem_shared>> -> memref<10240x128xf32, #tpu.memory_space<vmem_shared>>
    tpu.wait_indirect_dma semaphore(%arg20 : memref<!tpu.dma_semaphore, #tpu.memory_space<semaphore_mem>>) src(%arg11 : memref<128x128xf32, #tpu.memory_space<vmem>>) dst(%dma_wait3A_66 : memref<10240x128xf32, #tpu.memory_space<vmem_shared>>)
    %dma_wait3A_67 = arith.constant 1 : i32
    %dma_wait3A_68 = arith.constant 0 : i32
    %dma_wait3A_69 = tpu.memref_slice %arg9[%dma_wait3A_67, %dma_wait3A_68] : memref<2x128xi32, #tpu.memory_space<vmem>> -> memref<1x128xi32, #tpu.memory_space<vmem>>
    %dma_wait3A_70 = tpu.memref_squeeze %dma_wait3A_69 : memref<1x128xi32, #tpu.memory_space<vmem>> -> memref<128xi32, #tpu.memory_space<vmem>>
    %dma_wait3A_71 = arith.constant 0 : i32
    %dma_wait3A_72 = arith.constant 0 : i32
    %dma_wait3A_73 = tpu.memref_slice %arg13[%dma_wait3A_71, %dma_wait3A_72] : memref<10240x128xf32, #tpu.memory_space<vmem_shared>> -> memref<10240x128xf32, #tpu.memory_space<vmem_shared>>
    tpu.wait_indirect_dma semaphore(%arg21 : memref<!tpu.dma_semaphore, #tpu.memory_space<semaphore_mem>>) src(%arg11 : memref<128x128xf32, #tpu.memory_space<vmem>>) dst(%dma_wait3A_73 : memref<10240x128xf32, #tpu.memory_space<vmem_shared>>)
    %barrier3A_74 = arith.constant 0 : index
    tpu.barrier barrier_id(%barrier3A_74)
    %mul3A_75 = arith.constant 640 : i32
    %mul3A_76 = arith.muli %arg1, %mul3A_75 : i32
    %mul3A_77 = arith.constant 640 : i32
    %mul3A_78 = arith.muli %arg1, %mul3A_77 : i32
    "tpu.region"() ({
      %run_scoped3A = tpu.sem_alloc : memref<!tpu.dma_semaphore, #tpu.memory_space<semaphore_mem>>
      %dma_start3A_163 = arith.constant 0 : i32
      %dma_start3A_164 = tpu.memref_slice %arg4[%arg0, %mul3A_78, %dma_start3A_163] : memref<2x10240x128xf32, #tpu.memory_space<hbm>> -> memref<1x640x128xf32, #tpu.memory_space<hbm>>
      %dma_start3A_165 = tpu.memref_squeeze %dma_start3A_164 : memref<1x640x128xf32, #tpu.memory_space<hbm>> -> memref<640x128xf32, #tpu.memory_space<hbm>>
      %dma_start3A_166 = arith.constant 0 : i32
      %dma_start3A_167 = tpu.memref_slice %arg13[%mul3A_76, %dma_start3A_166] : memref<10240x128xf32, #tpu.memory_space<vmem_shared>> -> memref<640x128xf32, #tpu.memory_space<vmem_shared>>
      tpu.enqueue_dma source(%dma_start3A_167 : memref<640x128xf32, #tpu.memory_space<vmem_shared>>) target(%dma_start3A_165 : memref<640x128xf32, #tpu.memory_space<hbm>>) target_semaphore(%run_scoped3A : memref<!tpu.dma_semaphore, #tpu.memory_space<semaphore_mem>>)
      %dma_wait3A_168 = arith.constant 0 : i32
      %dma_wait3A_169 = tpu.memref_slice %arg4[%arg0, %mul3A_78, %dma_wait3A_168] : memref<2x10240x128xf32, #tpu.memory_space<hbm>> -> memref<1x640x128xf32, #tpu.memory_space<hbm>>
      %dma_wait3A_170 = tpu.memref_squeeze %dma_wait3A_169 : memref<1x640x128xf32, #tpu.memory_space<hbm>> -> memref<640x128xf32, #tpu.memory_space<hbm>>
      %dma_wait3A_171 = arith.constant 0 : i32
      %dma_wait3A_172 = tpu.memref_slice %arg13[%mul3A_76, %dma_wait3A_171] : memref<10240x128xf32, #tpu.memory_space<vmem_shared>> -> memref<640x128xf32, #tpu.memory_space<vmem_shared>>
      tpu.wait_dma2 semaphore(%run_scoped3A : memref<!tpu.dma_semaphore, #tpu.memory_space<semaphore_mem>>) src(%dma_wait3A_172 : memref<640x128xf32, #tpu.memory_space<vmem_shared>>) dst(%dma_wait3A_170 : memref<640x128xf32, #tpu.memory_space<hbm>>)
      tpu.yield
    }) : () -> ()
    %scan3A_79 = arith.constant 0 : i32
    %scan3A_80 = arith.constant 10 : i32
    %scan3A_81 = arith.addi %scan3A_79, %scan3A_80 : i32
    %scan3A_82 = arith.constant 1 : i32
    scf.for %scan3A_163 = %scan3A_79 to %scan3A_81 step %scan3A_82  : i32 {
      %mul3A_164 = arith.constant 1 : i32
      %mul3A_165 = arith.muli %scan3A_163, %mul3A_164 : i32
      %add3A_166 = arith.constant 0 : i32
      %add3A_167 = arith.addi %add3A_166, %mul3A_165 : i32
      %mul3A_168 = arith.constant 640 : i32
      %mul3A_169 = arith.muli %arg1, %mul3A_168 : i32
      %mul3A_170 = arith.constant 64 : i32
      %mul3A_171 = arith.muli %add3A_167, %mul3A_170 : i32
      %add3A_172 = arith.addi %mul3A_169, %mul3A_171 : i32
      "tpu.region"() ({
        %run_scoped3A = tpu.sem_alloc : memref<!tpu.dma_semaphore, #tpu.memory_space<semaphore_mem>>
        %dma_start3A_173 = arith.constant 0 : i32
        %dma_start3A_174 = tpu.memref_slice %arg13[%add3A_172, %dma_start3A_173] : memref<10240x128xf32, #tpu.memory_space<vmem_shared>> -> memref<64x128xf32, #tpu.memory_space<vmem_shared>>
        %dma_start3A_175 = arith.constant 0 : i32
        %dma_start3A_176 = tpu.memref_slice %arg13[%add3A_172, %dma_start3A_175] : memref<10240x128xf32, #tpu.memory_space<vmem_shared>> -> memref<64x128xf32, #tpu.memory_space<vmem_shared>>
        tpu.enqueue_dma source(%arg12 : memref<64x128xf32, #tpu.memory_space<vmem>>) target(%dma_start3A_176 : memref<64x128xf32, #tpu.memory_space<vmem_shared>>) target_semaphore(%run_scoped3A : memref<!tpu.dma_semaphore, #tpu.memory_space<semaphore_mem>>)
        %dma_wait3A_177 = arith.constant 0 : i32
        %dma_wait3A_178 = tpu.memref_slice %arg13[%add3A_172, %dma_wait3A_177] : memref<10240x128xf32, #tpu.memory_space<vmem_shared>> -> memref<64x128xf32, #tpu.memory_space<vmem_shared>>
        %dma_wait3A_179 = arith.constant 0 : i32
        %dma_wait3A_180 = tpu.memref_slice %arg13[%add3A_172, %dma_wait3A_179] : memref<10240x128xf32, #tpu.memory_space<vmem_shared>> -> memref<64x128xf32, #tpu.memory_space<vmem_shared>>
        tpu.wait_dma2 semaphore(%run_scoped3A : memref<!tpu.dma_semaphore, #tpu.memory_space<semaphore_mem>>) src(%arg12 : memref<64x128xf32, #tpu.memory_space<vmem>>) dst(%dma_wait3A_180 : memref<64x128xf32, #tpu.memory_space<vmem_shared>>)
        tpu.yield
      }) : () -> ()
    }
    %scan3A_83 = arith.constant 10 : i32
    %barrier3A_84 = arith.constant 0 : index
    tpu.barrier barrier_id(%barrier3A_84)
    %add3A_85 = arith.constant 0 : i32
    %add3A_86 = arith.addi %mul3A_2, %add3A_85 : i32
    %dma_start3A_87 = arith.constant 0 : i32
    %dma_start3A_88 = arith.constant 0 : i32
    %dma_start3A_89 = tpu.memref_slice %arg3[%add3A_86, %dma_start3A_87, %dma_start3A_88] : memref<2560x2x128xi32, #tpu.memory_space<hbm>> -> memref<1x2x128xi32, #tpu.memory_space<hbm>>
    %dma_start3A_90 = tpu.memref_squeeze %dma_start3A_89 : memref<1x2x128xi32, #tpu.memory_space<hbm>> -> memref<2x128xi32, #tpu.memory_space<hbm>>
    %dma_start3A_91 = arith.constant 0 : i32
    %dma_start3A_92 = arith.constant 0 : i32
    %dma_start3A_93 = tpu.memref_slice %arg3[%add3A_86, %dma_start3A_91, %dma_start3A_92] : memref<2560x2x128xi32, #tpu.memory_space<hbm>> -> memref<1x2x128xi32, #tpu.memory_space<hbm>>
    %dma_start3A_94 = tpu.memref_squeeze %dma_start3A_93 : memref<1x2x128xi32, #tpu.memory_space<hbm>> -> memref<2x128xi32, #tpu.memory_space<hbm>>
    tpu.enqueue_dma source(%dma_start3A_94 : memref<2x128xi32, #tpu.memory_space<hbm>>) target(%arg6 : memref<2x128xi32, #tpu.memory_space<vmem>>) target_semaphore(%arg14 : memref<!tpu.dma_semaphore, #tpu.memory_space<semaphore_mem>>)
    %add3A_95 = arith.constant 1 : i32
    %add3A_96 = arith.addi %mul3A_2, %add3A_95 : i32
    %dma_start3A_97 = arith.constant 0 : i32
    %dma_start3A_98 = arith.constant 0 : i32
    %dma_start3A_99 = tpu.memref_slice %arg3[%add3A_96, %dma_start3A_97, %dma_start3A_98] : memref<2560x2x128xi32, #tpu.memory_space<hbm>> -> memref<1x2x128xi32, #tpu.memory_space<hbm>>
    %dma_start3A_100 = tpu.memref_squeeze %dma_start3A_99 : memref<1x2x128xi32, #tpu.memory_space<hbm>> -> memref<2x128xi32, #tpu.memory_space<hbm>>
    %dma_start3A_101 = arith.constant 0 : i32
    %dma_start3A_102 = arith.constant 0 : i32
    %dma_start3A_103 = tpu.memref_slice %arg3[%add3A_96, %dma_start3A_101, %dma_start3A_102] : memref<2560x2x128xi32, #tpu.memory_space<hbm>> -> memref<1x2x128xi32, #tpu.memory_space<hbm>>
    %dma_start3A_104 = tpu.memref_squeeze %dma_start3A_103 : memref<1x2x128xi32, #tpu.memory_space<hbm>> -> memref<2x128xi32, #tpu.memory_space<hbm>>
    tpu.enqueue_dma source(%dma_start3A_104 : memref<2x128xi32, #tpu.memory_space<hbm>>) target(%arg7 : memref<2x128xi32, #tpu.memory_space<vmem>>) target_semaphore(%arg15 : memref<!tpu.dma_semaphore, #tpu.memory_space<semaphore_mem>>)
    %add3A_105 = arith.constant 2 : i32
    %add3A_106 = arith.addi %mul3A_2, %add3A_105 : i32
    %dma_start3A_107 = arith.constant 0 : i32
    %dma_start3A_108 = arith.constant 0 : i32
    %dma_start3A_109 = tpu.memref_slice %arg3[%add3A_106, %dma_start3A_107, %dma_start3A_108] : memref<2560x2x128xi32, #tpu.memory_space<hbm>> -> memref<1x2x128xi32, #tpu.memory_space<hbm>>
    %dma_start3A_110 = tpu.memref_squeeze %dma_start3A_109 : memref<1x2x128xi32, #tpu.memory_space<hbm>> -> memref<2x128xi32, #tpu.memory_space<hbm>>
    %dma_start3A_111 = arith.constant 0 : i32
    %dma_start3A_112 = arith.constant 0 : i32
    %dma_start3A_113 = tpu.memref_slice %arg3[%add3A_106, %dma_start3A_111, %dma_start3A_112] : memref<2560x2x128xi32, #tpu.memory_space<hbm>> -> memref<1x2x128xi32, #tpu.memory_space<hbm>>
    %dma_start3A_114 = tpu.memref_squeeze %dma_start3A_113 : memref<1x2x128xi32, #tpu.memory_space<hbm>> -> memref<2x128xi32, #tpu.memory_space<hbm>>
    tpu.enqueue_dma source(%dma_start3A_114 : memref<2x128xi32, #tpu.memory_space<hbm>>) target(%arg8 : memref<2x128xi32, #tpu.memory_space<vmem>>) target_semaphore(%arg16 : memref<!tpu.dma_semaphore, #tpu.memory_space<semaphore_mem>>)
    %add3A_115 = arith.constant 3 : i32
    %add3A_116 = arith.addi %mul3A_2, %add3A_115 : i32
    %dma_start3A_117 = arith.constant 0 : i32
    %dma_start3A_118 = arith.constant 0 : i32
    %dma_start3A_119 = tpu.memref_slice %arg3[%add3A_116, %dma_start3A_117, %dma_start3A_118] : memref<2560x2x128xi32, #tpu.memory_space<hbm>> -> memref<1x2x128xi32, #tpu.memory_space<hbm>>
    %dma_start3A_120 = tpu.memref_squeeze %dma_start3A_119 : memref<1x2x128xi32, #tpu.memory_space<hbm>> -> memref<2x128xi32, #tpu.memory_space<hbm>>
    %dma_start3A_121 = arith.constant 0 : i32
    %dma_start3A_122 = arith.constant 0 : i32
    %dma_start3A_123 = tpu.memref_slice %arg3[%add3A_116, %dma_start3A_121, %dma_start3A_122] : memref<2560x2x128xi32, #tpu.memory_space<hbm>> -> memref<1x2x128xi32, #tpu.memory_space<hbm>>
    %dma_start3A_124 = tpu.memref_squeeze %dma_start3A_123 : memref<1x2x128xi32, #tpu.memory_space<hbm>> -> memref<2x128xi32, #tpu.memory_space<hbm>>
    tpu.enqueue_dma source(%dma_start3A_124 : memref<2x128xi32, #tpu.memory_space<hbm>>) target(%arg9 : memref<2x128xi32, #tpu.memory_space<vmem>>) target_semaphore(%arg17 : memref<!tpu.dma_semaphore, #tpu.memory_space<semaphore_mem>>)
    %scan3A_125 = arith.constant 0 : i32
    %scan3A_126 = arith.constant 20 : i32
    %scan3A_127 = arith.addi %scan3A_125, %scan3A_126 : i32
    %scan3A_128 = arith.constant 1 : i32
    scf.for %scan3A_163 = %scan3A_125 to %scan3A_127 step %scan3A_128  : i32 {
      %mul3A_164 = arith.constant 1 : i32
      %mul3A_165 = arith.muli %scan3A_163, %mul3A_164 : i32
      %add3A_166 = arith.constant 0 : i32
      %add3A_167 = arith.addi %add3A_166, %mul3A_165 : i32
      %dma_wait3A_168 = arith.constant 0 : i32
      %dma_wait3A_169 = arith.constant 0 : i32
      %dma_wait3A_170 = tpu.memref_slice %arg3[%mul3A_2, %dma_wait3A_168, %dma_wait3A_169] : memref<2560x2x128xi32, #tpu.memory_space<hbm>> -> memref<1x2x128xi32, #tpu.memory_space<hbm>>
      %dma_wait3A_171 = tpu.memref_squeeze %dma_wait3A_170 : memref<1x2x128xi32, #tpu.memory_space<hbm>> -> memref<2x128xi32, #tpu.memory_space<hbm>>
      %dma_wait3A_172 = arith.constant 0 : i32
      %dma_wait3A_173 = arith.constant 0 : i32
      %dma_wait3A_174 = tpu.memref_slice %arg3[%mul3A_2, %dma_wait3A_172, %dma_wait3A_173] : memref<2560x2x128xi32, #tpu.memory_space<hbm>> -> memref<1x2x128xi32, #tpu.memory_space<hbm>>
      %dma_wait3A_175 = tpu.memref_squeeze %dma_wait3A_174 : memref<1x2x128xi32, #tpu.memory_space<hbm>> -> memref<2x128xi32, #tpu.memory_space<hbm>>
      tpu.wait_dma2 semaphore(%arg14 : memref<!tpu.dma_semaphore, #tpu.memory_space<semaphore_mem>>) src(%dma_wait3A_175 : memref<2x128xi32, #tpu.memory_space<hbm>>) dst(%arg6 : memref<2x128xi32, #tpu.memory_space<vmem>>)
      %gt3A = arith.constant 0 : i32
      %gt3A_176 = arith.cmpi sgt, %add3A_167, %gt3A : i32
      %convert_element_type3A = arith.extui %gt3A_176 : i1 to i32
      %cond3A = arith.constant 0 : i32
      %cond3A_177 = arith.cmpi ne, %convert_element_type3A, %cond3A : i32
      scf.if %cond3A_177 {
        %dma_wait3A_305 = arith.constant 1 : i32
        %dma_wait3A_306 = arith.constant 0 : i32
        %dma_wait3A_307 = tpu.memref_slice %arg8[%dma_wait3A_305, %dma_wait3A_306] : memref<2x128xi32, #tpu.memory_space<vmem>> -> memref<1x128xi32, #tpu.memory_space<vmem>>
        %dma_wait3A_308 = tpu.memref_squeeze %dma_wait3A_307 : memref<1x128xi32, #tpu.memory_space<vmem>> -> memref<128xi32, #tpu.memory_space<vmem>>
        %dma_wait3A_309 = arith.constant 0 : i32
        %dma_wait3A_310 = arith.constant 0 : i32
        %dma_wait3A_311 = tpu.memref_slice %arg13[%dma_wait3A_309, %dma_wait3A_310] : memref<10240x128xf32, #tpu.memory_space<vmem_shared>> -> memref<10240x128xf32, #tpu.memory_space<vmem_shared>>
        tpu.wait_indirect_dma semaphore(%arg20 : memref<!tpu.dma_semaphore, #tpu.memory_space<semaphore_mem>>) src(%arg10 : memref<128x128xf32, #tpu.memory_space<vmem>>) dst(%dma_wait3A_311 : memref<10240x128xf32, #tpu.memory_space<vmem_shared>>)
        %mul3A_312 = arith.constant 4 : i32
        %mul3A_313 = arith.muli %mul3A_312, %add3A_167 : i32
        %add3A_314 = arith.constant 0 : i32
        %add3A_315 = arith.addi %mul3A_313, %add3A_314 : i32
        %add3A_316 = arith.constant 2 : i32
        %add3A_317 = arith.addi %add3A_315, %add3A_316 : i32
        %add3A_318 = arith.addi %mul3A_2, %add3A_317 : i32
        %dma_start3A_319 = arith.constant 0 : i32
        %dma_start3A_320 = arith.constant 0 : i32
        %dma_start3A_321 = tpu.memref_slice %arg3[%add3A_318, %dma_start3A_319, %dma_start3A_320] : memref<2560x2x128xi32, #tpu.memory_space<hbm>> -> memref<1x2x128xi32, #tpu.memory_space<hbm>>
        %dma_start3A_322 = tpu.memref_squeeze %dma_start3A_321 : memref<1x2x128xi32, #tpu.memory_space<hbm>> -> memref<2x128xi32, #tpu.memory_space<hbm>>
        %dma_start3A_323 = arith.constant 0 : i32
        %dma_start3A_324 = arith.constant 0 : i32
        %dma_start3A_325 = tpu.memref_slice %arg3[%add3A_318, %dma_start3A_323, %dma_start3A_324] : memref<2560x2x128xi32, #tpu.memory_space<hbm>> -> memref<1x2x128xi32, #tpu.memory_space<hbm>>
        %dma_start3A_326 = tpu.memref_squeeze %dma_start3A_325 : memref<1x2x128xi32, #tpu.memory_space<hbm>> -> memref<2x128xi32, #tpu.memory_space<hbm>>
        tpu.enqueue_dma source(%dma_start3A_326 : memref<2x128xi32, #tpu.memory_space<hbm>>) target(%arg8 : memref<2x128xi32, #tpu.memory_space<vmem>>) target_semaphore(%arg16 : memref<!tpu.dma_semaphore, #tpu.memory_space<semaphore_mem>>)
      } else {
      }
      %dma_start3A_178 = arith.constant 0 : i32
      %dma_start3A_179 = arith.constant 0 : i32
      %dma_start3A_180 = tpu.memref_slice %arg6[%dma_start3A_178, %dma_start3A_179] : memref<2x128xi32, #tpu.memory_space<vmem>> -> memref<1x128xi32, #tpu.memory_space<vmem>>
      %dma_start3A_181 = tpu.memref_squeeze %dma_start3A_180 : memref<1x128xi32, #tpu.memory_space<vmem>> -> memref<128xi32, #tpu.memory_space<vmem>>
      %dma_start3A_182 = arith.constant 0 : i32
      %dma_start3A_183 = arith.constant 0 : i32
      %dma_start3A_184 = tpu.memref_slice %arg2[%dma_start3A_182, %dma_start3A_183] : memref<10000x128xf32, #tpu.memory_space<hbm>> -> memref<10000x128xf32, #tpu.memory_space<hbm>>
      tpu.enqueue_indirect_dma source(%dma_start3A_184 : memref<10000x128xf32, #tpu.memory_space<hbm>>) target(%arg10 : memref<128x128xf32, #tpu.memory_space<vmem>>) offsets(%dma_start3A_181 : memref<128xi32, #tpu.memory_space<vmem>>) semaphore(%arg18 : memref<!tpu.dma_semaphore, #tpu.memory_space<semaphore_mem>>)
      %gt3A_185 = arith.constant 0 : i32
      %gt3A_186 = arith.cmpi sgt, %add3A_167, %gt3A_185 : i32
      %convert_element_type3A_187 = arith.extui %gt3A_186 : i1 to i32
      %cond3A_188 = arith.constant 0 : i32
      %cond3A_189 = arith.cmpi ne, %convert_element_type3A_187, %cond3A_188 : i32
      scf.if %cond3A_189 {
        %dma_wait3A_305 = arith.constant 0 : i32
        %dma_wait3A_306 = arith.constant 0 : i32
        %dma_wait3A_307 = tpu.memref_slice %arg9[%dma_wait3A_305, %dma_wait3A_306] : memref<2x128xi32, #tpu.memory_space<vmem>> -> memref<1x128xi32, #tpu.memory_space<vmem>>
        %dma_wait3A_308 = tpu.memref_squeeze %dma_wait3A_307 : memref<1x128xi32, #tpu.memory_space<vmem>> -> memref<128xi32, #tpu.memory_space<vmem>>
        %dma_wait3A_309 = arith.constant 0 : i32
        %dma_wait3A_310 = arith.constant 0 : i32
        %dma_wait3A_311 = tpu.memref_slice %arg2[%dma_wait3A_309, %dma_wait3A_310] : memref<10000x128xf32, #tpu.memory_space<hbm>> -> memref<10000x128xf32, #tpu.memory_space<hbm>>
        tpu.wait_indirect_dma semaphore(%arg19 : memref<!tpu.dma_semaphore, #tpu.memory_space<semaphore_mem>>) src(%dma_wait3A_311 : memref<10000x128xf32, #tpu.memory_space<hbm>>) dst(%arg11 : memref<128x128xf32, #tpu.memory_space<vmem>>)
        %dma_start3A_312 = arith.constant 1 : i32
        %dma_start3A_313 = arith.constant 0 : i32
        %dma_start3A_314 = tpu.memref_slice %arg9[%dma_start3A_312, %dma_start3A_313] : memref<2x128xi32, #tpu.memory_space<vmem>> -> memref<1x128xi32, #tpu.memory_space<vmem>>
        %dma_start3A_315 = tpu.memref_squeeze %dma_start3A_314 : memref<1x128xi32, #tpu.memory_space<vmem>> -> memref<128xi32, #tpu.memory_space<vmem>>
        %dma_start3A_316 = arith.constant 0 : i32
        %dma_start3A_317 = arith.constant 0 : i32
        %dma_start3A_318 = tpu.memref_slice %arg13[%dma_start3A_316, %dma_start3A_317] : memref<10240x128xf32, #tpu.memory_space<vmem_shared>> -> memref<10240x128xf32, #tpu.memory_space<vmem_shared>>
        tpu.enqueue_indirect_dma source(%arg11 : memref<128x128xf32, #tpu.memory_space<vmem>>) target(%dma_start3A_318 : memref<10240x128xf32, #tpu.memory_space<vmem_shared>>) offsets(%dma_start3A_315 : memref<128xi32, #tpu.memory_space<vmem>>) semaphore(%arg21 : memref<!tpu.dma_semaphore, #tpu.memory_space<semaphore_mem>>) {add = true}
      } else {
      }
      %dma_wait3A_190 = arith.constant 0 : i32
      %dma_wait3A_191 = arith.constant 0 : i32
      %dma_wait3A_192 = tpu.memref_slice %arg3[%mul3A_2, %dma_wait3A_190, %dma_wait3A_191] : memref<2560x2x128xi32, #tpu.memory_space<hbm>> -> memref<1x2x128xi32, #tpu.memory_space<hbm>>
      %dma_wait3A_193 = tpu.memref_squeeze %dma_wait3A_192 : memref<1x2x128xi32, #tpu.memory_space<hbm>> -> memref<2x128xi32, #tpu.memory_space<hbm>>
      %dma_wait3A_194 = arith.constant 0 : i32
      %dma_wait3A_195 = arith.constant 0 : i32
      %dma_wait3A_196 = tpu.memref_slice %arg3[%mul3A_2, %dma_wait3A_194, %dma_wait3A_195] : memref<2560x2x128xi32, #tpu.memory_space<hbm>> -> memref<1x2x128xi32, #tpu.memory_space<hbm>>
      %dma_wait3A_197 = tpu.memref_squeeze %dma_wait3A_196 : memref<1x2x128xi32, #tpu.memory_space<hbm>> -> memref<2x128xi32, #tpu.memory_space<hbm>>
      tpu.wait_dma2 semaphore(%arg15 : memref<!tpu.dma_semaphore, #tpu.memory_space<semaphore_mem>>) src(%dma_wait3A_197 : memref<2x128xi32, #tpu.memory_space<hbm>>) dst(%arg7 : memref<2x128xi32, #tpu.memory_space<vmem>>)
      %gt3A_198 = arith.constant 0 : i32
      %gt3A_199 = arith.cmpi sgt, %add3A_167, %gt3A_198 : i32
      %convert_element_type3A_200 = arith.extui %gt3A_199 : i1 to i32
      %cond3A_201 = arith.constant 0 : i32
      %cond3A_202 = arith.cmpi ne, %convert_element_type3A_200, %cond3A_201 : i32
      scf.if %cond3A_202 {
        %dma_wait3A_305 = arith.constant 1 : i32
        %dma_wait3A_306 = arith.constant 0 : i32
        %dma_wait3A_307 = tpu.memref_slice %arg9[%dma_wait3A_305, %dma_wait3A_306] : memref<2x128xi32, #tpu.memory_space<vmem>> -> memref<1x128xi32, #tpu.memory_space<vmem>>
        %dma_wait3A_308 = tpu.memref_squeeze %dma_wait3A_307 : memref<1x128xi32, #tpu.memory_space<vmem>> -> memref<128xi32, #tpu.memory_space<vmem>>
        %dma_wait3A_309 = arith.constant 0 : i32
        %dma_wait3A_310 = arith.constant 0 : i32
        %dma_wait3A_311 = tpu.memref_slice %arg13[%dma_wait3A_309, %dma_wait3A_310] : memref<10240x128xf32, #tpu.memory_space<vmem_shared>> -> memref<10240x128xf32, #tpu.memory_space<vmem_shared>>
        tpu.wait_indirect_dma semaphore(%arg21 : memref<!tpu.dma_semaphore, #tpu.memory_space<semaphore_mem>>) src(%arg11 : memref<128x128xf32, #tpu.memory_space<vmem>>) dst(%dma_wait3A_311 : memref<10240x128xf32, #tpu.memory_space<vmem_shared>>)
        %mul3A_312 = arith.constant 4 : i32
        %mul3A_313 = arith.muli %mul3A_312, %add3A_167 : i32
        %add3A_314 = arith.constant 1 : i32
        %add3A_315 = arith.addi %mul3A_313, %add3A_314 : i32
        %add3A_316 = arith.constant 2 : i32
        %add3A_317 = arith.addi %add3A_315, %add3A_316 : i32
        %add3A_318 = arith.addi %mul3A_2, %add3A_317 : i32
        %dma_start3A_319 = arith.constant 0 : i32
        %dma_start3A_320 = arith.constant 0 : i32
        %dma_start3A_321 = tpu.memref_slice %arg3[%add3A_318, %dma_start3A_319, %dma_start3A_320] : memref<2560x2x128xi32, #tpu.memory_space<hbm>> -> memref<1x2x128xi32, #tpu.memory_space<hbm>>
        %dma_start3A_322 = tpu.memref_squeeze %dma_start3A_321 : memref<1x2x128xi32, #tpu.memory_space<hbm>> -> memref<2x128xi32, #tpu.memory_space<hbm>>
        %dma_start3A_323 = arith.constant 0 : i32
        %dma_start3A_324 = arith.constant 0 : i32
        %dma_start3A_325 = tpu.memref_slice %arg3[%add3A_318, %dma_start3A_323, %dma_start3A_324] : memref<2560x2x128xi32, #tpu.memory_space<hbm>> -> memref<1x2x128xi32, #tpu.memory_space<hbm>>
        %dma_start3A_326 = tpu.memref_squeeze %dma_start3A_325 : memref<1x2x128xi32, #tpu.memory_space<hbm>> -> memref<2x128xi32, #tpu.memory_space<hbm>>
        tpu.enqueue_dma source(%dma_start3A_326 : memref<2x128xi32, #tpu.memory_space<hbm>>) target(%arg9 : memref<2x128xi32, #tpu.memory_space<vmem>>) target_semaphore(%arg17 : memref<!tpu.dma_semaphore, #tpu.memory_space<semaphore_mem>>)
      } else {
      }
      %dma_start3A_203 = arith.constant 0 : i32
      %dma_start3A_204 = arith.constant 0 : i32
      %dma_start3A_205 = tpu.memref_slice %arg7[%dma_start3A_203, %dma_start3A_204] : memref<2x128xi32, #tpu.memory_space<vmem>> -> memref<1x128xi32, #tpu.memory_space<vmem>>
      %dma_start3A_206 = tpu.memref_squeeze %dma_start3A_205 : memref<1x128xi32, #tpu.memory_space<vmem>> -> memref<128xi32, #tpu.memory_space<vmem>>
      %dma_start3A_207 = arith.constant 0 : i32
      %dma_start3A_208 = arith.constant 0 : i32
      %dma_start3A_209 = tpu.memref_slice %arg2[%dma_start3A_207, %dma_start3A_208] : memref<10000x128xf32, #tpu.memory_space<hbm>> -> memref<10000x128xf32, #tpu.memory_space<hbm>>
      tpu.enqueue_indirect_dma source(%dma_start3A_209 : memref<10000x128xf32, #tpu.memory_space<hbm>>) target(%arg11 : memref<128x128xf32, #tpu.memory_space<vmem>>) offsets(%dma_start3A_206 : memref<128xi32, #tpu.memory_space<vmem>>) semaphore(%arg19 : memref<!tpu.dma_semaphore, #tpu.memory_space<semaphore_mem>>)
      %dma_wait3A_210 = arith.constant 0 : i32
      %dma_wait3A_211 = arith.constant 0 : i32
      %dma_wait3A_212 = tpu.memref_slice %arg6[%dma_wait3A_210, %dma_wait3A_211] : memref<2x128xi32, #tpu.memory_space<vmem>> -> memref<1x128xi32, #tpu.memory_space<vmem>>
      %dma_wait3A_213 = tpu.memref_squeeze %dma_wait3A_212 : memref<1x128xi32, #tpu.memory_space<vmem>> -> memref<128xi32, #tpu.memory_space<vmem>>
      %dma_wait3A_214 = arith.constant 0 : i32
      %dma_wait3A_215 = arith.constant 0 : i32
      %dma_wait3A_216 = tpu.memref_slice %arg2[%dma_wait3A_214, %dma_wait3A_215] : memref<10000x128xf32, #tpu.memory_space<hbm>> -> memref<10000x128xf32, #tpu.memory_space<hbm>>
      tpu.wait_indirect_dma semaphore(%arg18 : memref<!tpu.dma_semaphore, #tpu.memory_space<semaphore_mem>>) src(%dma_wait3A_216 : memref<10000x128xf32, #tpu.memory_space<hbm>>) dst(%arg10 : memref<128x128xf32, #tpu.memory_space<vmem>>)
      %dma_start3A_217 = arith.constant 1 : i32
      %dma_start3A_218 = arith.constant 0 : i32
      %dma_start3A_219 = tpu.memref_slice %arg6[%dma_start3A_217, %dma_start3A_218] : memref<2x128xi32, #tpu.memory_space<vmem>> -> memref<1x128xi32, #tpu.memory_space<vmem>>
      %dma_start3A_220 = tpu.memref_squeeze %dma_start3A_219 : memref<1x128xi32, #tpu.memory_space<vmem>> -> memref<128xi32, #tpu.memory_space<vmem>>
      %dma_start3A_221 = arith.constant 0 : i32
      %dma_start3A_222 = arith.constant 0 : i32
      %dma_start3A_223 = tpu.memref_slice %arg13[%dma_start3A_221, %dma_start3A_222] : memref<10240x128xf32, #tpu.memory_space<vmem_shared>> -> memref<10240x128xf32, #tpu.memory_space<vmem_shared>>
      tpu.enqueue_indirect_dma source(%arg10 : memref<128x128xf32, #tpu.memory_space<vmem>>) target(%dma_start3A_223 : memref<10240x128xf32, #tpu.memory_space<vmem_shared>>) offsets(%dma_start3A_220 : memref<128xi32, #tpu.memory_space<vmem>>) semaphore(%arg20 : memref<!tpu.dma_semaphore, #tpu.memory_space<semaphore_mem>>) {add = true}
      %dma_wait3A_224 = arith.constant 0 : i32
      %dma_wait3A_225 = arith.constant 0 : i32
      %dma_wait3A_226 = tpu.memref_slice %arg3[%mul3A_2, %dma_wait3A_224, %dma_wait3A_225] : memref<2560x2x128xi32, #tpu.memory_space<hbm>> -> memref<1x2x128xi32, #tpu.memory_space<hbm>>
      %dma_wait3A_227 = tpu.memref_squeeze %dma_wait3A_226 : memref<1x2x128xi32, #tpu.memory_space<hbm>> -> memref<2x128xi32, #tpu.memory_space<hbm>>
      %dma_wait3A_228 = arith.constant 0 : i32
      %dma_wait3A_229 = arith.constant 0 : i32
      %dma_wait3A_230 = tpu.memref_slice %arg3[%mul3A_2, %dma_wait3A_228, %dma_wait3A_229] : memref<2560x2x128xi32, #tpu.memory_space<hbm>> -> memref<1x2x128xi32, #tpu.memory_space<hbm>>
      %dma_wait3A_231 = tpu.memref_squeeze %dma_wait3A_230 : memref<1x2x128xi32, #tpu.memory_space<hbm>> -> memref<2x128xi32, #tpu.memory_space<hbm>>
      tpu.wait_dma2 semaphore(%arg16 : memref<!tpu.dma_semaphore, #tpu.memory_space<semaphore_mem>>) src(%dma_wait3A_231 : memref<2x128xi32, #tpu.memory_space<hbm>>) dst(%arg8 : memref<2x128xi32, #tpu.memory_space<vmem>>)
      %dma_wait3A_232 = arith.constant 1 : i32
      %dma_wait3A_233 = arith.constant 0 : i32
      %dma_wait3A_234 = tpu.memref_slice %arg6[%dma_wait3A_232, %dma_wait3A_233] : memref<2x128xi32, #tpu.memory_space<vmem>> -> memref<1x128xi32, #tpu.memory_space<vmem>>
      %dma_wait3A_235 = tpu.memref_squeeze %dma_wait3A_234 : memref<1x128xi32, #tpu.memory_space<vmem>> -> memref<128xi32, #tpu.memory_space<vmem>>
      %dma_wait3A_236 = arith.constant 0 : i32
      %dma_wait3A_237 = arith.constant 0 : i32
      %dma_wait3A_238 = tpu.memref_slice %arg13[%dma_wait3A_236, %dma_wait3A_237] : memref<10240x128xf32, #tpu.memory_space<vmem_shared>> -> memref<10240x128xf32, #tpu.memory_space<vmem_shared>>
      tpu.wait_indirect_dma semaphore(%arg20 : memref<!tpu.dma_semaphore, #tpu.memory_space<semaphore_mem>>) src(%arg10 : memref<128x128xf32, #tpu.memory_space<vmem>>) dst(%dma_wait3A_238 : memref<10240x128xf32, #tpu.memory_space<vmem_shared>>)
      %lt3A = arith.constant 19 : i32
      %lt3A_239 = arith.cmpi slt, %add3A_167, %lt3A : i32
      %convert_element_type3A_240 = arith.extui %lt3A_239 : i1 to i32
      %cond3A_241 = arith.constant 0 : i32
      %cond3A_242 = arith.cmpi ne, %convert_element_type3A_240, %cond3A_241 : i32
      scf.if %cond3A_242 {
        %mul3A_305 = arith.constant 4 : i32
        %mul3A_306 = arith.muli %mul3A_305, %add3A_167 : i32
        %add3A_307 = arith.constant 2 : i32
        %add3A_308 = arith.addi %mul3A_306, %add3A_307 : i32
        %add3A_309 = arith.constant 2 : i32
        %add3A_310 = arith.addi %add3A_308, %add3A_309 : i32
        %add3A_311 = arith.addi %mul3A_2, %add3A_310 : i32
        %dma_start3A_312 = arith.constant 0 : i32
        %dma_start3A_313 = arith.constant 0 : i32
        %dma_start3A_314 = tpu.memref_slice %arg3[%add3A_311, %dma_start3A_312, %dma_start3A_313] : memref<2560x2x128xi32, #tpu.memory_space<hbm>> -> memref<1x2x128xi32, #tpu.memory_space<hbm>>
        %dma_start3A_315 = tpu.memref_squeeze %dma_start3A_314 : memref<1x2x128xi32, #tpu.memory_space<hbm>> -> memref<2x128xi32, #tpu.memory_space<hbm>>
        %dma_start3A_316 = arith.constant 0 : i32
        %dma_start3A_317 = arith.constant 0 : i32
        %dma_start3A_318 = tpu.memref_slice %arg3[%add3A_311, %dma_start3A_316, %dma_start3A_317] : memref<2560x2x128xi32, #tpu.memory_space<hbm>> -> memref<1x2x128xi32, #tpu.memory_space<hbm>>
        %dma_start3A_319 = tpu.memref_squeeze %dma_start3A_318 : memref<1x2x128xi32, #tpu.memory_space<hbm>> -> memref<2x128xi32, #tpu.memory_space<hbm>>
        tpu.enqueue_dma source(%dma_start3A_319 : memref<2x128xi32, #tpu.memory_space<hbm>>) target(%arg6 : memref<2x128xi32, #tpu.memory_space<vmem>>) target_semaphore(%arg14 : memref<!tpu.dma_semaphore, #tpu.memory_space<semaphore_mem>>)
      } else {
      }
      %dma_start3A_243 = arith.constant 0 : i32
      %dma_start3A_244 = arith.constant 0 : i32
      %dma_start3A_245 = tpu.memref_slice %arg8[%dma_start3A_243, %dma_start3A_244] : memref<2x128xi32, #tpu.memory_space<vmem>> -> memref<1x128xi32, #tpu.memory_space<vmem>>
      %dma_start3A_246 = tpu.memref_squeeze %dma_start3A_245 : memref<1x128xi32, #tpu.memory_space<vmem>> -> memref<128xi32, #tpu.memory_space<vmem>>
      %dma_start3A_247 = arith.constant 0 : i32
      %dma_start3A_248 = arith.constant 0 : i32
      %dma_start3A_249 = tpu.memref_slice %arg2[%dma_start3A_247, %dma_start3A_248] : memref<10000x128xf32, #tpu.memory_space<hbm>> -> memref<10000x128xf32, #tpu.memory_space<hbm>>
      tpu.enqueue_indirect_dma source(%dma_start3A_249 : memref<10000x128xf32, #tpu.memory_space<hbm>>) target(%arg10 : memref<128x128xf32, #tpu.memory_space<vmem>>) offsets(%dma_start3A_246 : memref<128xi32, #tpu.memory_space<vmem>>) semaphore(%arg18 : memref<!tpu.dma_semaphore, #tpu.memory_space<semaphore_mem>>)
      %dma_wait3A_250 = arith.constant 0 : i32
      %dma_wait3A_251 = arith.constant 0 : i32
      %dma_wait3A_252 = tpu.memref_slice %arg7[%dma_wait3A_250, %dma_wait3A_251] : memref<2x128xi32, #tpu.memory_space<vmem>> -> memref<1x128xi32, #tpu.memory_space<vmem>>
      %dma_wait3A_253 = tpu.memref_squeeze %dma_wait3A_252 : memref<1x128xi32, #tpu.memory_space<vmem>> -> memref<128xi32, #tpu.memory_space<vmem>>
      %dma_wait3A_254 = arith.constant 0 : i32
      %dma_wait3A_255 = arith.constant 0 : i32
      %dma_wait3A_256 = tpu.memref_slice %arg2[%dma_wait3A_254, %dma_wait3A_255] : memref<10000x128xf32, #tpu.memory_space<hbm>> -> memref<10000x128xf32, #tpu.memory_space<hbm>>
      tpu.wait_indirect_dma semaphore(%arg19 : memref<!tpu.dma_semaphore, #tpu.memory_space<semaphore_mem>>) src(%dma_wait3A_256 : memref<10000x128xf32, #tpu.memory_space<hbm>>) dst(%arg11 : memref<128x128xf32, #tpu.memory_space<vmem>>)
      %dma_start3A_257 = arith.constant 1 : i32
      %dma_start3A_258 = arith.constant 0 : i32
      %dma_start3A_259 = tpu.memref_slice %arg7[%dma_start3A_257, %dma_start3A_258] : memref<2x128xi32, #tpu.memory_space<vmem>> -> memref<1x128xi32, #tpu.memory_space<vmem>>
      %dma_start3A_260 = tpu.memref_squeeze %dma_start3A_259 : memref<1x128xi32, #tpu.memory_space<vmem>> -> memref<128xi32, #tpu.memory_space<vmem>>
      %dma_start3A_261 = arith.constant 0 : i32
      %dma_start3A_262 = arith.constant 0 : i32
      %dma_start3A_263 = tpu.memref_slice %arg13[%dma_start3A_261, %dma_start3A_262] : memref<10240x128xf32, #tpu.memory_space<vmem_shared>> -> memref<10240x128xf32, #tpu.memory_space<vmem_shared>>
      tpu.enqueue_indirect_dma source(%arg11 : memref<128x128xf32, #tpu.memory_space<vmem>>) target(%dma_start3A_263 : memref<10240x128xf32, #tpu.memory_space<vmem_shared>>) offsets(%dma_start3A_260 : memref<128xi32, #tpu.memory_space<vmem>>) semaphore(%arg21 : memref<!tpu.dma_semaphore, #tpu.memory_space<semaphore_mem>>) {add = true}
      %dma_wait3A_264 = arith.constant 0 : i32
      %dma_wait3A_265 = arith.constant 0 : i32
      %dma_wait3A_266 = tpu.memref_slice %arg3[%mul3A_2, %dma_wait3A_264, %dma_wait3A_265] : memref<2560x2x128xi32, #tpu.memory_space<hbm>> -> memref<1x2x128xi32, #tpu.memory_space<hbm>>
      %dma_wait3A_267 = tpu.memref_squeeze %dma_wait3A_266 : memref<1x2x128xi32, #tpu.memory_space<hbm>> -> memref<2x128xi32, #tpu.memory_space<hbm>>
      %dma_wait3A_268 = arith.constant 0 : i32
      %dma_wait3A_269 = arith.constant 0 : i32
      %dma_wait3A_270 = tpu.memref_slice %arg3[%mul3A_2, %dma_wait3A_268, %dma_wait3A_269] : memref<2560x2x128xi32, #tpu.memory_space<hbm>> -> memref<1x2x128xi32, #tpu.memory_space<hbm>>
      %dma_wait3A_271 = tpu.memref_squeeze %dma_wait3A_270 : memref<1x2x128xi32, #tpu.memory_space<hbm>> -> memref<2x128xi32, #tpu.memory_space<hbm>>
      tpu.wait_dma2 semaphore(%arg17 : memref<!tpu.dma_semaphore, #tpu.memory_space<semaphore_mem>>) src(%dma_wait3A_271 : memref<2x128xi32, #tpu.memory_space<hbm>>) dst(%arg9 : memref<2x128xi32, #tpu.memory_space<vmem>>)
      %dma_wait3A_272 = arith.constant 1 : i32
      %dma_wait3A_273 = arith.constant 0 : i32
      %dma_wait3A_274 = tpu.memref_slice %arg7[%dma_wait3A_272, %dma_wait3A_273] : memref<2x128xi32, #tpu.memory_space<vmem>> -> memref<1x128xi32, #tpu.memory_space<vmem>>
      %dma_wait3A_275 = tpu.memref_squeeze %dma_wait3A_274 : memref<1x128xi32, #tpu.memory_space<vmem>> -> memref<128xi32, #tpu.memory_space<vmem>>
      %dma_wait3A_276 = arith.constant 0 : i32
      %dma_wait3A_277 = arith.constant 0 : i32
      %dma_wait3A_278 = tpu.memref_slice %arg13[%dma_wait3A_276, %dma_wait3A_277] : memref<10240x128xf32, #tpu.memory_space<vmem_shared>> -> memref<10240x128xf32, #tpu.memory_space<vmem_shared>>
      tpu.wait_indirect_dma semaphore(%arg21 : memref<!tpu.dma_semaphore, #tpu.memory_space<semaphore_mem>>) src(%arg11 : memref<128x128xf32, #tpu.memory_space<vmem>>) dst(%dma_wait3A_278 : memref<10240x128xf32, #tpu.memory_space<vmem_shared>>)
      %lt3A_279 = arith.constant 19 : i32
      %lt3A_280 = arith.cmpi slt, %add3A_167, %lt3A_279 : i32
      %convert_element_type3A_281 = arith.extui %lt3A_280 : i1 to i32
      %cond3A_282 = arith.constant 0 : i32
      %cond3A_283 = arith.cmpi ne, %convert_element_type3A_281, %cond3A_282 : i32
      scf.if %cond3A_283 {
        %mul3A_305 = arith.constant 4 : i32
        %mul3A_306 = arith.muli %mul3A_305, %add3A_167 : i32
        %add3A_307 = arith.constant 3 : i32
        %add3A_308 = arith.addi %mul3A_306, %add3A_307 : i32
        %add3A_309 = arith.constant 2 : i32
        %add3A_310 = arith.addi %add3A_308, %add3A_309 : i32
        %add3A_311 = arith.addi %mul3A_2, %add3A_310 : i32
        %dma_start3A_312 = arith.constant 0 : i32
        %dma_start3A_313 = arith.constant 0 : i32
        %dma_start3A_314 = tpu.memref_slice %arg3[%add3A_311, %dma_start3A_312, %dma_start3A_313] : memref<2560x2x128xi32, #tpu.memory_space<hbm>> -> memref<1x2x128xi32, #tpu.memory_space<hbm>>
        %dma_start3A_315 = tpu.memref_squeeze %dma_start3A_314 : memref<1x2x128xi32, #tpu.memory_space<hbm>> -> memref<2x128xi32, #tpu.memory_space<hbm>>
        %dma_start3A_316 = arith.constant 0 : i32
        %dma_start3A_317 = arith.constant 0 : i32
        %dma_start3A_318 = tpu.memref_slice %arg3[%add3A_311, %dma_start3A_316, %dma_start3A_317] : memref<2560x2x128xi32, #tpu.memory_space<hbm>> -> memref<1x2x128xi32, #tpu.memory_space<hbm>>
        %dma_start3A_319 = tpu.memref_squeeze %dma_start3A_318 : memref<1x2x128xi32, #tpu.memory_space<hbm>> -> memref<2x128xi32, #tpu.memory_space<hbm>>
        tpu.enqueue_dma source(%dma_start3A_319 : memref<2x128xi32, #tpu.memory_space<hbm>>) target(%arg7 : memref<2x128xi32, #tpu.memory_space<vmem>>) target_semaphore(%arg15 : memref<!tpu.dma_semaphore, #tpu.memory_space<semaphore_mem>>)
      } else {
      }
      %dma_start3A_284 = arith.constant 0 : i32
      %dma_start3A_285 = arith.constant 0 : i32
      %dma_start3A_286 = tpu.memref_slice %arg9[%dma_start3A_284, %dma_start3A_285] : memref<2x128xi32, #tpu.memory_space<vmem>> -> memref<1x128xi32, #tpu.memory_space<vmem>>
      %dma_start3A_287 = tpu.memref_squeeze %dma_start3A_286 : memref<1x128xi32, #tpu.memory_space<vmem>> -> memref<128xi32, #tpu.memory_space<vmem>>
      %dma_start3A_288 = arith.constant 0 : i32
      %dma_start3A_289 = arith.constant 0 : i32
      %dma_start3A_290 = tpu.memref_slice %arg2[%dma_start3A_288, %dma_start3A_289] : memref<10000x128xf32, #tpu.memory_space<hbm>> -> memref<10000x128xf32, #tpu.memory_space<hbm>>
      tpu.enqueue_indirect_dma source(%dma_start3A_290 : memref<10000x128xf32, #tpu.memory_space<hbm>>) target(%arg11 : memref<128x128xf32, #tpu.memory_space<vmem>>) offsets(%dma_start3A_287 : memref<128xi32, #tpu.memory_space<vmem>>) semaphore(%arg19 : memref<!tpu.dma_semaphore, #tpu.memory_space<semaphore_mem>>)
      %dma_wait3A_291 = arith.constant 0 : i32
      %dma_wait3A_292 = arith.constant 0 : i32
      %dma_wait3A_293 = tpu.memref_slice %arg8[%dma_wait3A_291, %dma_wait3A_292] : memref<2x128xi32, #tpu.memory_space<vmem>> -> memref<1x128xi32, #tpu.memory_space<vmem>>
      %dma_wait3A_294 = tpu.memref_squeeze %dma_wait3A_293 : memref<1x128xi32, #tpu.memory_space<vmem>> -> memref<128xi32, #tpu.memory_space<vmem>>
      %dma_wait3A_295 = arith.constant 0 : i32
      %dma_wait3A_296 = arith.constant 0 : i32
      %dma_wait3A_297 = tpu.memref_slice %arg2[%dma_wait3A_295, %dma_wait3A_296] : memref<10000x128xf32, #tpu.memory_space<hbm>> -> memref<10000x128xf32, #tpu.memory_space<hbm>>
      tpu.wait_indirect_dma semaphore(%arg18 : memref<!tpu.dma_semaphore, #tpu.memory_space<semaphore_mem>>) src(%dma_wait3A_297 : memref<10000x128xf32, #tpu.memory_space<hbm>>) dst(%arg10 : memref<128x128xf32, #tpu.memory_space<vmem>>)
      %dma_start3A_298 = arith.constant 1 : i32
      %dma_start3A_299 = arith.constant 0 : i32
      %dma_start3A_300 = tpu.memref_slice %arg8[%dma_start3A_298, %dma_start3A_299] : memref<2x128xi32, #tpu.memory_space<vmem>> -> memref<1x128xi32, #tpu.memory_space<vmem>>
      %dma_start3A_301 = tpu.memref_squeeze %dma_start3A_300 : memref<1x128xi32, #tpu.memory_space<vmem>> -> memref<128xi32, #tpu.memory_space<vmem>>
      %dma_start3A_302 = arith.constant 0 : i32
      %dma_start3A_303 = arith.constant 0 : i32
      %dma_start3A_304 = tpu.memref_slice %arg13[%dma_start3A_302, %dma_start3A_303] : memref<10240x128xf32, #tpu.memory_space<vmem_shared>> -> memref<10240x128xf32, #tpu.memory_space<vmem_shared>>
      tpu.enqueue_indirect_dma source(%arg10 : memref<128x128xf32, #tpu.memory_space<vmem>>) target(%dma_start3A_304 : memref<10240x128xf32, #tpu.memory_space<vmem_shared>>) offsets(%dma_start3A_301 : memref<128xi32, #tpu.memory_space<vmem>>) semaphore(%arg20 : memref<!tpu.dma_semaphore, #tpu.memory_space<semaphore_mem>>) {add = true}
    }
    %scan3A_129 = arith.constant 20 : i32
    %dma_wait3A_130 = arith.constant 0 : i32
    %dma_wait3A_131 = arith.constant 0 : i32
    %dma_wait3A_132 = tpu.memref_slice %arg9[%dma_wait3A_130, %dma_wait3A_131] : memref<2x128xi32, #tpu.memory_space<vmem>> -> memref<1x128xi32, #tpu.memory_space<vmem>>
    %dma_wait3A_133 = tpu.memref_squeeze %dma_wait3A_132 : memref<1x128xi32, #tpu.memory_space<vmem>> -> memref<128xi32, #tpu.memory_space<vmem>>
    %dma_wait3A_134 = arith.constant 0 : i32
    %dma_wait3A_135 = arith.constant 0 : i32
    %dma_wait3A_136 = tpu.memref_slice %arg2[%dma_wait3A_134, %dma_wait3A_135] : memref<10000x128xf32, #tpu.memory_space<hbm>> -> memref<10000x128xf32, #tpu.memory_space<hbm>>
    tpu.wait_indirect_dma semaphore(%arg19 : memref<!tpu.dma_semaphore, #tpu.memory_space<semaphore_mem>>) src(%dma_wait3A_136 : memref<10000x128xf32, #tpu.memory_space<hbm>>) dst(%arg11 : memref<128x128xf32, #tpu.memory_space<vmem>>)
    %dma_start3A_137 = arith.constant 1 : i32
    %dma_start3A_138 = arith.constant 0 : i32
    %dma_start3A_139 = tpu.memref_slice %arg9[%dma_start3A_137, %dma_start3A_138] : memref<2x128xi32, #tpu.memory_space<vmem>> -> memref<1x128xi32, #tpu.memory_space<vmem>>
    %dma_start3A_140 = tpu.memref_squeeze %dma_start3A_139 : memref<1x128xi32, #tpu.memory_space<vmem>> -> memref<128xi32, #tpu.memory_space<vmem>>
    %dma_start3A_141 = arith.constant 0 : i32
    %dma_start3A_142 = arith.constant 0 : i32
    %dma_start3A_143 = tpu.memref_slice %arg13[%dma_start3A_141, %dma_start3A_142] : memref<10240x128xf32, #tpu.memory_space<vmem_shared>> -> memref<10240x128xf32, #tpu.memory_space<vmem_shared>>
    tpu.enqueue_indirect_dma source(%arg11 : memref<128x128xf32, #tpu.memory_space<vmem>>) target(%dma_start3A_143 : memref<10240x128xf32, #tpu.memory_space<vmem_shared>>) offsets(%dma_start3A_140 : memref<128xi32, #tpu.memory_space<vmem>>) semaphore(%arg21 : memref<!tpu.dma_semaphore, #tpu.memory_space<semaphore_mem>>) {add = true}
    %dma_wait3A_144 = arith.constant 1 : i32
    %dma_wait3A_145 = arith.constant 0 : i32
    %dma_wait3A_146 = tpu.memref_slice %arg8[%dma_wait3A_144, %dma_wait3A_145] : memref<2x128xi32, #tpu.memory_space<vmem>> -> memref<1x128xi32, #tpu.memory_space<vmem>>
    %dma_wait3A_147 = tpu.memref_squeeze %dma_wait3A_146 : memref<1x128xi32, #tpu.memory_space<vmem>> -> memref<128xi32, #tpu.memory_space<vmem>>
    %dma_wait3A_148 = arith.constant 0 : i32
    %dma_wait3A_149 = arith.constant 0 : i32
    %dma_wait3A_150 = tpu.memref_slice %arg13[%dma_wait3A_148, %dma_wait3A_149] : memref<10240x128xf32, #tpu.memory_space<vmem_shared>> -> memref<10240x128xf32, #tpu.memory_space<vmem_shared>>
    tpu.wait_indirect_dma semaphore(%arg20 : memref<!tpu.dma_semaphore, #tpu.memory_space<semaphore_mem>>) src(%arg10 : memref<128x128xf32, #tpu.memory_space<vmem>>) dst(%dma_wait3A_150 : memref<10240x128xf32, #tpu.memory_space<vmem_shared>>)
    %dma_wait3A_151 = arith.constant 1 : i32
    %dma_wait3A_152 = arith.constant 0 : i32
    %dma_wait3A_153 = tpu.memref_slice %arg9[%dma_wait3A_151, %dma_wait3A_152] : memref<2x128xi32, #tpu.memory_space<vmem>> -> memref<1x128xi32, #tpu.memory_space<vmem>>
    %dma_wait3A_154 = tpu.memref_squeeze %dma_wait3A_153 : memref<1x128xi32, #tpu.memory_space<vmem>> -> memref<128xi32, #tpu.memory_space<vmem>>
    %dma_wait3A_155 = arith.constant 0 : i32
    %dma_wait3A_156 = arith.constant 0 : i32
    %dma_wait3A_157 = tpu.memref_slice %arg13[%dma_wait3A_155, %dma_wait3A_156] : memref<10240x128xf32, #tpu.memory_space<vmem_shared>> -> memref<10240x128xf32, #tpu.memory_space<vmem_shared>>
    tpu.wait_indirect_dma semaphore(%arg21 : memref<!tpu.dma_semaphore, #tpu.memory_space<semaphore_mem>>) src(%arg11 : memref<128x128xf32, #tpu.memory_space<vmem>>) dst(%dma_wait3A_157 : memref<10240x128xf32, #tpu.memory_space<vmem_shared>>)
    %barrier3A_158 = arith.constant 0 : index
    tpu.barrier barrier_id(%barrier3A_158)
    %mul3A_159 = arith.constant 640 : i32
    %mul3A_160 = arith.muli %arg1, %mul3A_159 : i32
    %mul3A_161 = arith.constant 640 : i32
    %mul3A_162 = arith.muli %arg1, %mul3A_161 : i32
    "tpu.region"() ({
      %run_scoped3A = tpu.sem_alloc : memref<!tpu.dma_semaphore, #tpu.memory_space<semaphore_mem>>
      %dma_start3A_163 = arith.constant 0 : i32
      %dma_start3A_164 = tpu.memref_slice %arg5[%arg0, %mul3A_162, %dma_start3A_163] : memref<2x10240x128xf32, #tpu.memory_space<hbm>> -> memref<1x640x128xf32, #tpu.memory_space<hbm>>
      %dma_start3A_165 = tpu.memref_squeeze %dma_start3A_164 : memref<1x640x128xf32, #tpu.memory_space<hbm>> -> memref<640x128xf32, #tpu.memory_space<hbm>>
      %dma_start3A_166 = arith.constant 0 : i32
      %dma_start3A_167 = tpu.memref_slice %arg13[%mul3A_160, %dma_start3A_166] : memref<10240x128xf32, #tpu.memory_space<vmem_shared>> -> memref<640x128xf32, #tpu.memory_space<vmem_shared>>
      tpu.enqueue_dma source(%dma_start3A_167 : memref<640x128xf32, #tpu.memory_space<vmem_shared>>) target(%dma_start3A_165 : memref<640x128xf32, #tpu.memory_space<hbm>>) target_semaphore(%run_scoped3A : memref<!tpu.dma_semaphore, #tpu.memory_space<semaphore_mem>>)
      %dma_wait3A_168 = arith.constant 0 : i32
      %dma_wait3A_169 = tpu.memref_slice %arg5[%arg0, %mul3A_162, %dma_wait3A_168] : memref<2x10240x128xf32, #tpu.memory_space<hbm>> -> memref<1x640x128xf32, #tpu.memory_space<hbm>>
      %dma_wait3A_170 = tpu.memref_squeeze %dma_wait3A_169 : memref<1x640x128xf32, #tpu.memory_space<hbm>> -> memref<640x128xf32, #tpu.memory_space<hbm>>
      %dma_wait3A_171 = arith.constant 0 : i32
      %dma_wait3A_172 = tpu.memref_slice %arg13[%mul3A_160, %dma_wait3A_171] : memref<10240x128xf32, #tpu.memory_space<vmem_shared>> -> memref<640x128xf32, #tpu.memory_space<vmem_shared>>
      tpu.wait_dma2 semaphore(%run_scoped3A : memref<!tpu.dma_semaphore, #tpu.memory_space<semaphore_mem>>) src(%dma_wait3A_172 : memref<640x128xf32, #tpu.memory_space<vmem_shared>>) dst(%dma_wait3A_170 : memref<640x128xf32, #tpu.memory_space<hbm>>)
      tpu.yield
    }) : () -> ()
    return
  }
}

#map = affine_map<(d0, d1) -> (0, 0)>
#map1 = affine_map<(d0, d1) -> (0, 0, 0)>
module attributes {stable_mosaic.version = 14 : i64} {
  func.func @k(%arg0: i32, %arg1: i32, %arg2: memref<10000x128xf32, #tpu.memory_space<hbm>>, %arg3: memref<2560x2x128xi32, #tpu.memory_space<hbm>>, %arg4: memref<2x10240x128xf32, #tpu.memory_space<hbm>>, %arg5: memref<2x128xi32, #tpu.memory_space<vmem>>, %arg6: memref<2x128xi32, #tpu.memory_space<vmem>>, %arg7: memref<2x128xi32, #tpu.memory_space<vmem>>, %arg8: memref<2x128xi32, #tpu.memory_space<vmem>>, %arg9: memref<128x128xf32, #tpu.memory_space<vmem>>, %arg10: memref<128x128xf32, #tpu.memory_space<vmem>>, %arg11: memref<64x128xf32, #tpu.memory_space<vmem>>, %arg12: memref<10240x128xf32, #tpu.memory_space<vmem_shared>>, %arg13: memref<!tpu.dma_semaphore, #tpu.memory_space<semaphore_mem>>, %arg14: memref<!tpu.dma_semaphore, #tpu.memory_space<semaphore_mem>>, %arg15: memref<!tpu.dma_semaphore, #tpu.memory_space<semaphore_mem>>, %arg16: memref<!tpu.dma_semaphore, #tpu.memory_space<semaphore_mem>>, %arg17: memref<!tpu.dma_semaphore, #tpu.memory_space<semaphore_mem>>, %arg18: memref<!tpu.dma_semaphore, #tpu.memory_space<semaphore_mem>>, %arg19: memref<!tpu.dma_semaphore, #tpu.memory_space<semaphore_mem>>, %arg20: memref<!tpu.dma_semaphore, #tpu.memory_space<semaphore_mem>>) attributes {dimension_semantics = [#tpu.dimension_semantics<core_parallel>, #tpu.dimension_semantics<subcore_parallel>], iteration_bounds = array<i64: 2, 16>, scalar_prefetch = 0 : i64, scratch_operands = 16 : i64, tpu.core_type = #tpu.core_type<sc_vector_subcore>, window_params = [{transform_indices = #map}, {transform_indices = #map1}, {transform_indices = #map1}]} {
    %mul3A = arith.constant 16 : i32
    %mul3A_0 = arith.muli %arg0, %mul3A : i32
    %add3A = arith.addi %mul3A_0, %arg1 : i32
    %mul3A_1 = arith.constant 80 : i32
    %mul3A_2 = arith.muli %add3A, %mul3A_1 : i32
    %add3A_3 = arith.constant 0 : i32
    %add3A_4 = arith.addi %mul3A_2, %add3A_3 : i32
    %dma_start3A = arith.constant 0 : i32
    %dma_start3A_5 = arith.constant 0 : i32
    %dma_start3A_6 = tpu.memref_slice %arg3[%add3A_4, %dma_start3A, %dma_start3A_5] : memref<2560x2x128xi32, #tpu.memory_space<hbm>> -> memref<1x2x128xi32, #tpu.memory_space<hbm>>
    %dma_start3A_7 = tpu.memref_squeeze %dma_start3A_6 : memref<1x2x128xi32, #tpu.memory_space<hbm>> -> memref<2x128xi32, #tpu.memory_space<hbm>>
    %dma_start3A_8 = arith.constant 0 : i32
    %dma_start3A_9 = arith.constant 0 : i32
    %dma_start3A_10 = tpu.memref_slice %arg3[%add3A_4, %dma_start3A_8, %dma_start3A_9] : memref<2560x2x128xi32, #tpu.memory_space<hbm>> -> memref<1x2x128xi32, #tpu.memory_space<hbm>>
    %dma_start3A_11 = tpu.memref_squeeze %dma_start3A_10 : memref<1x2x128xi32, #tpu.memory_space<hbm>> -> memref<2x128xi32, #tpu.memory_space<hbm>>
    tpu.enqueue_dma source(%dma_start3A_11 : memref<2x128xi32, #tpu.memory_space<hbm>>) target(%arg5 : memref<2x128xi32, #tpu.memory_space<vmem>>) target_semaphore(%arg13 : memref<!tpu.dma_semaphore, #tpu.memory_space<semaphore_mem>>)
    %add3A_12 = arith.constant 1 : i32
    %add3A_13 = arith.addi %mul3A_2, %add3A_12 : i32
    %dma_start3A_14 = arith.constant 0 : i32
    %dma_start3A_15 = arith.constant 0 : i32
    %dma_start3A_16 = tpu.memref_slice %arg3[%add3A_13, %dma_start3A_14, %dma_start3A_15] : memref<2560x2x128xi32, #tpu.memory_space<hbm>> -> memref<1x2x128xi32, #tpu.memory_space<hbm>>
    %dma_start3A_17 = tpu.memref_squeeze %dma_start3A_16 : memref<1x2x128xi32, #tpu.memory_space<hbm>> -> memref<2x128xi32, #tpu.memory_space<hbm>>
    %dma_start3A_18 = arith.constant 0 : i32
    %dma_start3A_19 = arith.constant 0 : i32
    %dma_start3A_20 = tpu.memref_slice %arg3[%add3A_13, %dma_start3A_18, %dma_start3A_19] : memref<2560x2x128xi32, #tpu.memory_space<hbm>> -> memref<1x2x128xi32, #tpu.memory_space<hbm>>
    %dma_start3A_21 = tpu.memref_squeeze %dma_start3A_20 : memref<1x2x128xi32, #tpu.memory_space<hbm>> -> memref<2x128xi32, #tpu.memory_space<hbm>>
    tpu.enqueue_dma source(%dma_start3A_21 : memref<2x128xi32, #tpu.memory_space<hbm>>) target(%arg6 : memref<2x128xi32, #tpu.memory_space<vmem>>) target_semaphore(%arg14 : memref<!tpu.dma_semaphore, #tpu.memory_space<semaphore_mem>>)
    %add3A_22 = arith.constant 2 : i32
    %add3A_23 = arith.addi %mul3A_2, %add3A_22 : i32
    %dma_start3A_24 = arith.constant 0 : i32
    %dma_start3A_25 = arith.constant 0 : i32
    %dma_start3A_26 = tpu.memref_slice %arg3[%add3A_23, %dma_start3A_24, %dma_start3A_25] : memref<2560x2x128xi32, #tpu.memory_space<hbm>> -> memref<1x2x128xi32, #tpu.memory_space<hbm>>
    %dma_start3A_27 = tpu.memref_squeeze %dma_start3A_26 : memref<1x2x128xi32, #tpu.memory_space<hbm>> -> memref<2x128xi32, #tpu.memory_space<hbm>>
    %dma_start3A_28 = arith.constant 0 : i32
    %dma_start3A_29 = arith.constant 0 : i32
    %dma_start3A_30 = tpu.memref_slice %arg3[%add3A_23, %dma_start3A_28, %dma_start3A_29] : memref<2560x2x128xi32, #tpu.memory_space<hbm>> -> memref<1x2x128xi32, #tpu.memory_space<hbm>>
    %dma_start3A_31 = tpu.memref_squeeze %dma_start3A_30 : memref<1x2x128xi32, #tpu.memory_space<hbm>> -> memref<2x128xi32, #tpu.memory_space<hbm>>
    tpu.enqueue_dma source(%dma_start3A_31 : memref<2x128xi32, #tpu.memory_space<hbm>>) target(%arg7 : memref<2x128xi32, #tpu.memory_space<vmem>>) target_semaphore(%arg15 : memref<!tpu.dma_semaphore, #tpu.memory_space<semaphore_mem>>)
    %add3A_32 = arith.constant 3 : i32
    %add3A_33 = arith.addi %mul3A_2, %add3A_32 : i32
    %dma_start3A_34 = arith.constant 0 : i32
    %dma_start3A_35 = arith.constant 0 : i32
    %dma_start3A_36 = tpu.memref_slice %arg3[%add3A_33, %dma_start3A_34, %dma_start3A_35] : memref<2560x2x128xi32, #tpu.memory_space<hbm>> -> memref<1x2x128xi32, #tpu.memory_space<hbm>>
    %dma_start3A_37 = tpu.memref_squeeze %dma_start3A_36 : memref<1x2x128xi32, #tpu.memory_space<hbm>> -> memref<2x128xi32, #tpu.memory_space<hbm>>
    %dma_start3A_38 = arith.constant 0 : i32
    %dma_start3A_39 = arith.constant 0 : i32
    %dma_start3A_40 = tpu.memref_slice %arg3[%add3A_33, %dma_start3A_38, %dma_start3A_39] : memref<2560x2x128xi32, #tpu.memory_space<hbm>> -> memref<1x2x128xi32, #tpu.memory_space<hbm>>
    %dma_start3A_41 = tpu.memref_squeeze %dma_start3A_40 : memref<1x2x128xi32, #tpu.memory_space<hbm>> -> memref<2x128xi32, #tpu.memory_space<hbm>>
    tpu.enqueue_dma source(%dma_start3A_41 : memref<2x128xi32, #tpu.memory_space<hbm>>) target(%arg8 : memref<2x128xi32, #tpu.memory_space<vmem>>) target_semaphore(%arg16 : memref<!tpu.dma_semaphore, #tpu.memory_space<semaphore_mem>>)
    %scan3A = arith.constant 0 : i32
    %scan3A_42 = arith.constant 64 : i32
    %scan3A_43 = arith.addi %scan3A, %scan3A_42 : i32
    %scan3A_44 = arith.constant 1 : i32
    scf.for %scan3A_88 = %scan3A to %scan3A_43 step %scan3A_44  : i32 {
      %mul3A_89 = arith.constant 1 : i32
      %mul3A_90 = arith.muli %scan3A_88, %mul3A_89 : i32
      %add3A_91 = arith.constant 0 : i32
      %add3A_92 = arith.addi %add3A_91, %mul3A_90 : i32
      %scan3A_93 = arith.constant 0 : i32
      %scan3A_94 = arith.constant 8 : i32
      %scan3A_95 = arith.addi %scan3A_93, %scan3A_94 : i32
      %scan3A_96 = arith.constant 1 : i32
      scf.for %scan3A_98 = %scan3A_93 to %scan3A_95 step %scan3A_96  : i32 {
        %mul3A_99 = arith.constant 1 : i32
        %mul3A_100 = arith.muli %scan3A_98, %mul3A_99 : i32
        %add3A_101 = arith.constant 0 : i32
        %add3A_102 = arith.addi %add3A_101, %mul3A_100 : i32
        %broadcast_in_dim3A = arith.constant 0.000000e+00 : f32
        %broadcast_in_dim3A_103 = vector.broadcast %broadcast_in_dim3A : f32 to vector<16xf32>
        %mul3A_104 = arith.constant 16 : i32
        %mul3A_105 = arith.muli %add3A_102, %mul3A_104 : i32
        %swap3A = arith.index_cast %add3A_92 : i32 to index
        %swap3A_106 = arith.index_cast %mul3A_105 : i32 to index
        %swap3A_107 = tpu.vector_load %arg11[%swap3A, %swap3A_106] {strides = array<i32>} : memref<64x128xf32, #tpu.memory_space<vmem>>, vector<1x16xf32>,
        %swap3A_108 = vector.shape_cast %swap3A_107 : vector<1x16xf32> to vector<16xf32>
        %swap3A_109 = vector.shape_cast %broadcast_in_dim3A_103 : vector<16xf32> to vector<1x16xf32>
        tpu.vector_store %arg11[%swap3A, %swap3A_106], %swap3A_109 {strides = array<i32>} : memref<64x128xf32, #tpu.memory_space<vmem>>, vector<1x16xf32>,
      }
      %scan3A_97 = arith.constant 8 : i32
    }
    %scan3A_45 = arith.constant 64 : i32
    %scan3A_46 = arith.constant 0 : i32
    %scan3A_47 = arith.constant 10 : i32
    %scan3A_48 = arith.addi %scan3A_46, %scan3A_47 : i32
    %scan3A_49 = arith.constant 1 : i32
    scf.for %scan3A_88 = %scan3A_46 to %scan3A_48 step %scan3A_49  : i32 {
      %mul3A_89 = arith.constant 1 : i32
      %mul3A_90 = arith.muli %scan3A_88, %mul3A_89 : i32
      %add3A_91 = arith.constant 0 : i32
      %add3A_92 = arith.addi %add3A_91, %mul3A_90 : i32
      %mul3A_93 = arith.constant 640 : i32
      %mul3A_94 = arith.muli %arg1, %mul3A_93 : i32
      %mul3A_95 = arith.constant 64 : i32
      %mul3A_96 = arith.muli %add3A_92, %mul3A_95 : i32
      %add3A_97 = arith.addi %mul3A_94, %mul3A_96 : i32
      "tpu.region"() ({
        %run_scoped3A = tpu.sem_alloc : memref<!tpu.dma_semaphore, #tpu.memory_space<semaphore_mem>>
        %dma_start3A_98 = arith.constant 0 : i32
        %dma_start3A_99 = tpu.memref_slice %arg12[%add3A_97, %dma_start3A_98] : memref<10240x128xf32, #tpu.memory_space<vmem_shared>> -> memref<64x128xf32, #tpu.memory_space<vmem_shared>>
        %dma_start3A_100 = arith.constant 0 : i32
        %dma_start3A_101 = tpu.memref_slice %arg12[%add3A_97, %dma_start3A_100] : memref<10240x128xf32, #tpu.memory_space<vmem_shared>> -> memref<64x128xf32, #tpu.memory_space<vmem_shared>>
        tpu.enqueue_dma source(%arg11 : memref<64x128xf32, #tpu.memory_space<vmem>>) target(%dma_start3A_101 : memref<64x128xf32, #tpu.memory_space<vmem_shared>>) target_semaphore(%run_scoped3A : memref<!tpu.dma_semaphore, #tpu.memory_space<semaphore_mem>>)
        %dma_wait3A_102 = arith.constant 0 : i32
        %dma_wait3A_103 = tpu.memref_slice %arg12[%add3A_97, %dma_wait3A_102] : memref<10240x128xf32, #tpu.memory_space<vmem_shared>> -> memref<64x128xf32, #tpu.memory_space<vmem_shared>>
        %dma_wait3A_104 = arith.constant 0 : i32
        %dma_wait3A_105 = tpu.memref_slice %arg12[%add3A_97, %dma_wait3A_104] : memref<10240x128xf32, #tpu.memory_space<vmem_shared>> -> memref<64x128xf32, #tpu.memory_space<vmem_shared>>
        tpu.wait_dma2 semaphore(%run_scoped3A : memref<!tpu.dma_semaphore, #tpu.memory_space<semaphore_mem>>) src(%arg11 : memref<64x128xf32, #tpu.memory_space<vmem>>) dst(%dma_wait3A_105 : memref<64x128xf32, #tpu.memory_space<vmem_shared>>)
        tpu.yield
      }) : () -> ()
    }
    %scan3A_50 = arith.constant 10 : i32
    %barrier3A = arith.constant 0 : index
    tpu.barrier barrier_id(%barrier3A)
    %scan3A_51 = arith.constant 0 : i32
    %scan3A_52 = arith.constant 20 : i32
    %scan3A_53 = arith.addi %scan3A_51, %scan3A_52 : i32
    %scan3A_54 = arith.constant 1 : i32
    scf.for %scan3A_88 = %scan3A_51 to %scan3A_53 step %scan3A_54  : i32 {
      %mul3A_89 = arith.constant 1 : i32
      %mul3A_90 = arith.muli %scan3A_88, %mul3A_89 : i32
      %add3A_91 = arith.constant 0 : i32
      %add3A_92 = arith.addi %add3A_91, %mul3A_90 : i32
      %dma_wait3A_93 = arith.constant 0 : i32
      %dma_wait3A_94 = arith.constant 0 : i32
      %dma_wait3A_95 = tpu.memref_slice %arg3[%mul3A_2, %dma_wait3A_93, %dma_wait3A_94] : memref<2560x2x128xi32, #tpu.memory_space<hbm>> -> memref<1x2x128xi32, #tpu.memory_space<hbm>>
      %dma_wait3A_96 = tpu.memref_squeeze %dma_wait3A_95 : memref<1x2x128xi32, #tpu.memory_space<hbm>> -> memref<2x128xi32, #tpu.memory_space<hbm>>
      %dma_wait3A_97 = arith.constant 0 : i32
      %dma_wait3A_98 = arith.constant 0 : i32
      %dma_wait3A_99 = tpu.memref_slice %arg3[%mul3A_2, %dma_wait3A_97, %dma_wait3A_98] : memref<2560x2x128xi32, #tpu.memory_space<hbm>> -> memref<1x2x128xi32, #tpu.memory_space<hbm>>
      %dma_wait3A_100 = tpu.memref_squeeze %dma_wait3A_99 : memref<1x2x128xi32, #tpu.memory_space<hbm>> -> memref<2x128xi32, #tpu.memory_space<hbm>>
      tpu.wait_dma2 semaphore(%arg13 : memref<!tpu.dma_semaphore, #tpu.memory_space<semaphore_mem>>) src(%dma_wait3A_100 : memref<2x128xi32, #tpu.memory_space<hbm>>) dst(%arg5 : memref<2x128xi32, #tpu.memory_space<vmem>>)
      %gt3A = arith.constant 0 : i32
      %gt3A_101 = arith.cmpi sgt, %add3A_92, %gt3A : i32
      %convert_element_type3A = arith.extui %gt3A_101 : i1 to i32
      %cond3A = arith.constant 0 : i32
      %cond3A_102 = arith.cmpi ne, %convert_element_type3A, %cond3A : i32
      scf.if %cond3A_102 {
        %dma_wait3A_230 = arith.constant 1 : i32
        %dma_wait3A_231 = arith.constant 0 : i32
        %dma_wait3A_232 = tpu.memref_slice %arg7[%dma_wait3A_230, %dma_wait3A_231] : memref<2x128xi32, #tpu.memory_space<vmem>> -> memref<1x128xi32, #tpu.memory_space<vmem>>
        %dma_wait3A_233 = tpu.memref_squeeze %dma_wait3A_232 : memref<1x128xi32, #tpu.memory_space<vmem>> -> memref<128xi32, #tpu.memory_space<vmem>>
        %dma_wait3A_234 = arith.constant 0 : i32
        %dma_wait3A_235 = arith.constant 0 : i32
        %dma_wait3A_236 = tpu.memref_slice %arg12[%dma_wait3A_234, %dma_wait3A_235] : memref<10240x128xf32, #tpu.memory_space<vmem_shared>> -> memref<10240x128xf32, #tpu.memory_space<vmem_shared>>
        tpu.wait_indirect_dma semaphore(%arg19 : memref<!tpu.dma_semaphore, #tpu.memory_space<semaphore_mem>>) src(%arg9 : memref<128x128xf32, #tpu.memory_space<vmem>>) dst(%dma_wait3A_236 : memref<10240x128xf32, #tpu.memory_space<vmem_shared>>)
        %mul3A_237 = arith.constant 4 : i32
        %mul3A_238 = arith.muli %mul3A_237, %add3A_92 : i32
        %add3A_239 = arith.constant 0 : i32
        %add3A_240 = arith.addi %mul3A_238, %add3A_239 : i32
        %add3A_241 = arith.constant 2 : i32
        %add3A_242 = arith.addi %add3A_240, %add3A_241 : i32
        %add3A_243 = arith.addi %mul3A_2, %add3A_242 : i32
        %dma_start3A_244 = arith.constant 0 : i32
        %dma_start3A_245 = arith.constant 0 : i32
        %dma_start3A_246 = tpu.memref_slice %arg3[%add3A_243, %dma_start3A_244, %dma_start3A_245] : memref<2560x2x128xi32, #tpu.memory_space<hbm>> -> memref<1x2x128xi32, #tpu.memory_space<hbm>>
        %dma_start3A_247 = tpu.memref_squeeze %dma_start3A_246 : memref<1x2x128xi32, #tpu.memory_space<hbm>> -> memref<2x128xi32, #tpu.memory_space<hbm>>
        %dma_start3A_248 = arith.constant 0 : i32
        %dma_start3A_249 = arith.constant 0 : i32
        %dma_start3A_250 = tpu.memref_slice %arg3[%add3A_243, %dma_start3A_248, %dma_start3A_249] : memref<2560x2x128xi32, #tpu.memory_space<hbm>> -> memref<1x2x128xi32, #tpu.memory_space<hbm>>
        %dma_start3A_251 = tpu.memref_squeeze %dma_start3A_250 : memref<1x2x128xi32, #tpu.memory_space<hbm>> -> memref<2x128xi32, #tpu.memory_space<hbm>>
        tpu.enqueue_dma source(%dma_start3A_251 : memref<2x128xi32, #tpu.memory_space<hbm>>) target(%arg7 : memref<2x128xi32, #tpu.memory_space<vmem>>) target_semaphore(%arg15 : memref<!tpu.dma_semaphore, #tpu.memory_space<semaphore_mem>>)
      } else {
      }
      %dma_start3A_103 = arith.constant 0 : i32
      %dma_start3A_104 = arith.constant 0 : i32
      %dma_start3A_105 = tpu.memref_slice %arg5[%dma_start3A_103, %dma_start3A_104] : memref<2x128xi32, #tpu.memory_space<vmem>> -> memref<1x128xi32, #tpu.memory_space<vmem>>
      %dma_start3A_106 = tpu.memref_squeeze %dma_start3A_105 : memref<1x128xi32, #tpu.memory_space<vmem>> -> memref<128xi32, #tpu.memory_space<vmem>>
      %dma_start3A_107 = arith.constant 0 : i32
      %dma_start3A_108 = arith.constant 0 : i32
      %dma_start3A_109 = tpu.memref_slice %arg2[%dma_start3A_107, %dma_start3A_108] : memref<10000x128xf32, #tpu.memory_space<hbm>> -> memref<10000x128xf32, #tpu.memory_space<hbm>>
      tpu.enqueue_indirect_dma source(%dma_start3A_109 : memref<10000x128xf32, #tpu.memory_space<hbm>>) target(%arg9 : memref<128x128xf32, #tpu.memory_space<vmem>>) offsets(%dma_start3A_106 : memref<128xi32, #tpu.memory_space<vmem>>) semaphore(%arg17 : memref<!tpu.dma_semaphore, #tpu.memory_space<semaphore_mem>>)
      %gt3A_110 = arith.constant 0 : i32
      %gt3A_111 = arith.cmpi sgt, %add3A_92, %gt3A_110 : i32
      %convert_element_type3A_112 = arith.extui %gt3A_111 : i1 to i32
      %cond3A_113 = arith.constant 0 : i32
      %cond3A_114 = arith.cmpi ne, %convert_element_type3A_112, %cond3A_113 : i32
      scf.if %cond3A_114 {
        %dma_wait3A_230 = arith.constant 0 : i32
        %dma_wait3A_231 = arith.constant 0 : i32
        %dma_wait3A_232 = tpu.memref_slice %arg8[%dma_wait3A_230, %dma_wait3A_231] : memref<2x128xi32, #tpu.memory_space<vmem>> -> memref<1x128xi32, #tpu.memory_space<vmem>>
        %dma_wait3A_233 = tpu.memref_squeeze %dma_wait3A_232 : memref<1x128xi32, #tpu.memory_space<vmem>> -> memref<128xi32, #tpu.memory_space<vmem>>
        %dma_wait3A_234 = arith.constant 0 : i32
        %dma_wait3A_235 = arith.constant 0 : i32
        %dma_wait3A_236 = tpu.memref_slice %arg2[%dma_wait3A_234, %dma_wait3A_235] : memref<10000x128xf32, #tpu.memory_space<hbm>> -> memref<10000x128xf32, #tpu.memory_space<hbm>>
        tpu.wait_indirect_dma semaphore(%arg18 : memref<!tpu.dma_semaphore, #tpu.memory_space<semaphore_mem>>) src(%dma_wait3A_236 : memref<10000x128xf32, #tpu.memory_space<hbm>>) dst(%arg10 : memref<128x128xf32, #tpu.memory_space<vmem>>)
        %dma_start3A_237 = arith.constant 1 : i32
        %dma_start3A_238 = arith.constant 0 : i32
        %dma_start3A_239 = tpu.memref_slice %arg8[%dma_start3A_237, %dma_start3A_238] : memref<2x128xi32, #tpu.memory_space<vmem>> -> memref<1x128xi32, #tpu.memory_space<vmem>>
        %dma_start3A_240 = tpu.memref_squeeze %dma_start3A_239 : memref<1x128xi32, #tpu.memory_space<vmem>> -> memref<128xi32, #tpu.memory_space<vmem>>
        %dma_start3A_241 = arith.constant 0 : i32
        %dma_start3A_242 = arith.constant 0 : i32
        %dma_start3A_243 = tpu.memref_slice %arg12[%dma_start3A_241, %dma_start3A_242] : memref<10240x128xf32, #tpu.memory_space<vmem_shared>> -> memref<10240x128xf32, #tpu.memory_space<vmem_shared>>
        tpu.enqueue_indirect_dma source(%arg10 : memref<128x128xf32, #tpu.memory_space<vmem>>) target(%dma_start3A_243 : memref<10240x128xf32, #tpu.memory_space<vmem_shared>>) offsets(%dma_start3A_240 : memref<128xi32, #tpu.memory_space<vmem>>) semaphore(%arg20 : memref<!tpu.dma_semaphore, #tpu.memory_space<semaphore_mem>>) {add = true}
      } else {
      }
      %dma_wait3A_115 = arith.constant 0 : i32
      %dma_wait3A_116 = arith.constant 0 : i32
      %dma_wait3A_117 = tpu.memref_slice %arg3[%mul3A_2, %dma_wait3A_115, %dma_wait3A_116] : memref<2560x2x128xi32, #tpu.memory_space<hbm>> -> memref<1x2x128xi32, #tpu.memory_space<hbm>>
      %dma_wait3A_118 = tpu.memref_squeeze %dma_wait3A_117 : memref<1x2x128xi32, #tpu.memory_space<hbm>> -> memref<2x128xi32, #tpu.memory_space<hbm>>
      %dma_wait3A_119 = arith.constant 0 : i32
      %dma_wait3A_120 = arith.constant 0 : i32
      %dma_wait3A_121 = tpu.memref_slice %arg3[%mul3A_2, %dma_wait3A_119, %dma_wait3A_120] : memref<2560x2x128xi32, #tpu.memory_space<hbm>> -> memref<1x2x128xi32, #tpu.memory_space<hbm>>
      %dma_wait3A_122 = tpu.memref_squeeze %dma_wait3A_121 : memref<1x2x128xi32, #tpu.memory_space<hbm>> -> memref<2x128xi32, #tpu.memory_space<hbm>>
      tpu.wait_dma2 semaphore(%arg14 : memref<!tpu.dma_semaphore, #tpu.memory_space<semaphore_mem>>) src(%dma_wait3A_122 : memref<2x128xi32, #tpu.memory_space<hbm>>) dst(%arg6 : memref<2x128xi32, #tpu.memory_space<vmem>>)
      %gt3A_123 = arith.constant 0 : i32
      %gt3A_124 = arith.cmpi sgt, %add3A_92, %gt3A_123 : i32
      %convert_element_type3A_125 = arith.extui %gt3A_124 : i1 to i32
      %cond3A_126 = arith.constant 0 : i32
      %cond3A_127 = arith.cmpi ne, %convert_element_type3A_125, %cond3A_126 : i32
      scf.if %cond3A_127 {
        %dma_wait3A_230 = arith.constant 1 : i32
        %dma_wait3A_231 = arith.constant 0 : i32
        %dma_wait3A_232 = tpu.memref_slice %arg8[%dma_wait3A_230, %dma_wait3A_231] : memref<2x128xi32, #tpu.memory_space<vmem>> -> memref<1x128xi32, #tpu.memory_space<vmem>>
        %dma_wait3A_233 = tpu.memref_squeeze %dma_wait3A_232 : memref<1x128xi32, #tpu.memory_space<vmem>> -> memref<128xi32, #tpu.memory_space<vmem>>
        %dma_wait3A_234 = arith.constant 0 : i32
        %dma_wait3A_235 = arith.constant 0 : i32
        %dma_wait3A_236 = tpu.memref_slice %arg12[%dma_wait3A_234, %dma_wait3A_235] : memref<10240x128xf32, #tpu.memory_space<vmem_shared>> -> memref<10240x128xf32, #tpu.memory_space<vmem_shared>>
        tpu.wait_indirect_dma semaphore(%arg20 : memref<!tpu.dma_semaphore, #tpu.memory_space<semaphore_mem>>) src(%arg10 : memref<128x128xf32, #tpu.memory_space<vmem>>) dst(%dma_wait3A_236 : memref<10240x128xf32, #tpu.memory_space<vmem_shared>>)
        %mul3A_237 = arith.constant 4 : i32
        %mul3A_238 = arith.muli %mul3A_237, %add3A_92 : i32
        %add3A_239 = arith.constant 1 : i32
        %add3A_240 = arith.addi %mul3A_238, %add3A_239 : i32
        %add3A_241 = arith.constant 2 : i32
        %add3A_242 = arith.addi %add3A_240, %add3A_241 : i32
        %add3A_243 = arith.addi %mul3A_2, %add3A_242 : i32
        %dma_start3A_244 = arith.constant 0 : i32
        %dma_start3A_245 = arith.constant 0 : i32
        %dma_start3A_246 = tpu.memref_slice %arg3[%add3A_243, %dma_start3A_244, %dma_start3A_245] : memref<2560x2x128xi32, #tpu.memory_space<hbm>> -> memref<1x2x128xi32, #tpu.memory_space<hbm>>
        %dma_start3A_247 = tpu.memref_squeeze %dma_start3A_246 : memref<1x2x128xi32, #tpu.memory_space<hbm>> -> memref<2x128xi32, #tpu.memory_space<hbm>>
        %dma_start3A_248 = arith.constant 0 : i32
        %dma_start3A_249 = arith.constant 0 : i32
        %dma_start3A_250 = tpu.memref_slice %arg3[%add3A_243, %dma_start3A_248, %dma_start3A_249] : memref<2560x2x128xi32, #tpu.memory_space<hbm>> -> memref<1x2x128xi32, #tpu.memory_space<hbm>>
        %dma_start3A_251 = tpu.memref_squeeze %dma_start3A_250 : memref<1x2x128xi32, #tpu.memory_space<hbm>> -> memref<2x128xi32, #tpu.memory_space<hbm>>
        tpu.enqueue_dma source(%dma_start3A_251 : memref<2x128xi32, #tpu.memory_space<hbm>>) target(%arg8 : memref<2x128xi32, #tpu.memory_space<vmem>>) target_semaphore(%arg16 : memref<!tpu.dma_semaphore, #tpu.memory_space<semaphore_mem>>)
      } else {
      }
      %dma_start3A_128 = arith.constant 0 : i32
      %dma_start3A_129 = arith.constant 0 : i32
      %dma_start3A_130 = tpu.memref_slice %arg6[%dma_start3A_128, %dma_start3A_129] : memref<2x128xi32, #tpu.memory_space<vmem>> -> memref<1x128xi32, #tpu.memory_space<vmem>>
      %dma_start3A_131 = tpu.memref_squeeze %dma_start3A_130 : memref<1x128xi32, #tpu.memory_space<vmem>> -> memref<128xi32, #tpu.memory_space<vmem>>
      %dma_start3A_132 = arith.constant 0 : i32
      %dma_start3A_133 = arith.constant 0 : i32
      %dma_start3A_134 = tpu.memref_slice %arg2[%dma_start3A_132, %dma_start3A_133] : memref<10000x128xf32, #tpu.memory_space<hbm>> -> memref<10000x128xf32, #tpu.memory_space<hbm>>
      tpu.enqueue_indirect_dma source(%dma_start3A_134 : memref<10000x128xf32, #tpu.memory_space<hbm>>) target(%arg10 : memref<128x128xf32, #tpu.memory_space<vmem>>) offsets(%dma_start3A_131 : memref<128xi32, #tpu.memory_space<vmem>>) semaphore(%arg18 : memref<!tpu.dma_semaphore, #tpu.memory_space<semaphore_mem>>)
      %dma_wait3A_135 = arith.constant 0 : i32
      %dma_wait3A_136 = arith.constant 0 : i32
      %dma_wait3A_137 = tpu.memref_slice %arg5[%dma_wait3A_135, %dma_wait3A_136] : memref<2x128xi32, #tpu.memory_space<vmem>> -> memref<1x128xi32, #tpu.memory_space<vmem>>
      %dma_wait3A_138 = tpu.memref_squeeze %dma_wait3A_137 : memref<1x128xi32, #tpu.memory_space<vmem>> -> memref<128xi32, #tpu.memory_space<vmem>>
      %dma_wait3A_139 = arith.constant 0 : i32
      %dma_wait3A_140 = arith.constant 0 : i32
      %dma_wait3A_141 = tpu.memref_slice %arg2[%dma_wait3A_139, %dma_wait3A_140] : memref<10000x128xf32, #tpu.memory_space<hbm>> -> memref<10000x128xf32, #tpu.memory_space<hbm>>
      tpu.wait_indirect_dma semaphore(%arg17 : memref<!tpu.dma_semaphore, #tpu.memory_space<semaphore_mem>>) src(%dma_wait3A_141 : memref<10000x128xf32, #tpu.memory_space<hbm>>) dst(%arg9 : memref<128x128xf32, #tpu.memory_space<vmem>>)
      %dma_start3A_142 = arith.constant 1 : i32
      %dma_start3A_143 = arith.constant 0 : i32
      %dma_start3A_144 = tpu.memref_slice %arg5[%dma_start3A_142, %dma_start3A_143] : memref<2x128xi32, #tpu.memory_space<vmem>> -> memref<1x128xi32, #tpu.memory_space<vmem>>
      %dma_start3A_145 = tpu.memref_squeeze %dma_start3A_144 : memref<1x128xi32, #tpu.memory_space<vmem>> -> memref<128xi32, #tpu.memory_space<vmem>>
      %dma_start3A_146 = arith.constant 0 : i32
      %dma_start3A_147 = arith.constant 0 : i32
      %dma_start3A_148 = tpu.memref_slice %arg12[%dma_start3A_146, %dma_start3A_147] : memref<10240x128xf32, #tpu.memory_space<vmem_shared>> -> memref<10240x128xf32, #tpu.memory_space<vmem_shared>>
      tpu.enqueue_indirect_dma source(%arg9 : memref<128x128xf32, #tpu.memory_space<vmem>>) target(%dma_start3A_148 : memref<10240x128xf32, #tpu.memory_space<vmem_shared>>) offsets(%dma_start3A_145 : memref<128xi32, #tpu.memory_space<vmem>>) semaphore(%arg19 : memref<!tpu.dma_semaphore, #tpu.memory_space<semaphore_mem>>) {add = true}
      %dma_wait3A_149 = arith.constant 0 : i32
      %dma_wait3A_150 = arith.constant 0 : i32
      %dma_wait3A_151 = tpu.memref_slice %arg3[%mul3A_2, %dma_wait3A_149, %dma_wait3A_150] : memref<2560x2x128xi32, #tpu.memory_space<hbm>> -> memref<1x2x128xi32, #tpu.memory_space<hbm>>
      %dma_wait3A_152 = tpu.memref_squeeze %dma_wait3A_151 : memref<1x2x128xi32, #tpu.memory_space<hbm>> -> memref<2x128xi32, #tpu.memory_space<hbm>>
      %dma_wait3A_153 = arith.constant 0 : i32
      %dma_wait3A_154 = arith.constant 0 : i32
      %dma_wait3A_155 = tpu.memref_slice %arg3[%mul3A_2, %dma_wait3A_153, %dma_wait3A_154] : memref<2560x2x128xi32, #tpu.memory_space<hbm>> -> memref<1x2x128xi32, #tpu.memory_space<hbm>>
      %dma_wait3A_156 = tpu.memref_squeeze %dma_wait3A_155 : memref<1x2x128xi32, #tpu.memory_space<hbm>> -> memref<2x128xi32, #tpu.memory_space<hbm>>
      tpu.wait_dma2 semaphore(%arg15 : memref<!tpu.dma_semaphore, #tpu.memory_space<semaphore_mem>>) src(%dma_wait3A_156 : memref<2x128xi32, #tpu.memory_space<hbm>>) dst(%arg7 : memref<2x128xi32, #tpu.memory_space<vmem>>)
      %dma_wait3A_157 = arith.constant 1 : i32
      %dma_wait3A_158 = arith.constant 0 : i32
      %dma_wait3A_159 = tpu.memref_slice %arg5[%dma_wait3A_157, %dma_wait3A_158] : memref<2x128xi32, #tpu.memory_space<vmem>> -> memref<1x128xi32, #tpu.memory_space<vmem>>
      %dma_wait3A_160 = tpu.memref_squeeze %dma_wait3A_159 : memref<1x128xi32, #tpu.memory_space<vmem>> -> memref<128xi32, #tpu.memory_space<vmem>>
      %dma_wait3A_161 = arith.constant 0 : i32
      %dma_wait3A_162 = arith.constant 0 : i32
      %dma_wait3A_163 = tpu.memref_slice %arg12[%dma_wait3A_161, %dma_wait3A_162] : memref<10240x128xf32, #tpu.memory_space<vmem_shared>> -> memref<10240x128xf32, #tpu.memory_space<vmem_shared>>
      tpu.wait_indirect_dma semaphore(%arg19 : memref<!tpu.dma_semaphore, #tpu.memory_space<semaphore_mem>>) src(%arg9 : memref<128x128xf32, #tpu.memory_space<vmem>>) dst(%dma_wait3A_163 : memref<10240x128xf32, #tpu.memory_space<vmem_shared>>)
      %lt3A = arith.constant 19 : i32
      %lt3A_164 = arith.cmpi slt, %add3A_92, %lt3A : i32
      %convert_element_type3A_165 = arith.extui %lt3A_164 : i1 to i32
      %cond3A_166 = arith.constant 0 : i32
      %cond3A_167 = arith.cmpi ne, %convert_element_type3A_165, %cond3A_166 : i32
      scf.if %cond3A_167 {
        %mul3A_230 = arith.constant 4 : i32
        %mul3A_231 = arith.muli %mul3A_230, %add3A_92 : i32
        %add3A_232 = arith.constant 2 : i32
        %add3A_233 = arith.addi %mul3A_231, %add3A_232 : i32
        %add3A_234 = arith.constant 2 : i32
        %add3A_235 = arith.addi %add3A_233, %add3A_234 : i32
        %add3A_236 = arith.addi %mul3A_2, %add3A_235 : i32
        %dma_start3A_237 = arith.constant 0 : i32
        %dma_start3A_238 = arith.constant 0 : i32
        %dma_start3A_239 = tpu.memref_slice %arg3[%add3A_236, %dma_start3A_237, %dma_start3A_238] : memref<2560x2x128xi32, #tpu.memory_space<hbm>> -> memref<1x2x128xi32, #tpu.memory_space<hbm>>
        %dma_start3A_240 = tpu.memref_squeeze %dma_start3A_239 : memref<1x2x128xi32, #tpu.memory_space<hbm>> -> memref<2x128xi32, #tpu.memory_space<hbm>>
        %dma_start3A_241 = arith.constant 0 : i32
        %dma_start3A_242 = arith.constant 0 : i32
        %dma_start3A_243 = tpu.memref_slice %arg3[%add3A_236, %dma_start3A_241, %dma_start3A_242] : memref<2560x2x128xi32, #tpu.memory_space<hbm>> -> memref<1x2x128xi32, #tpu.memory_space<hbm>>
        %dma_start3A_244 = tpu.memref_squeeze %dma_start3A_243 : memref<1x2x128xi32, #tpu.memory_space<hbm>> -> memref<2x128xi32, #tpu.memory_space<hbm>>
        tpu.enqueue_dma source(%dma_start3A_244 : memref<2x128xi32, #tpu.memory_space<hbm>>) target(%arg5 : memref<2x128xi32, #tpu.memory_space<vmem>>) target_semaphore(%arg13 : memref<!tpu.dma_semaphore, #tpu.memory_space<semaphore_mem>>)
      } else {
      }
      %dma_start3A_168 = arith.constant 0 : i32
      %dma_start3A_169 = arith.constant 0 : i32
      %dma_start3A_170 = tpu.memref_slice %arg7[%dma_start3A_168, %dma_start3A_169] : memref<2x128xi32, #tpu.memory_space<vmem>> -> memref<1x128xi32, #tpu.memory_space<vmem>>
      %dma_start3A_171 = tpu.memref_squeeze %dma_start3A_170 : memref<1x128xi32, #tpu.memory_space<vmem>> -> memref<128xi32, #tpu.memory_space<vmem>>
      %dma_start3A_172 = arith.constant 0 : i32
      %dma_start3A_173 = arith.constant 0 : i32
      %dma_start3A_174 = tpu.memref_slice %arg2[%dma_start3A_172, %dma_start3A_173] : memref<10000x128xf32, #tpu.memory_space<hbm>> -> memref<10000x128xf32, #tpu.memory_space<hbm>>
      tpu.enqueue_indirect_dma source(%dma_start3A_174 : memref<10000x128xf32, #tpu.memory_space<hbm>>) target(%arg9 : memref<128x128xf32, #tpu.memory_space<vmem>>) offsets(%dma_start3A_171 : memref<128xi32, #tpu.memory_space<vmem>>) semaphore(%arg17 : memref<!tpu.dma_semaphore, #tpu.memory_space<semaphore_mem>>)
      %dma_wait3A_175 = arith.constant 0 : i32
      %dma_wait3A_176 = arith.constant 0 : i32
      %dma_wait3A_177 = tpu.memref_slice %arg6[%dma_wait3A_175, %dma_wait3A_176] : memref<2x128xi32, #tpu.memory_space<vmem>> -> memref<1x128xi32, #tpu.memory_space<vmem>>
      %dma_wait3A_178 = tpu.memref_squeeze %dma_wait3A_177 : memref<1x128xi32, #tpu.memory_space<vmem>> -> memref<128xi32, #tpu.memory_space<vmem>>
      %dma_wait3A_179 = arith.constant 0 : i32
      %dma_wait3A_180 = arith.constant 0 : i32
      %dma_wait3A_181 = tpu.memref_slice %arg2[%dma_wait3A_179, %dma_wait3A_180] : memref<10000x128xf32, #tpu.memory_space<hbm>> -> memref<10000x128xf32, #tpu.memory_space<hbm>>
      tpu.wait_indirect_dma semaphore(%arg18 : memref<!tpu.dma_semaphore, #tpu.memory_space<semaphore_mem>>) src(%dma_wait3A_181 : memref<10000x128xf32, #tpu.memory_space<hbm>>) dst(%arg10 : memref<128x128xf32, #tpu.memory_space<vmem>>)
      %dma_start3A_182 = arith.constant 1 : i32
      %dma_start3A_183 = arith.constant 0 : i32
      %dma_start3A_184 = tpu.memref_slice %arg6[%dma_start3A_182, %dma_start3A_183] : memref<2x128xi32, #tpu.memory_space<vmem>> -> memref<1x128xi32, #tpu.memory_space<vmem>>
      %dma_start3A_185 = tpu.memref_squeeze %dma_start3A_184 : memref<1x128xi32, #tpu.memory_space<vmem>> -> memref<128xi32, #tpu.memory_space<vmem>>
      %dma_start3A_186 = arith.constant 0 : i32
      %dma_start3A_187 = arith.constant 0 : i32
      %dma_start3A_188 = tpu.memref_slice %arg12[%dma_start3A_186, %dma_start3A_187] : memref<10240x128xf32, #tpu.memory_space<vmem_shared>> -> memref<10240x128xf32, #tpu.memory_space<vmem_shared>>
      tpu.enqueue_indirect_dma source(%arg10 : memref<128x128xf32, #tpu.memory_space<vmem>>) target(%dma_start3A_188 : memref<10240x128xf32, #tpu.memory_space<vmem_shared>>) offsets(%dma_start3A_185 : memref<128xi32, #tpu.memory_space<vmem>>) semaphore(%arg20 : memref<!tpu.dma_semaphore, #tpu.memory_space<semaphore_mem>>) {add = true}
      %dma_wait3A_189 = arith.constant 0 : i32
      %dma_wait3A_190 = arith.constant 0 : i32
      %dma_wait3A_191 = tpu.memref_slice %arg3[%mul3A_2, %dma_wait3A_189, %dma_wait3A_190] : memref<2560x2x128xi32, #tpu.memory_space<hbm>> -> memref<1x2x128xi32, #tpu.memory_space<hbm>>
      %dma_wait3A_192 = tpu.memref_squeeze %dma_wait3A_191 : memref<1x2x128xi32, #tpu.memory_space<hbm>> -> memref<2x128xi32, #tpu.memory_space<hbm>>
      %dma_wait3A_193 = arith.constant 0 : i32
      %dma_wait3A_194 = arith.constant 0 : i32
      %dma_wait3A_195 = tpu.memref_slice %arg3[%mul3A_2, %dma_wait3A_193, %dma_wait3A_194] : memref<2560x2x128xi32, #tpu.memory_space<hbm>> -> memref<1x2x128xi32, #tpu.memory_space<hbm>>
      %dma_wait3A_196 = tpu.memref_squeeze %dma_wait3A_195 : memref<1x2x128xi32, #tpu.memory_space<hbm>> -> memref<2x128xi32, #tpu.memory_space<hbm>>
      tpu.wait_dma2 semaphore(%arg16 : memref<!tpu.dma_semaphore, #tpu.memory_space<semaphore_mem>>) src(%dma_wait3A_196 : memref<2x128xi32, #tpu.memory_space<hbm>>) dst(%arg8 : memref<2x128xi32, #tpu.memory_space<vmem>>)
      %dma_wait3A_197 = arith.constant 1 : i32
      %dma_wait3A_198 = arith.constant 0 : i32
      %dma_wait3A_199 = tpu.memref_slice %arg6[%dma_wait3A_197, %dma_wait3A_198] : memref<2x128xi32, #tpu.memory_space<vmem>> -> memref<1x128xi32, #tpu.memory_space<vmem>>
      %dma_wait3A_200 = tpu.memref_squeeze %dma_wait3A_199 : memref<1x128xi32, #tpu.memory_space<vmem>> -> memref<128xi32, #tpu.memory_space<vmem>>
      %dma_wait3A_201 = arith.constant 0 : i32
      %dma_wait3A_202 = arith.constant 0 : i32
      %dma_wait3A_203 = tpu.memref_slice %arg12[%dma_wait3A_201, %dma_wait3A_202] : memref<10240x128xf32, #tpu.memory_space<vmem_shared>> -> memref<10240x128xf32, #tpu.memory_space<vmem_shared>>
      tpu.wait_indirect_dma semaphore(%arg20 : memref<!tpu.dma_semaphore, #tpu.memory_space<semaphore_mem>>) src(%arg10 : memref<128x128xf32, #tpu.memory_space<vmem>>) dst(%dma_wait3A_203 : memref<10240x128xf32, #tpu.memory_space<vmem_shared>>)
      %lt3A_204 = arith.constant 19 : i32
      %lt3A_205 = arith.cmpi slt, %add3A_92, %lt3A_204 : i32
      %convert_element_type3A_206 = arith.extui %lt3A_205 : i1 to i32
      %cond3A_207 = arith.constant 0 : i32
      %cond3A_208 = arith.cmpi ne, %convert_element_type3A_206, %cond3A_207 : i32
      scf.if %cond3A_208 {
        %mul3A_230 = arith.constant 4 : i32
        %mul3A_231 = arith.muli %mul3A_230, %add3A_92 : i32
        %add3A_232 = arith.constant 3 : i32
        %add3A_233 = arith.addi %mul3A_231, %add3A_232 : i32
        %add3A_234 = arith.constant 2 : i32
        %add3A_235 = arith.addi %add3A_233, %add3A_234 : i32
        %add3A_236 = arith.addi %mul3A_2, %add3A_235 : i32
        %dma_start3A_237 = arith.constant 0 : i32
        %dma_start3A_238 = arith.constant 0 : i32
        %dma_start3A_239 = tpu.memref_slice %arg3[%add3A_236, %dma_start3A_237, %dma_start3A_238] : memref<2560x2x128xi32, #tpu.memory_space<hbm>> -> memref<1x2x128xi32, #tpu.memory_space<hbm>>
        %dma_start3A_240 = tpu.memref_squeeze %dma_start3A_239 : memref<1x2x128xi32, #tpu.memory_space<hbm>> -> memref<2x128xi32, #tpu.memory_space<hbm>>
        %dma_start3A_241 = arith.constant 0 : i32
        %dma_start3A_242 = arith.constant 0 : i32
        %dma_start3A_243 = tpu.memref_slice %arg3[%add3A_236, %dma_start3A_241, %dma_start3A_242] : memref<2560x2x128xi32, #tpu.memory_space<hbm>> -> memref<1x2x128xi32, #tpu.memory_space<hbm>>
        %dma_start3A_244 = tpu.memref_squeeze %dma_start3A_243 : memref<1x2x128xi32, #tpu.memory_space<hbm>> -> memref<2x128xi32, #tpu.memory_space<hbm>>
        tpu.enqueue_dma source(%dma_start3A_244 : memref<2x128xi32, #tpu.memory_space<hbm>>) target(%arg6 : memref<2x128xi32, #tpu.memory_space<vmem>>) target_semaphore(%arg14 : memref<!tpu.dma_semaphore, #tpu.memory_space<semaphore_mem>>)
      } else {
      }
      %dma_start3A_209 = arith.constant 0 : i32
      %dma_start3A_210 = arith.constant 0 : i32
      %dma_start3A_211 = tpu.memref_slice %arg8[%dma_start3A_209, %dma_start3A_210] : memref<2x128xi32, #tpu.memory_space<vmem>> -> memref<1x128xi32, #tpu.memory_space<vmem>>
      %dma_start3A_212 = tpu.memref_squeeze %dma_start3A_211 : memref<1x128xi32, #tpu.memory_space<vmem>> -> memref<128xi32, #tpu.memory_space<vmem>>
      %dma_start3A_213 = arith.constant 0 : i32
      %dma_start3A_214 = arith.constant 0 : i32
      %dma_start3A_215 = tpu.memref_slice %arg2[%dma_start3A_213, %dma_start3A_214] : memref<10000x128xf32, #tpu.memory_space<hbm>> -> memref<10000x128xf32, #tpu.memory_space<hbm>>
      tpu.enqueue_indirect_dma source(%dma_start3A_215 : memref<10000x128xf32, #tpu.memory_space<hbm>>) target(%arg10 : memref<128x128xf32, #tpu.memory_space<vmem>>) offsets(%dma_start3A_212 : memref<128xi32, #tpu.memory_space<vmem>>) semaphore(%arg18 : memref<!tpu.dma_semaphore, #tpu.memory_space<semaphore_mem>>)
      %dma_wait3A_216 = arith.constant 0 : i32
      %dma_wait3A_217 = arith.constant 0 : i32
      %dma_wait3A_218 = tpu.memref_slice %arg7[%dma_wait3A_216, %dma_wait3A_217] : memref<2x128xi32, #tpu.memory_space<vmem>> -> memref<1x128xi32, #tpu.memory_space<vmem>>
      %dma_wait3A_219 = tpu.memref_squeeze %dma_wait3A_218 : memref<1x128xi32, #tpu.memory_space<vmem>> -> memref<128xi32, #tpu.memory_space<vmem>>
      %dma_wait3A_220 = arith.constant 0 : i32
      %dma_wait3A_221 = arith.constant 0 : i32
      %dma_wait3A_222 = tpu.memref_slice %arg2[%dma_wait3A_220, %dma_wait3A_221] : memref<10000x128xf32, #tpu.memory_space<hbm>> -> memref<10000x128xf32, #tpu.memory_space<hbm>>
      tpu.wait_indirect_dma semaphore(%arg17 : memref<!tpu.dma_semaphore, #tpu.memory_space<semaphore_mem>>) src(%dma_wait3A_222 : memref<10000x128xf32, #tpu.memory_space<hbm>>) dst(%arg9 : memref<128x128xf32, #tpu.memory_space<vmem>>)
      %dma_start3A_223 = arith.constant 1 : i32
      %dma_start3A_224 = arith.constant 0 : i32
      %dma_start3A_225 = tpu.memref_slice %arg7[%dma_start3A_223, %dma_start3A_224] : memref<2x128xi32, #tpu.memory_space<vmem>> -> memref<1x128xi32, #tpu.memory_space<vmem>>
      %dma_start3A_226 = tpu.memref_squeeze %dma_start3A_225 : memref<1x128xi32, #tpu.memory_space<vmem>> -> memref<128xi32, #tpu.memory_space<vmem>>
      %dma_start3A_227 = arith.constant 0 : i32
      %dma_start3A_228 = arith.constant 0 : i32
      %dma_start3A_229 = tpu.memref_slice %arg12[%dma_start3A_227, %dma_start3A_228] : memref<10240x128xf32, #tpu.memory_space<vmem_shared>> -> memref<10240x128xf32, #tpu.memory_space<vmem_shared>>
      tpu.enqueue_indirect_dma source(%arg9 : memref<128x128xf32, #tpu.memory_space<vmem>>) target(%dma_start3A_229 : memref<10240x128xf32, #tpu.memory_space<vmem_shared>>) offsets(%dma_start3A_226 : memref<128xi32, #tpu.memory_space<vmem>>) semaphore(%arg19 : memref<!tpu.dma_semaphore, #tpu.memory_space<semaphore_mem>>) {add = true}
    }
    %scan3A_55 = arith.constant 20 : i32
    %dma_wait3A = arith.constant 0 : i32
    %dma_wait3A_56 = arith.constant 0 : i32
    %dma_wait3A_57 = tpu.memref_slice %arg8[%dma_wait3A, %dma_wait3A_56] : memref<2x128xi32, #tpu.memory_space<vmem>> -> memref<1x128xi32, #tpu.memory_space<vmem>>
    %dma_wait3A_58 = tpu.memref_squeeze %dma_wait3A_57 : memref<1x128xi32, #tpu.memory_space<vmem>> -> memref<128xi32, #tpu.memory_space<vmem>>
    %dma_wait3A_59 = arith.constant 0 : i32
    %dma_wait3A_60 = arith.constant 0 : i32
    %dma_wait3A_61 = tpu.memref_slice %arg2[%dma_wait3A_59, %dma_wait3A_60] : memref<10000x128xf32, #tpu.memory_space<hbm>> -> memref<10000x128xf32, #tpu.memory_space<hbm>>
    tpu.wait_indirect_dma semaphore(%arg18 : memref<!tpu.dma_semaphore, #tpu.memory_space<semaphore_mem>>) src(%dma_wait3A_61 : memref<10000x128xf32, #tpu.memory_space<hbm>>) dst(%arg10 : memref<128x128xf32, #tpu.memory_space<vmem>>)
    %dma_start3A_62 = arith.constant 1 : i32
    %dma_start3A_63 = arith.constant 0 : i32
    %dma_start3A_64 = tpu.memref_slice %arg8[%dma_start3A_62, %dma_start3A_63] : memref<2x128xi32, #tpu.memory_space<vmem>> -> memref<1x128xi32, #tpu.memory_space<vmem>>
    %dma_start3A_65 = tpu.memref_squeeze %dma_start3A_64 : memref<1x128xi32, #tpu.memory_space<vmem>> -> memref<128xi32, #tpu.memory_space<vmem>>
    %dma_start3A_66 = arith.constant 0 : i32
    %dma_start3A_67 = arith.constant 0 : i32
    %dma_start3A_68 = tpu.memref_slice %arg12[%dma_start3A_66, %dma_start3A_67] : memref<10240x128xf32, #tpu.memory_space<vmem_shared>> -> memref<10240x128xf32, #tpu.memory_space<vmem_shared>>
    tpu.enqueue_indirect_dma source(%arg10 : memref<128x128xf32, #tpu.memory_space<vmem>>) target(%dma_start3A_68 : memref<10240x128xf32, #tpu.memory_space<vmem_shared>>) offsets(%dma_start3A_65 : memref<128xi32, #tpu.memory_space<vmem>>) semaphore(%arg20 : memref<!tpu.dma_semaphore, #tpu.memory_space<semaphore_mem>>) {add = true}
    %dma_wait3A_69 = arith.constant 1 : i32
    %dma_wait3A_70 = arith.constant 0 : i32
    %dma_wait3A_71 = tpu.memref_slice %arg7[%dma_wait3A_69, %dma_wait3A_70] : memref<2x128xi32, #tpu.memory_space<vmem>> -> memref<1x128xi32, #tpu.memory_space<vmem>>
    %dma_wait3A_72 = tpu.memref_squeeze %dma_wait3A_71 : memref<1x128xi32, #tpu.memory_space<vmem>> -> memref<128xi32, #tpu.memory_space<vmem>>
    %dma_wait3A_73 = arith.constant 0 : i32
    %dma_wait3A_74 = arith.constant 0 : i32
    %dma_wait3A_75 = tpu.memref_slice %arg12[%dma_wait3A_73, %dma_wait3A_74] : memref<10240x128xf32, #tpu.memory_space<vmem_shared>> -> memref<10240x128xf32, #tpu.memory_space<vmem_shared>>
    tpu.wait_indirect_dma semaphore(%arg19 : memref<!tpu.dma_semaphore, #tpu.memory_space<semaphore_mem>>) src(%arg9 : memref<128x128xf32, #tpu.memory_space<vmem>>) dst(%dma_wait3A_75 : memref<10240x128xf32, #tpu.memory_space<vmem_shared>>)
    %dma_wait3A_76 = arith.constant 1 : i32
    %dma_wait3A_77 = arith.constant 0 : i32
    %dma_wait3A_78 = tpu.memref_slice %arg8[%dma_wait3A_76, %dma_wait3A_77] : memref<2x128xi32, #tpu.memory_space<vmem>> -> memref<1x128xi32, #tpu.memory_space<vmem>>
    %dma_wait3A_79 = tpu.memref_squeeze %dma_wait3A_78 : memref<1x128xi32, #tpu.memory_space<vmem>> -> memref<128xi32, #tpu.memory_space<vmem>>
    %dma_wait3A_80 = arith.constant 0 : i32
    %dma_wait3A_81 = arith.constant 0 : i32
    %dma_wait3A_82 = tpu.memref_slice %arg12[%dma_wait3A_80, %dma_wait3A_81] : memref<10240x128xf32, #tpu.memory_space<vmem_shared>> -> memref<10240x128xf32, #tpu.memory_space<vmem_shared>>
    tpu.wait_indirect_dma semaphore(%arg20 : memref<!tpu.dma_semaphore, #tpu.memory_space<semaphore_mem>>) src(%arg10 : memref<128x128xf32, #tpu.memory_space<vmem>>) dst(%dma_wait3A_82 : memref<10240x128xf32, #tpu.memory_space<vmem_shared>>)
    %barrier3A_83 = arith.constant 0 : index
    tpu.barrier barrier_id(%barrier3A_83)
    %mul3A_84 = arith.constant 640 : i32
    %mul3A_85 = arith.muli %arg1, %mul3A_84 : i32
    %mul3A_86 = arith.constant 640 : i32
    %mul3A_87 = arith.muli %arg1, %mul3A_86 : i32
    "tpu.region"() ({
      %run_scoped3A = tpu.sem_alloc : memref<!tpu.dma_semaphore, #tpu.memory_space<semaphore_mem>>
      %dma_start3A_88 = arith.constant 0 : i32
      %dma_start3A_89 = tpu.memref_slice %arg4[%arg0, %mul3A_87, %dma_start3A_88] : memref<2x10240x128xf32, #tpu.memory_space<hbm>> -> memref<1x640x128xf32, #tpu.memory_space<hbm>>
      %dma_start3A_90 = tpu.memref_squeeze %dma_start3A_89 : memref<1x640x128xf32, #tpu.memory_space<hbm>> -> memref<640x128xf32, #tpu.memory_space<hbm>>
      %dma_start3A_91 = arith.constant 0 : i32
      %dma_start3A_92 = tpu.memref_slice %arg12[%mul3A_85, %dma_start3A_91] : memref<10240x128xf32, #tpu.memory_space<vmem_shared>> -> memref<640x128xf32, #tpu.memory_space<vmem_shared>>
      tpu.enqueue_dma source(%dma_start3A_92 : memref<640x128xf32, #tpu.memory_space<vmem_shared>>) target(%dma_start3A_90 : memref<640x128xf32, #tpu.memory_space<hbm>>) target_semaphore(%run_scoped3A : memref<!tpu.dma_semaphore, #tpu.memory_space<semaphore_mem>>)
      %dma_wait3A_93 = arith.constant 0 : i32
      %dma_wait3A_94 = tpu.memref_slice %arg4[%arg0, %mul3A_87, %dma_wait3A_93] : memref<2x10240x128xf32, #tpu.memory_space<hbm>> -> memref<1x640x128xf32, #tpu.memory_space<hbm>>
      %dma_wait3A_95 = tpu.memref_squeeze %dma_wait3A_94 : memref<1x640x128xf32, #tpu.memory_space<hbm>> -> memref<640x128xf32, #tpu.memory_space<hbm>>
      %dma_wait3A_96 = arith.constant 0 : i32
      %dma_wait3A_97 = tpu.memref_slice %arg12[%mul3A_85, %dma_wait3A_96] : memref<10240x128xf32, #tpu.memory_space<vmem_shared>> -> memref<640x128xf32, #tpu.memory_space<vmem_shared>>
      tpu.wait_dma2 semaphore(%run_scoped3A : memref<!tpu.dma_semaphore, #tpu.memory_space<semaphore_mem>>) src(%dma_wait3A_97 : memref<640x128xf32, #tpu.memory_space<vmem_shared>>) dst(%dma_wait3A_95 : memref<640x128xf32, #tpu.memory_space<hbm>>)
      tpu.yield
    }) : () -> ()
    return
  }
}

module attributes {stable_mosaic.version = 14 : i64} {
  func.func @body(%arg0: i32, %arg1: memref<2000x128xf32, #tpu.memory_space<vmem>>, %arg2: memref<128x128xf32, #tpu.memory_space<vmem>>, %arg3: memref<1x128xf32, #tpu.memory_space<vmem>>, %arg4: memref<2000x128xf32, #tpu.memory_space<vmem>>) attributes {dimension_semantics = [#tpu.dimension_semantics<arbitrary>], iteration_bounds = array<i64: 5>, scalar_prefetch = 0 : i64, scratch_operands = 0 : i64, tpu.core_type = #tpu.core_type<tc>, window_params = [{transform_indices = @transform_0, window_bounds = array<i64: 2000, 128>}, {pipeline_mode = #tpu.pipeline_mode<synchronous>, transform_indices = @transform_1, window_bounds = array<i64: 128, 128>}, {pipeline_mode = #tpu.pipeline_mode<synchronous>, transform_indices = @transform_2, window_bounds = array<i64: 1, 128>}, {transform_indices = @transform_3, window_bounds = array<i64: 2000, 128>}]} {
    %get3A = arith.constant 0 : index
    %get3A_0 = arith.constant 0 : index
    %get3A_1 = vector.load %arg1[%get3A, %get3A_0] : memref<2000x128xf32, #tpu.memory_space<vmem>>, vector<2000x128xf32>
    %get3A_2 = arith.constant 0 : index
    %get3A_3 = arith.constant 0 : index
    %get3A_4 = vector.load %arg2[%get3A_2, %get3A_3] : memref<128x128xf32, #tpu.memory_space<vmem>>, vector<128x128xf32>
    %dot_general3A = arith.constant dense<0.000000e+00> : vector<2000x128xf32>
    %dot_general3A_5 = tpu.matmul %get3A_1, %get3A_4, %dot_general3A {dimension_numbers = #tpu.dot_dimension_numbers<[1], [0], [0], [1], [0, 0, 1, 1], [], []>, precision = #tpu.contract_precision<fp32>, transpose_lhs_hint = false} : vector<2000x128xf32>, vector<128x128xf32>, vector<2000x128xf32> -> vector<2000x128xf32>
    %get3A_6 = arith.constant 0 : index
    %get3A_7 = arith.constant 0 : index
    %get3A_8 = vector.load %arg3[%get3A_6, %get3A_7] : memref<1x128xf32, #tpu.memory_space<vmem>>, vector<1x128xf32>
    %add3A = vector.broadcast %get3A_8 : vector<1x128xf32> to vector<2000x128xf32>
    %add3A_9 = arith.addf %dot_general3A_5, %add3A : vector<2000x128xf32>
    %max3A = arith.constant 0.000000e+00 : f32
    %max3A_10 = vector.broadcast %max3A : f32 to vector<2000x128xf32>
    %max3A_11 = arith.maximumf %add3A_9, %max3A_10 : vector<2000x128xf32>
    %swap3A = arith.constant 0 : index
    %swap3A_12 = arith.constant 0 : index
    %swap3A_13 = vector.load %arg4[%swap3A, %swap3A_12] : memref<2000x128xf32, #tpu.memory_space<vmem>>, vector<2000x128xf32>
    tpu.vector_store %arg4[%swap3A, %swap3A_12], %max3A_11 {strides = array<i32>} : memref<2000x128xf32, #tpu.memory_space<vmem>>, vector<2000x128xf32>,
    return
  }
  func.func @transform_0(%arg0: i32) -> (i32, i32) {
    %c0_i32 = arith.constant 0 : i32
    %c0_i32_0 = arith.constant 0 : i32
    return %arg0, %c0_i32 : i32, i32
  }
  func.func @transform_1(%arg0: i32) -> (i32, i32) {
    %c0_i32 = arith.constant 0 : i32
    %c0_i32_0 = arith.constant 0 : i32
    %c0_i32_1 = arith.constant 0 : i32
    return %c0_i32, %c0_i32_0 : i32, i32
  }
  func.func @transform_2(%arg0: i32) -> (i32, i32) {
    %c0_i32 = arith.constant 0 : i32
    %c0_i32_0 = arith.constant 0 : i32
    %c0_i32_1 = arith.constant 0 : i32
    return %c0_i32, %c0_i32_0 : i32, i32
  }
  func.func @transform_3(%arg0: i32) -> (i32, i32) {
    %c0_i32 = arith.constant 0 : i32
    %c0_i32_0 = arith.constant 0 : i32
    return %arg0, %c0_i32 : i32, i32
  }
}

module attributes {stable_mosaic.version = 14 : i64} {
  func.func @body(%arg0: i32, %arg1: memref<2000x128xf32, #tpu.memory_space<vmem>>, %arg2: memref<2x2000x128xf32, #tpu.memory_space<vmem>>, %arg3: memref<2x2000x128xf32, #tpu.memory_space<vmem>>, %arg4: memref<256x128xf32, #tpu.memory_space<vmem>>, %arg5: memref<1x128xf32, #tpu.memory_space<vmem>>, %arg6: memref<128x128xf32, #tpu.memory_space<vmem>>, %arg7: memref<1x128xf32, #tpu.memory_space<vmem>>, %arg8: memref<2000x128xf32, #tpu.memory_space<vmem>>, %arg9: memref<2000x128xf32, #tpu.memory_space<vmem>>) attributes {dimension_semantics = [#tpu.dimension_semantics<arbitrary>], iteration_bounds = array<i64: 5>, scalar_prefetch = 0 : i64, scratch_operands = 0 : i64, tpu.core_type = #tpu.core_type<tc>, window_params = [{transform_indices = @transform_0, window_bounds = array<i64: 2000, 128>}, {transform_indices = @transform_1, window_bounds = array<i64: 2, 2000, 128>}, {transform_indices = @transform_2, window_bounds = array<i64: 2, 2000, 128>}, {pipeline_mode = #tpu.pipeline_mode<synchronous>, transform_indices = @transform_3, window_bounds = array<i64: 256, 128>}, {pipeline_mode = #tpu.pipeline_mode<synchronous>, transform_indices = @transform_4, window_bounds = array<i64: 1, 128>}, {pipeline_mode = #tpu.pipeline_mode<synchronous>, transform_indices = @transform_5, window_bounds = array<i64: 128, 128>}, {pipeline_mode = #tpu.pipeline_mode<synchronous>, transform_indices = @transform_6, window_bounds = array<i64: 1, 128>}, {transform_indices = @transform_7, window_bounds = array<i64: 2000, 128>}, {transform_indices = @transform_8, window_bounds = array<i64: 2000, 128>}]} {
    %get3A = arith.constant 0 : index
    %get3A_0 = arith.constant 0 : index
    %get3A_1 = vector.load %arg1[%get3A, %get3A_0] : memref<2000x128xf32, #tpu.memory_space<vmem>>, vector<2000x128xf32>
    %get3A_2 = arith.constant 0 : index
    %get3A_3 = arith.constant 0 : index
    %get3A_4 = vector.load %arg4[%get3A_2, %get3A_3] : memref<256x128xf32, #tpu.memory_space<vmem>>, vector<256x128xf32>
    %get3A_5 = arith.constant 0 : index
    %get3A_6 = arith.constant 0 : index
    %get3A_7 = vector.load %arg5[%get3A_5, %get3A_6] : memref<1x128xf32, #tpu.memory_space<vmem>>, vector<1x128xf32>
    %get3A_8 = arith.constant 0 : index
    %get3A_9 = arith.constant 0 : index
    %get3A_10 = arith.constant 0 : index
    %get3A_11 = vector.load %arg3[%get3A_8, %get3A_9, %get3A_10] : memref<2x2000x128xf32, #tpu.memory_space<vmem>>, vector<1x2000x1xf32>
    %get3A_12 = vector.shape_cast %get3A_11 : vector<1x2000x1xf32> to vector<2000x1xf32>
    %get3A_13 = arith.constant 1 : index
    %get3A_14 = arith.constant 0 : index
    %get3A_15 = arith.constant 0 : index
    %get3A_16 = vector.load %arg3[%get3A_13, %get3A_14, %get3A_15] : memref<2x2000x128xf32, #tpu.memory_space<vmem>>, vector<1x2000x1xf32>
    %get3A_17 = vector.shape_cast %get3A_16 : vector<1x2000x1xf32> to vector<2000x1xf32>
    %add3A = arith.addf %get3A_12, %get3A_17 : vector<2000x1xf32>
    %get3A_18 = arith.constant 0 : index
    %get3A_19 = arith.constant 0 : index
    %get3A_20 = arith.constant 0 : index
    %get3A_21 = vector.load %arg2[%get3A_18, %get3A_19, %get3A_20] : memref<2x2000x128xf32, #tpu.memory_space<vmem>>, vector<1x2000x128xf32>
    %get3A_22 = vector.shape_cast %get3A_21 : vector<1x2000x128xf32> to vector<2000x128xf32>
    %get3A_23 = arith.constant 1 : index
    %get3A_24 = arith.constant 0 : index
    %get3A_25 = arith.constant 0 : index
    %get3A_26 = vector.load %arg2[%get3A_23, %get3A_24, %get3A_25] : memref<2x2000x128xf32, #tpu.memory_space<vmem>>, vector<1x2000x128xf32>
    %get3A_27 = vector.shape_cast %get3A_26 : vector<1x2000x128xf32> to vector<2000x128xf32>
    %add3A_28 = arith.addf %get3A_22, %get3A_27 : vector<2000x128xf32>
    %max3A = arith.constant 1.000000e+00 : f32
    %max3A_29 = vector.broadcast %max3A : f32 to vector<2000x1xf32>
    %max3A_30 = arith.maximumf %add3A, %max3A_29 : vector<2000x1xf32>
    %div3A = vector.broadcast %max3A_30 : vector<2000x1xf32> to vector<2000x128xf32>
    %div3A_31 = arith.divf %add3A_28, %div3A : vector<2000x128xf32>
    %concatenate3A = tpu.concatenate %get3A_1, %div3A_31 in 1 : vector<2000x128xf32>, vector<2000x128xf32> -> vector<2000x256xf32>
    %dot_general3A = arith.constant dense<0.000000e+00> : vector<2000x128xf32>
    %dot_general3A_32 = tpu.matmul %concatenate3A, %get3A_4, %dot_general3A {dimension_numbers = #tpu.dot_dimension_numbers<[1], [0], [0], [1], [0, 0, 1, 1], [], []>, precision = #tpu.contract_precision<fp32>, transpose_lhs_hint = false} : vector<2000x256xf32>, vector<256x128xf32>, vector<2000x128xf32> -> vector<2000x128xf32>
    %add3A_33 = vector.broadcast %get3A_7 : vector<1x128xf32> to vector<2000x128xf32>
    %add3A_34 = arith.addf %dot_general3A_32, %add3A_33 : vector<2000x128xf32>
    %max3A_35 = arith.constant 0.000000e+00 : f32
    %max3A_36 = vector.broadcast %max3A_35 : f32 to vector<2000x128xf32>
    %max3A_37 = arith.maximumf %add3A_34, %max3A_36 : vector<2000x128xf32>
    %mul3A = arith.mulf %max3A_37, %max3A_37 : vector<2000x128xf32>
    %reduce_sum3A = arith.constant dense<0.000000e+00> : vector<2000xf32>
    %reduce_sum3A_38 = vector.multi_reduction <add>, %mul3A, %reduce_sum3A [1] : vector<2000x128xf32> to vector<2000xf32>
    %broadcast_in_dim3A = vector.shape_cast %reduce_sum3A_38 : vector<2000xf32> to vector<2000x1xf32>
    %sqrt3A = math.sqrt %broadcast_in_dim3A : vector<2000x1xf32>
    %max3A_39 = arith.constant 9.99999996E-13 : f32
    %max3A_40 = vector.broadcast %max3A_39 : f32 to vector<2000x1xf32>
    %max3A_41 = arith.maximumf %sqrt3A, %max3A_40 : vector<2000x1xf32>
    %div3A_42 = vector.broadcast %max3A_41 : vector<2000x1xf32> to vector<2000x128xf32>
    %div3A_43 = arith.divf %max3A_37, %div3A_42 : vector<2000x128xf32>
    %swap3A = arith.constant 0 : index
    %swap3A_44 = arith.constant 0 : index
    %swap3A_45 = vector.load %arg8[%swap3A, %swap3A_44] : memref<2000x128xf32, #tpu.memory_space<vmem>>, vector<2000x128xf32>
    tpu.vector_store %arg8[%swap3A, %swap3A_44], %div3A_43 {strides = array<i32>} : memref<2000x128xf32, #tpu.memory_space<vmem>>, vector<2000x128xf32>,
    %get3A_46 = arith.constant 0 : index
    %get3A_47 = arith.constant 0 : index
    %get3A_48 = vector.load %arg6[%get3A_46, %get3A_47] : memref<128x128xf32, #tpu.memory_space<vmem>>, vector<128x128xf32>
    %dot_general3A_49 = arith.constant dense<0.000000e+00> : vector<2000x128xf32>
    %dot_general3A_50 = tpu.matmul %div3A_43, %get3A_48, %dot_general3A_49 {dimension_numbers = #tpu.dot_dimension_numbers<[1], [0], [0], [1], [0, 0, 1, 1], [], []>, precision = #tpu.contract_precision<fp32>, transpose_lhs_hint = false} : vector<2000x128xf32>, vector<128x128xf32>, vector<2000x128xf32> -> vector<2000x128xf32>
    %get3A_51 = arith.constant 0 : index
    %get3A_52 = arith.constant 0 : index
    %get3A_53 = vector.load %arg7[%get3A_51, %get3A_52] : memref<1x128xf32, #tpu.memory_space<vmem>>, vector<1x128xf32>
    %add3A_54 = vector.broadcast %get3A_53 : vector<1x128xf32> to vector<2000x128xf32>
    %add3A_55 = arith.addf %dot_general3A_50, %add3A_54 : vector<2000x128xf32>
    %max3A_56 = arith.constant 0.000000e+00 : f32
    %max3A_57 = vector.broadcast %max3A_56 : f32 to vector<2000x128xf32>
    %max3A_58 = arith.maximumf %add3A_55, %max3A_57 : vector<2000x128xf32>
    %swap3A_59 = arith.constant 0 : index
    %swap3A_60 = arith.constant 0 : index
    %swap3A_61 = vector.load %arg9[%swap3A_59, %swap3A_60] : memref<2000x128xf32, #tpu.memory_space<vmem>>, vector<2000x128xf32>
    tpu.vector_store %arg9[%swap3A_59, %swap3A_60], %max3A_58 {strides = array<i32>} : memref<2000x128xf32, #tpu.memory_space<vmem>>, vector<2000x128xf32>,
    return
  }
  func.func @transform_0(%arg0: i32) -> (i32, i32) {
    %c0_i32 = arith.constant 0 : i32
    %c0_i32_0 = arith.constant 0 : i32
    return %arg0, %c0_i32 : i32, i32
  }
  func.func @transform_1(%arg0: i32) -> (i32, i32, i32) {
    %c0_i32 = arith.constant 0 : i32
    %c0_i32_0 = arith.constant 0 : i32
    %c0_i32_1 = arith.constant 0 : i32
    return %c0_i32, %arg0, %c0_i32_0 : i32, i32, i32
  }
  func.func @transform_2(%arg0: i32) -> (i32, i32, i32) {
    %c0_i32 = arith.constant 0 : i32
    %c0_i32_0 = arith.constant 0 : i32
    %c0_i32_1 = arith.constant 0 : i32
    return %c0_i32, %arg0, %c0_i32_0 : i32, i32, i32
  }
  func.func @transform_3(%arg0: i32) -> (i32, i32) {
    %c0_i32 = arith.constant 0 : i32
    %c0_i32_0 = arith.constant 0 : i32
    %c0_i32_1 = arith.constant 0 : i32
    return %c0_i32, %c0_i32_0 : i32, i32
  }
  func.func @transform_4(%arg0: i32) -> (i32, i32) {
    %c0_i32 = arith.constant 0 : i32
    %c0_i32_0 = arith.constant 0 : i32
    %c0_i32_1 = arith.constant 0 : i32
    return %c0_i32, %c0_i32_0 : i32, i32
  }
  func.func @transform_5(%arg0: i32) -> (i32, i32) {
    %c0_i32 = arith.constant 0 : i32
    %c0_i32_0 = arith.constant 0 : i32
    %c0_i32_1 = arith.constant 0 : i32
    return %c0_i32, %c0_i32_0 : i32, i32
  }
  func.func @transform_6(%arg0: i32) -> (i32, i32) {
    %c0_i32 = arith.constant 0 : i32
    %c0_i32_0 = arith.constant 0 : i32
    %c0_i32_1 = arith.constant 0 : i32
    return %c0_i32, %c0_i32_0 : i32, i32
  }
  func.func @transform_7(%arg0: i32) -> (i32, i32) {
    %c0_i32 = arith.constant 0 : i32
    %c0_i32_0 = arith.constant 0 : i32
    return %arg0, %c0_i32 : i32, i32
  }
  func.func @transform_8(%arg0: i32) -> (i32, i32) {
    %c0_i32 = arith.constant 0 : i32
    %c0_i32_0 = arith.constant 0 : i32
    return %arg0, %c0_i32 : i32, i32
  }
}

module attributes {stable_mosaic.version = 14 : i64} {
  func.func @body(%arg0: i32, %arg1: memref<2000x128xf32, #tpu.memory_space<vmem>>, %arg2: memref<2x2000x128xf32, #tpu.memory_space<vmem>>, %arg3: memref<2x2000x128xf32, #tpu.memory_space<vmem>>, %arg4: memref<256x128xf32, #tpu.memory_space<vmem>>, %arg5: memref<1x128xf32, #tpu.memory_space<vmem>>, %arg6: memref<128x128xf32, #tpu.memory_space<vmem>>, %arg7: memref<1x128xf32, #tpu.memory_space<vmem>>, %arg8: memref<128x64xf32, #tpu.memory_space<vmem>>, %arg9: memref<1x64xf32, #tpu.memory_space<vmem>>, %arg10: memref<2000x64xf32, #tpu.memory_space<vmem>>) attributes {dimension_semantics = [#tpu.dimension_semantics<arbitrary>], iteration_bounds = array<i64: 5>, scalar_prefetch = 0 : i64, scratch_operands = 0 : i64, tpu.core_type = #tpu.core_type<tc>, window_params = [{transform_indices = @transform_0, window_bounds = array<i64: 2000, 128>}, {transform_indices = @transform_1, window_bounds = array<i64: 2, 2000, 128>}, {transform_indices = @transform_2, window_bounds = array<i64: 2, 2000, 128>}, {pipeline_mode = #tpu.pipeline_mode<synchronous>, transform_indices = @transform_3, window_bounds = array<i64: 256, 128>}, {pipeline_mode = #tpu.pipeline_mode<synchronous>, transform_indices = @transform_4, window_bounds = array<i64: 1, 128>}, {pipeline_mode = #tpu.pipeline_mode<synchronous>, transform_indices = @transform_5, window_bounds = array<i64: 128, 128>}, {pipeline_mode = #tpu.pipeline_mode<synchronous>, transform_indices = @transform_6, window_bounds = array<i64: 1, 128>}, {pipeline_mode = #tpu.pipeline_mode<synchronous>, transform_indices = @transform_7, window_bounds = array<i64: 128, 64>}, {pipeline_mode = #tpu.pipeline_mode<synchronous>, transform_indices = @transform_8, window_bounds = array<i64: 1, 64>}, {transform_indices = @transform_9, window_bounds = array<i64: 2000, 64>}]} {
    %get3A = arith.constant 0 : index
    %get3A_0 = arith.constant 0 : index
    %get3A_1 = vector.load %arg1[%get3A, %get3A_0] : memref<2000x128xf32, #tpu.memory_space<vmem>>, vector<2000x128xf32>
    %get3A_2 = arith.constant 0 : index
    %get3A_3 = arith.constant 0 : index
    %get3A_4 = vector.load %arg4[%get3A_2, %get3A_3] : memref<256x128xf32, #tpu.memory_space<vmem>>, vector<256x128xf32>
    %get3A_5 = arith.constant 0 : index
    %get3A_6 = arith.constant 0 : index
    %get3A_7 = vector.load %arg5[%get3A_5, %get3A_6] : memref<1x128xf32, #tpu.memory_space<vmem>>, vector<1x128xf32>
    %get3A_8 = arith.constant 0 : index
    %get3A_9 = arith.constant 0 : index
    %get3A_10 = arith.constant 0 : index
    %get3A_11 = vector.load %arg3[%get3A_8, %get3A_9, %get3A_10] : memref<2x2000x128xf32, #tpu.memory_space<vmem>>, vector<1x2000x1xf32>
    %get3A_12 = vector.shape_cast %get3A_11 : vector<1x2000x1xf32> to vector<2000x1xf32>
    %get3A_13 = arith.constant 1 : index
    %get3A_14 = arith.constant 0 : index
    %get3A_15 = arith.constant 0 : index
    %get3A_16 = vector.load %arg3[%get3A_13, %get3A_14, %get3A_15] : memref<2x2000x128xf32, #tpu.memory_space<vmem>>, vector<1x2000x1xf32>
    %get3A_17 = vector.shape_cast %get3A_16 : vector<1x2000x1xf32> to vector<2000x1xf32>
    %add3A = arith.addf %get3A_12, %get3A_17 : vector<2000x1xf32>
    %get3A_18 = arith.constant 0 : index
    %get3A_19 = arith.constant 0 : index
    %get3A_20 = arith.constant 0 : index
    %get3A_21 = vector.load %arg2[%get3A_18, %get3A_19, %get3A_20] : memref<2x2000x128xf32, #tpu.memory_space<vmem>>, vector<1x2000x128xf32>
    %get3A_22 = vector.shape_cast %get3A_21 : vector<1x2000x128xf32> to vector<2000x128xf32>
    %get3A_23 = arith.constant 1 : index
    %get3A_24 = arith.constant 0 : index
    %get3A_25 = arith.constant 0 : index
    %get3A_26 = vector.load %arg2[%get3A_23, %get3A_24, %get3A_25] : memref<2x2000x128xf32, #tpu.memory_space<vmem>>, vector<1x2000x128xf32>
    %get3A_27 = vector.shape_cast %get3A_26 : vector<1x2000x128xf32> to vector<2000x128xf32>
    %add3A_28 = arith.addf %get3A_22, %get3A_27 : vector<2000x128xf32>
    %max3A = arith.constant 1.000000e+00 : f32
    %max3A_29 = vector.broadcast %max3A : f32 to vector<2000x1xf32>
    %max3A_30 = arith.maximumf %add3A, %max3A_29 : vector<2000x1xf32>
    %div3A = vector.broadcast %max3A_30 : vector<2000x1xf32> to vector<2000x128xf32>
    %div3A_31 = arith.divf %add3A_28, %div3A : vector<2000x128xf32>
    %concatenate3A = tpu.concatenate %get3A_1, %div3A_31 in 1 : vector<2000x128xf32>, vector<2000x128xf32> -> vector<2000x256xf32>
    %dot_general3A = arith.constant dense<0.000000e+00> : vector<2000x128xf32>
    %dot_general3A_32 = tpu.matmul %concatenate3A, %get3A_4, %dot_general3A {dimension_numbers = #tpu.dot_dimension_numbers<[1], [0], [0], [1], [0, 0, 1, 1], [], []>, precision = #tpu.contract_precision<fp32>, transpose_lhs_hint = false} : vector<2000x256xf32>, vector<256x128xf32>, vector<2000x128xf32> -> vector<2000x128xf32>
    %add3A_33 = vector.broadcast %get3A_7 : vector<1x128xf32> to vector<2000x128xf32>
    %add3A_34 = arith.addf %dot_general3A_32, %add3A_33 : vector<2000x128xf32>
    %max3A_35 = arith.constant 0.000000e+00 : f32
    %max3A_36 = vector.broadcast %max3A_35 : f32 to vector<2000x128xf32>
    %max3A_37 = arith.maximumf %add3A_34, %max3A_36 : vector<2000x128xf32>
    %mul3A = arith.mulf %max3A_37, %max3A_37 : vector<2000x128xf32>
    %reduce_sum3A = arith.constant dense<0.000000e+00> : vector<2000xf32>
    %reduce_sum3A_38 = vector.multi_reduction <add>, %mul3A, %reduce_sum3A [1] : vector<2000x128xf32> to vector<2000xf32>
    %broadcast_in_dim3A = vector.shape_cast %reduce_sum3A_38 : vector<2000xf32> to vector<2000x1xf32>
    %sqrt3A = math.sqrt %broadcast_in_dim3A : vector<2000x1xf32>
    %max3A_39 = arith.constant 9.99999996E-13 : f32
    %max3A_40 = vector.broadcast %max3A_39 : f32 to vector<2000x1xf32>
    %max3A_41 = arith.maximumf %sqrt3A, %max3A_40 : vector<2000x1xf32>
    %div3A_42 = vector.broadcast %max3A_41 : vector<2000x1xf32> to vector<2000x128xf32>
    %div3A_43 = arith.divf %max3A_37, %div3A_42 : vector<2000x128xf32>
    %get3A_44 = arith.constant 0 : index
    %get3A_45 = arith.constant 0 : index
    %get3A_46 = vector.load %arg6[%get3A_44, %get3A_45] : memref<128x128xf32, #tpu.memory_space<vmem>>, vector<128x128xf32>
    %dot_general3A_47 = arith.constant dense<0.000000e+00> : vector<2000x128xf32>
    %dot_general3A_48 = tpu.matmul %div3A_43, %get3A_46, %dot_general3A_47 {dimension_numbers = #tpu.dot_dimension_numbers<[1], [0], [0], [1], [0, 0, 1, 1], [], []>, precision = #tpu.contract_precision<fp32>, transpose_lhs_hint = false} : vector<2000x128xf32>, vector<128x128xf32>, vector<2000x128xf32> -> vector<2000x128xf32>
    %get3A_49 = arith.constant 0 : index
    %get3A_50 = arith.constant 0 : index
    %get3A_51 = vector.load %arg7[%get3A_49, %get3A_50] : memref<1x128xf32, #tpu.memory_space<vmem>>, vector<1x128xf32>
    %add3A_52 = vector.broadcast %get3A_51 : vector<1x128xf32> to vector<2000x128xf32>
    %add3A_53 = arith.addf %dot_general3A_48, %add3A_52 : vector<2000x128xf32>
    %get3A_54 = arith.constant 0 : index
    %get3A_55 = arith.constant 0 : index
    %get3A_56 = vector.load %arg8[%get3A_54, %get3A_55] : memref<128x64xf32, #tpu.memory_space<vmem>>, vector<128x64xf32>
    %dot_general3A_57 = arith.constant dense<0.000000e+00> : vector<2000x64xf32>
    %dot_general3A_58 = tpu.matmul %add3A_53, %get3A_56, %dot_general3A_57 {dimension_numbers = #tpu.dot_dimension_numbers<[1], [0], [0], [1], [0, 0, 1, 1], [], []>, precision = #tpu.contract_precision<fp32>, transpose_lhs_hint = false} : vector<2000x128xf32>, vector<128x64xf32>, vector<2000x64xf32> -> vector<2000x64xf32>
    %get3A_59 = arith.constant 0 : index
    %get3A_60 = arith.constant 0 : index
    %get3A_61 = vector.load %arg9[%get3A_59, %get3A_60] : memref<1x64xf32, #tpu.memory_space<vmem>>, vector<1x64xf32>
    %add3A_62 = vector.broadcast %get3A_61 : vector<1x64xf32> to vector<2000x64xf32>
    %add3A_63 = arith.addf %dot_general3A_58, %add3A_62 : vector<2000x64xf32>
    %reduce_max3A = arith.constant dense<0xFF800000> : vector<2000xf32>
    %reduce_max3A_64 = vector.multi_reduction <maximumf>, %add3A_63, %reduce_max3A [1] : vector<2000x64xf32> to vector<2000xf32>
    %broadcast_in_dim3A_65 = vector.shape_cast %reduce_max3A_64 : vector<2000xf32> to vector<2000x1xf32>
    %sub3A = vector.broadcast %broadcast_in_dim3A_65 : vector<2000x1xf32> to vector<2000x64xf32>
    %sub3A_66 = arith.subf %add3A_63, %sub3A : vector<2000x64xf32>
    %exp3A = math.exp %sub3A_66 : vector<2000x64xf32>
    %reduce_sum3A_67 = arith.constant dense<0.000000e+00> : vector<2000xf32>
    %reduce_sum3A_68 = vector.multi_reduction <add>, %exp3A, %reduce_sum3A_67 [1] : vector<2000x64xf32> to vector<2000xf32>
    %broadcast_in_dim3A_69 = vector.shape_cast %reduce_sum3A_68 : vector<2000xf32> to vector<2000x1xf32>
    %log3A = math.log %broadcast_in_dim3A_69 : vector<2000x1xf32>
    %add3A_70 = arith.addf %broadcast_in_dim3A_65, %log3A : vector<2000x1xf32>
    %sub3A_71 = vector.broadcast %add3A_70 : vector<2000x1xf32> to vector<2000x64xf32>
    %sub3A_72 = arith.subf %add3A_63, %sub3A_71 : vector<2000x64xf32>
    %swap3A = arith.constant 0 : index
    %swap3A_73 = arith.constant 0 : index
    %swap3A_74 = vector.load %arg10[%swap3A, %swap3A_73] : memref<2000x64xf32, #tpu.memory_space<vmem>>, vector<2000x64xf32>
    tpu.vector_store %arg10[%swap3A, %swap3A_73], %sub3A_72 {strides = array<i32>} : memref<2000x64xf32, #tpu.memory_space<vmem>>, vector<2000x64xf32>,
    return
  }
  func.func @transform_0(%arg0: i32) -> (i32, i32) {
    %c0_i32 = arith.constant 0 : i32
    %c0_i32_0 = arith.constant 0 : i32
    return %arg0, %c0_i32 : i32, i32
  }
  func.func @transform_1(%arg0: i32) -> (i32, i32, i32) {
    %c0_i32 = arith.constant 0 : i32
    %c0_i32_0 = arith.constant 0 : i32
    %c0_i32_1 = arith.constant 0 : i32
    return %c0_i32, %arg0, %c0_i32_0 : i32, i32, i32
  }
  func.func @transform_2(%arg0: i32) -> (i32, i32, i32) {
    %c0_i32 = arith.constant 0 : i32
    %c0_i32_0 = arith.constant 0 : i32
    %c0_i32_1 = arith.constant 0 : i32
    return %c0_i32, %arg0, %c0_i32_0 : i32, i32, i32
  }
  func.func @transform_3(%arg0: i32) -> (i32, i32) {
    %c0_i32 = arith.constant 0 : i32
    %c0_i32_0 = arith.constant 0 : i32
    %c0_i32_1 = arith.constant 0 : i32
    return %c0_i32, %c0_i32_0 : i32, i32
  }
  func.func @transform_4(%arg0: i32) -> (i32, i32) {
    %c0_i32 = arith.constant 0 : i32
    %c0_i32_0 = arith.constant 0 : i32
    %c0_i32_1 = arith.constant 0 : i32
    return %c0_i32, %c0_i32_0 : i32, i32
  }
  func.func @transform_5(%arg0: i32) -> (i32, i32) {
    %c0_i32 = arith.constant 0 : i32
    %c0_i32_0 = arith.constant 0 : i32
    %c0_i32_1 = arith.constant 0 : i32
    return %c0_i32, %c0_i32_0 : i32, i32
  }
  func.func @transform_6(%arg0: i32) -> (i32, i32) {
    %c0_i32 = arith.constant 0 : i32
    %c0_i32_0 = arith.constant 0 : i32
    %c0_i32_1 = arith.constant 0 : i32
    return %c0_i32, %c0_i32_0 : i32, i32
  }
  func.func @transform_7(%arg0: i32) -> (i32, i32) {
    %c0_i32 = arith.constant 0 : i32
    %c0_i32_0 = arith.constant 0 : i32
    %c0_i32_1 = arith.constant 0 : i32
    return %c0_i32, %c0_i32_0 : i32, i32
  }
  func.func @transform_8(%arg0: i32) -> (i32, i32) {
    %c0_i32 = arith.constant 0 : i32
    %c0_i32_0 = arith.constant 0 : i32
    %c0_i32_1 = arith.constant 0 : i32
    return %c0_i32, %c0_i32_0 : i32, i32
  }
  func.func @transform_9(%arg0: i32) -> (i32, i32) {
    %c0_i32 = arith.constant 0 : i32
    %c0_i32_0 = arith.constant 0 : i32
    return %arg0, %c0_i32 : i32, i32
  }
}

</mosaic_0001>

<sc_bundles>
// kernel: kernel.10.cloned.1.call-start
scs
__scs_entry_jumppad:
0x0: {  	(pc) =	sbr.rel $0x88, $3  }
0x1: {  	(tag) =	ssettag $0x0;
	lr =	simm.s32 $0x1  }
0x2: {  	[smem:$0x3F93] =	sst lr;
	_ =	strace $0xD0000000  }
0x3: {  	_ = 	snop  }
0x4: {  	_ = 	snop  }
0x5: {  	_ = 	snop  }
0x6: {  	_ = 	snop  }
0x7: {  	_ = 	snop  }
__scs_overlays_trampoline_lowered:
0x8: {  	[smem:$0x3FA2] =	sst s0  }
0x9: {  	[smem:$0x3FA3] =	sst s1  }
0xa: {  	[smem:$0x3FA4] =	sst s2  }
0xb: {  	[smem:$0x3FA5] =	sst s3  }
0xc: {  	[smem:$0x3FA6] =	sst s4  }
0xd: {  	[smem:$0x3FA7] =	sst s5  }
0xe: {  	[smem:$0x3FA8] =	sst s6  }
0xf: {  	[smem:$0x3FA9] =	sst s7  }
0x10: {  	[smem:$0x3FAA] =	sst s8  }
0x11: {  	[smem:$0x3FAB] =	sst s9;
	s0 =	simm.s32 @!p0 $0x0  }
0x12: {  	s1 =	sld [smem:$0x3F91];
	s0 =	simm.s32 @p0 $0x1  }
0x13: {  	[smem:$0x3FAC] =	sst s0;
	s0 =	simm.s32 @!p1 $0x0  }
0x14: {  	s2 =	sld [smem:$0x3F90];
	s0 =	simm.s32 @p1 $0x1  }
0x15: {  	[smem:$0x3FAD] =	sst s0;
	s0 =	simm.s32 @!p2 $0x0  }
0x16: {  	s3 =	sld [smem:$0x3FDB];
	s0 =	simm.s32 @p2 $0x1  }
0x17: {  	s4 =	simm.s32 $0x1BF5;
	[smem:$0x3FAF] =	sst s0  }
0x18: {  	s0 =	sld [smem:$0x3F92];
	_ =	swait.ge [sflag:s4], $0x0  }
0x19: {  	s7 =	sld [smem:$0x3F93]  }
0x1a: {  	s8 =	sadd.s32 $0xFFFFE003, lr  }
0x1b: {  	s9 =	sadd.s32 $0xFFFFFEF7, lr;
	s5 =	simm.s32 $0xFFFFFFFF;
	p2 =	slt.u32 s8, $0xFFFFF086  }
0x1c: {  	p1 =	slt.u32 s9, $0xF7A;
	s5 =	simm.s32 @!p2 $0x0  }
0x1d: {  	s5 =	simm.s32 @p1 $0x1;
	p0 =	seq.s32 s7, s2  }
0x1e: {  	s7 =	smul.u32 @!p0 $0xF7A, s2;
	p2 =	seq.s32 @!p0 s5, $0x0  }
0x1f: {  	s9 =	smul.u32 $0xF7A, s1;
	s8 =	simm.s32 @!p0 $0x1BF5;
	p2 =	por !p2, p0  }
0x20: {  	[sflag:s8] =	ssyncset.s32 @!p0 $0xFFFFF086;
	s6 =	sadd.s32 @!p0 s3, s7;
	s7 =	simm.s32 @!p0 $0x108  }
0x21: {  	s3 =	sadd.s32 s3, s9;
	s6 =	sadd.s32 @!p0 $0x88, s6;
	s7 =	simm.s32 @p2 $0x1082  }
0x22: {  	[simem:s7], [sflag:s8] =	dma.local @!p0 [hbm:s6], $0xF7A  }
0x23: {  	s9 =	sor.u32 $0xD0000000, s2;
	s6 =	simm.s32 $0x108;
	_ =	swait.ge @!p0 [sflag:s8], $0x0  }
0x24: {  	s3 =	sadd.s32 $0x88, s3;
	s6 =	simm.s32 @!p1 $0x1082;
	[sflag:s4] =	ssyncset.s32 $0xFFFFF086  }
0x25: {  	[simem:s6], [sflag:s4] =	dma.local [hbm:s3], $0xF7A  }
0x26: {  	[smem:$0x3F93] =	sst s1;
	(tag) =	ssettag s2;
	_ =	strace s9  }
0x27: {  	s1 =	sld [smem:$0x3FA3]  }
0x28: {  	s2 =	sld [smem:$0x3FA4]  }
0x29: {  	s4 =	sld [smem:$0x3FA6]  }
0x2a: {  	p0 =	seq.s32 s5, $0x0;
	s5 =	sld [smem:$0x3FA7]  }
0x2b: {  	s6 =	sld [smem:$0x3FA8]  }
0x2c: {  	s7 =	sld [smem:$0x3FA9]  }
0x2d: {  	s3 =	simm.s32 $0x108;
	s8 =	sld [smem:$0x3FAA]  }
0x2e: {  	s3 =	simm.s32 @!p0 $0x1082;
	s9 =	sld [smem:$0x3FAB]  }
0x2f: {  	lr =	sadd.s32 s0, s3;
	s0 =	sld [smem:$0x3FA2]  }
0x30: {  	s3 =	sld [smem:$0x3FA5]  }
0x31: {  	[smem:$0x3FAE] =	sst s10  }
0x32: {  	s10 =	sld [smem:$0x3FAC];
	_ =	sdelay $0x3  }
0x33: {  	p0 =	seq.s32 s10, $0x1;
	s10 =	sld [smem:$0x3FAE];
	_ =	sdelay $0x3  }
0x34: {  	[smem:$0x3FAE] =	sst s10  }
0x35: {  	s10 =	sld [smem:$0x3FAD];
	_ =	sdelay $0x3  }
0x36: {  	p1 =	seq.s32 s10, $0x1;
	s10 =	sld [smem:$0x3FAE];
	_ =	sdelay $0x3  }
0x37: {  	[smem:$0x3FAE] =	sst s10  }
0x38: {  	s10 =	sld [smem:$0x3FAF]  }
0x39: {  	_ = 	snop;
	(pc) =	sbr.ind lr, $3  }
0x3a: {  	_ = 	snop  }
0x3b: {  	_ = 	snop  }
0x3c: {  	p2 =	seq.s32 s10, $0x1;
	s10 =	sld [smem:$0x3FAE]  }
0x3d: {  	_ =	shalt  }
0x3e: {  	_ =	shalt  }
0x3f: {  	_ =	shalt  }
0x40: {  	_ =	shalt  }
0x41: {  	_ =	shalt  }
0x42: {  	_ =	shalt  }
0x43: {  	_ =	shalt  }
0x44: {  	_ =	shalt  }
0x45: {  	_ =	shalt  }
0x46: {  	_ =	shalt  }
0x47: {  	_ =	shalt  }
0x48: {  	_ =	shalt  }
0x49: {  	_ =	shalt  }
0x4a: {  	_ =	shalt  }
0x4b: {  	_ =	shalt  }
0x4c: {  	_ =	shalt  }
0x4d: {  	_ =	shalt  }
0x4e: {  	_ =	shalt  }
0x4f: {  	_ =	shalt  }
0x50: {  	_ =	shalt  }
0x51: {  	_ =	shalt  }
0x52: {  	_ =	shalt  }
0x53: {  	_ =	shalt  }
0x54: {  	_ =	shalt  }
0x55: {  	_ =	shalt  }
0x56: {  	_ =	shalt  }
0x57: {  	_ =	shalt  }
0x58: {  	_ =	shalt  }
0x59: {  	_ =	shalt  }
0x5a: {  	_ =	shalt  }
0x5b: {  	_ =	shalt  }
0x5c: {  	_ =	shalt  }
0x5d: {  	_ =	shalt  }
0x5e: {  	_ =	shalt  }
0x5f: {  	_ =	shalt  }
0x60: {  	_ =	shalt  }
0x61: {  	_ =	shalt  }
0x62: {  	_ =	shalt  }
0x63: {  	_ =	shalt  }
0x64: {  	_ =	shalt  }
0x65: {  	_ =	shalt  }
0x66: {  	_ =	shalt  }
0x67: {  	_ =	shalt  }
0x68: {  	_ =	shalt  }
0x69: {  	_ =	shalt  }
0x6a: {  	_ =	shalt  }
0x6b: {  	_ =	shalt  }
0x6c: {  	_ =	shalt  }
0x6d: {  	_ =	shalt  }
0x6e: {  	_ =	shalt  }
0x6f: {  	_ =	shalt  }
0x70: {  	_ =	shalt  }
0x71: {  	_ =	shalt  }
0x72: {  	_ =	shalt  }
0x73: {  	_ =	shalt  }
0x74: {  	_ =	shalt  }
0x75: {  	_ =	shalt  }
0x76: {  	_ =	shalt  }
0x77: {  	_ =	shalt  }
0x78: {  	_ =	shalt  }
0x79: {  	_ =	shalt  }
0x7a: {  	_ =	shalt  }
0x7b: {  	_ =	shalt  }
0x7c: {  	_ =	shalt  }
0x7d: {  	_ =	shalt  }
0x7e: {  	_ =	shalt  }
0x7f: {  	_ =	shalt  }
0x80: {  	_ =	shalt  }
0x81: {  	_ =	shalt  }
0x82: {  	_ =	shalt  }
0x83: {  	_ =	shalt  }
0x84: {  	_ =	shalt  }
0x85: {  	_ =	shalt  }
0x86: {  	_ =	shalt  }
0x87: {  	_ =	shalt  }
.Lfunc_end0:
.L_simem_size_0:
called_computation.1_lowered:
.L_overlay_start_0:
0x88: {  	s2 =	sld [smem:$0x3FD9]  }
0x89: {  	s3 =	sld [smem:$0x3FFE];
	_ =	sdelay $0x1  }
0x8a: {  	s1 =	srdreg.scid  }
0x8b: {  	s0 =	sand.u32 $0x1, s1  }
0x8c: {  	s16 =	sshll.u32 s0, $0xA;
	s2 =	sadd.s32 s3, s2  }
0x8d: {  	s2 =	sadd.s32 s2, s16  }
0x8e: {  	[smem:$0x3FBA] =	sst s2  }
0x8f: {  	_ = 	snop  }
0x90: {  	(tm) =	ssettm $0x1  }
0x91: {  	s17 =	sld [smem:$0x3FFB];
	_ =	sdelay $0x3  }
0x92: {  	_ =	strace s17  }
0x93: {  	s2 =	sld [smem:$0x3FFC];
	_ =	sdelay $0x3  }
0x94: {  	_ =	strace s2  }
0x95: {  	s2 =	sld [smem:$0x3FFD];
	_ =	sdelay $0x3  }
0x96: {  	_ =	strace s2  }
0x97: {  	_ =	strace $0x8FFFFFFF  }
0x98: {  	s18 =	sld [smem:$0x3FDB];
	_ =	sdelay $0x1  }
0x99: {  	s19 =	simm.s32 $_scs_section_size  }
0x9a: {  	s4 =	simm.s32 $_size__tile_overlayer_lowered;
	s5 =	simm.s32 $_tile_overlayer_lowered  }
0x9b: {  	s22 =	simm.s32 $0x1BFF;
	s21 =	sshll.u32 s5, $0x1;
	s2 =	sadd.s32 s19, s18  }
0x9c: {  	s6 =	simm.s32 $0x0;
	s20 =	sshll.u32 s4, $0x1;
	s4 =	sadd.s32 s21, s2  }
0x9d: {  	[timem:s6], [sflag:s22] =	dma.local [hbm:s4], s20  }
0x9e: {  	_ =	swait.ge [sflag:s22], s20  }
0x9f: {  	s3 =	ssub.s32 $0x0, s20;
	[sflag:s22] =	ssyncset.done $0x0  }
0xa0: {  	[sflag:s22] =	ssyncadd.s32 s3;
	_ =	sdelay $0x1  }
0xa1: {  	s23 =	simm.s32 $0x1B8B  }
0xa2: {  	_ =	swait.ge [sflag:s23], $0x1  }
0xa3: {  	[sflag:s23] =	ssyncset.done $0x0  }
0xa4: {  	s25 =	simm.s32 $0x1B8E;
	s24 =	sld [smem:$0x3FFE];
	[sflag:s23] =	ssyncadd.s32 $0xFFFFFFFF  }
0xa5: {  	s26 =	simm.s32 $execute0_lowered;
	[smem:$0x3FD2] =	sst s25  }
0xa6: {  	s4 =	sshll.u32 s26, $0x1;
	_ =	strace $0x80000049;
	[dreg:$0x1] =	wrdreg $0xFFFFFFFF  }
0xa7: {  	s28 =	simm.s32 $_size_execute0_lowered;
	s2 =	sadd.s32 s2, s4;
	[dreg:$0x0] =	wrdreg $0x0  }
0xa8: {  	s4 =	sshll.u32 s28, $0x1;
	[dreg:$0x2] =	wrdreg s2  }
0xa9: {  	[dreg:$0x3] =	wrdreg s4  }
0xaa: {  	[dreg:$0x4] =	wrdreg $0xC0  }
0xab: {  	_ =	task [dreg:s6], $0x5FFFF  }
0xac: {  	[dreg:$0x1] =	wrdreg $0xFFFFFFFF  }
0xad: {  	[dreg:$0x0] =	wrdreg $0x60  }
0xae: {  	[dreg:$0x2] =	wrdreg s24  }
0xaf: {  	[dreg:$0x3] =	wrdreg $0xA4000  }
0xb0: {  	[dreg:$0x4] =	wrdreg $0x9  }
0xb1: {  	_ =	task.clear_ibuf [dreg:s6], $0x5FFFF;
	_ =	strace $0x90000049  }
0xb2: {  	s29 =	simm.s32 $0x9;
	_ =	strace $0x8000004B  }
0xb3: {  	_ =	swait.ge [sflag:s29], $0x1  }
0xb4: {  	[sflag:s29] =	ssyncadd.s32 $0xFFFFFFFF  }
0xb5: {  	_ =	strace $0x9000004B  }
0xb6: {  	_ =	sfence  }
0xb7: {  	s30 =	sld [smem:$0x0];
	_ =	sdelay $0x2  }
0xb8: {  	s31 =	sshll.u32 s1, $0xD;
	s1 =	sshrl.u32 s1, $0x2  }
0xb9: {  	s3 =	sand.u32 $0x4000, s31;
	s1 =	sadd.s32 s1, s30  }
0xba: {  	s0 =	sor.u32 s3, s0;
	s1 =	sshll.u32 s1, $0x11  }
0xbb: {  	s0 =	sor.u32 s1, s0  }
0xbc: {  	s0 =	sadd.s32 $0x8F2B, s0  }
0xbd: {  	[sflag:s0] =	ssyncadd.remote.s32 $0x1  }
0xbe: {  	_ =	sfence.sel $0xFFFF  }
0xbf: {  	[dreg:$0x0] =	wrdreg $0xFFFFFFFF;
	(pc) =	sbr.abs _section_cstart, $3  }
0xc0: {  	[dreg:$0x1] =	wrdreg $0xFFFFFFFF  }
0xc1: {  	_ =	task.clear_ibuf [dreg:s6], $0x2FFFF;
	_ =	strace $0x9FFFFFFF  }
0xc2: {  	(tm) =	ssettm $0x7FFFFFFF  }
0xc3: {  	_ =	shalt  }
tec
execute0_lowered:
.L_overlay_start_1:
0x0: {  	(tag) =	ssettag $0x1  }
0x1: {  	s0 =	rddreg [dreg:$0x0]  }
0x2: {  	s1 =	rddreg [dreg:$0x1]  }
0x3: {  	s2 =	srdreg.scid;
	s12 =	stileid.u32  }
0x4: {  	s3 =	simm.s32 $0x0;
	s28 =	simm.s32 $0x80;
	s6 =	smul.u32 $0x14000, s12  }
0x5: {  	s29 =	simm.s32 $0x4400;
	s30 =	simm.s32 $0x5;
	s9 =	smul.u32 $0x50000, s12  }
0x6: {  	s31 =	simm.s32 $0x400;
	s2 =	sand.u32 $0x1, s2;
	s17 =	smul.u32 $0x50, s12  }
0x7: {  	[smem:$0x7FF] =	sst s3;
	s4 =	sadd.s32 $0x16C00, s0;
	s20 =	smul.u32 $0xA00, s12  }
0x8: {  	s10 =	sadd.s32 $0x2C00, s0;
	s25 =	sadd.s32 $0x2C40, s0;
	s5 =	smul.u32 $0x140000, s2  }
0x9: {  	_ =	strace $0x8000004A;
	s7 =	sshll.u32 s2, $0x4;
	s14 =	smul.u32 $0xA000, s2  }
0xa: {  	s24 =	ssub.s32 $0x2, s2;
	s2 =	smul.u32 $0x500, s2;
	s7 =	sor.u32 s12, s7  }
0xb: {  	s8 =	sshrl.u32 s24, $0x1;
	s13 =	sshrl.u32 s9, $0x2;
	s5 =	sadd.s32 s6, s5  }
0xc: {  	s7 =	smul.u32 $0xA00, s7;
	s6 =	ssub.s32 s24, s8;
	s9 =	sadd.s32 s13, s1  }
0xd: {  	s21 =	sadd.s32 s14, s10;
	s2 =	sadd.s32 s17, s2;
	s8 =	simm.s32 $0x8  }
0xe: {  	s5 =	sshrl.u32 s5, $0x3;
	s15 =	smax.u32 s6, $0x1;
	s16 =	sadd.s32 $0x2000, s9  }
0xf: {  	s18 =	sadd.s32 $0x4000, s9;
	s19 =	sadd.s32 $0x6000, s9;
	[dreg:$0xd] =	wrdreg s15  }
0x10: {  	s22 =	sadd.s32 $0xA000, s9;
	s23 =	sadd.s32 s20, s21;
	[dreg:$0xe] =	wrdreg s16  }
0x11: {  	s2 =	sshll.u32 s2, $0x5;
	s17 =	sadd.s32 $0xC000, s9;
	[dreg:$0xf] =	wrdreg s18  }
0x12: {  	s20 =	sadd.s32 $0x12000, s9;
	s21 =	simm.s32 $0x100;
	[dreg:$0x10] =	wrdreg s19  }
0x13: {  	s6 =	simm.s32 $0x6;
	s5 =	sadd.s32 s5, s0;
	[dreg:$0x12] =	wrdreg s22  }
0x14: {  	s11 =	sadd.s32 s10, s7;
	s26 =	sadd.s32 s7, s25;
	[dreg:$0x3] =	wrdreg s23  }
0x15: {  	s0 =	sadd.s32 $0x2C60, s0;
	s18 =	sadd.s32 $0xE000, s9;
	[dreg:$0x8] =	wrdreg s11  }
0x16: {  	s24 =	sadd.s32 s2, s25;
	s19 =	sadd.s32 $0x10000, s9;
	[dreg:$0xa] =	wrdreg s26  }
0x17: {  	s22 =	simm.s32 $0x200;
	s25 =	simm.s32 $0x180;
	[dreg:$0x5] =	wrdreg s24  }
0x18: {  	s23 =	simm.s32 $0x300;
	s11 =	sadd.s32 $0x20, s11;
	[dreg:$0x6] =	wrdreg s25  }
0x19: {  	s10 =	simm.s32 $0x0;
	s7 =	sadd.s32 s7, s0;
	[dreg:$0x9] =	wrdreg s11  }
0x1a: {  	s5 =	sadd.s32 $0x3DE00, s5;
	s0 =	sadd.s32 s2, s0;
	[dreg:$0xb] =	wrdreg s7  }
0x1b: {  	s26 =	simm.s32 $0x280;
	s24 =	simm.s32 $0x8400;
	[dreg:$0xc] =	wrdreg s5  }
0x1c: {  	s25 =	simm.s32 $0x9;
	s2 =	simm.s32 $0x7;
	[dreg:$0x4] =	wrdreg s0  }
0x1d: {  	s7 =	sadd.s32 $0x8000, s9;
	[dreg:$0x7] =	wrdreg s26;
	s26 =	simm.s32 $0x1  }
0x1e: {  	v0 =	vimm.f32 $0.0e+00;
	s0 =	simm.s32 $0x3;
	[dreg:$0x11] =	wrdreg s7;
	s7 =	simm.s32 $0x4  }
.LBB2_1:
0x1f: {  	s5 =	rddreg [dreg:$0x8]  }
0x20: {  	[tilespmem:s3], [sflag:$0x1] =	stream.linear.gather [hbm4b:s5+s3], $0x100, $0x38;
	[tilespmem:$0x1E400] =	vst v63  }
0x21: {  	s14 =	rddreg [dreg:$0x9]  }
0x22: {  	[tilespmem:s21], [sflag:$0x2] =	stream.linear.gather [hbm4b:s14+s3], $0x100, $0x38;
	[tilespmem:$0x1E400] =	vst v63  }
0x23: {  	s15 =	rddreg [dreg:$0xa]  }
0x24: {  	[tilespmem:s22], [sflag:$0x3] =	stream.linear.gather [hbm4b:s15+s3], $0x100, $0x38;
	[tilespmem:$0x1E400] =	vst v63  }
0x25: {  	s16 =	rddreg [dreg:$0xb];
	s11 =	simm.s32 $0x200;
	s5 =	simm.s32 $0x0  }
0x26: {  	[tilespmem:s23], [sflag:$0x4] =	stream.linear.gather [hbm4b:s16+s3], $0x100, $0x38;
	[tilespmem:$0x1E400] =	vst v63  }
.LBB2_2:
0x27: {  	p0 =	sne.s32 s11, $0x7E00;
	[tilespmem:s5+$0x8470] =	vst v0  }
0x28: {  	[tilespmem:s5+$0x8400] =	vst v0  }
0x29: {  	[tilespmem:s5+$0x8410] =	vst v0  }
.Ltmp0:
0x2a: {  	[tilespmem:s5+$0x8420] =	vst v0;
	(pc) =	sbr.rel @p0 .LBB2_2-.Ltmp0, $4  }
0x2b: {  	[tilespmem:s5+$0x8430] =	vst v0  }
0x2c: {  	[tilespmem:s5+$0x8440] =	vst v0  }
0x2d: {  	[tilespmem:s5+$0x8450] =	vst v0  }
0x2e: {  	[tilespmem:s5+$0x8460] =	vst v0;
	s5 =	sshra.s32 s11, $0x2;
	s11 =	sadd.s32 $0x200, s11  }
0x2f: {  	[tilespmem:s5+$0x8470] =	vst v0  }
0x30: {  	[tilespmem:s5+$0x8400] =	vst v0  }
0x31: {  	[tilespmem:s5+$0x8410] =	vst v0  }
0x32: {  	[tilespmem:s5+$0x8420] =	vst v0  }
0x33: {  	[tilespmem:s5+$0x8430] =	vst v0  }
0x34: {  	[tilespmem:s5+$0x8440] =	vst v0  }
0x35: {  	[tilespmem:s5+$0x8450] =	vst v0  }
0x36: {  	[tilespmem:s5+$0x8460] =	vst v0  }
0x37: {  	[spmem:s9] =	stream.linear.scatter [tilespmem:s24], [sflag:$0x9], $0x2000, $0x38;
	[tilespmem:$0x1E400] =	vst v63  }
0x38: {  	_ =	swait.ge [sflag:s25], $0x2000  }
0x39: {  	[sflag:s25] =	ssyncset.done $0x0  }
0x3a: {  	s11 =	rddreg [dreg:$0xe];
	[sflag:s25] =	ssyncadd.s32 $0xFFFFE000  }
0x3b: {  	[spmem:s11] =	stream.linear.scatter [tilespmem:s24], [sflag:$0x9], $0x2000, $0x38;
	[tilespmem:$0x1E400] =	vst v63  }
0x3c: {  	_ =	swait.ge [sflag:s25], $0x2000  }
0x3d: {  	[sflag:s25] =	ssyncset.done $0x0  }
0x3e: {  	s12 =	rddreg [dreg:$0xf];
	[sflag:s25] =	ssyncadd.s32 $0xFFFFE000  }
0x3f: {  	[spmem:s12] =	stream.linear.scatter [tilespmem:s24], [sflag:$0x9], $0x2000, $0x38;
	[tilespmem:$0x1E400] =	vst v63  }
0x40: {  	_ =	swait.ge [sflag:s25], $0x2000  }
0x41: {  	[sflag:s25] =	ssyncset.done $0x0  }
0x42: {  	s13 =	rddreg [dreg:$0x10];
	[sflag:s25] =	ssyncadd.s32 $0xFFFFE000  }
0x43: {  	[spmem:s13] =	stream.linear.scatter [tilespmem:s24], [sflag:$0x9], $0x2000, $0x38;
	[tilespmem:$0x1E400] =	vst v63  }
0x44: {  	_ =	swait.ge [sflag:s25], $0x2000  }
0x45: {  	[sflag:s25] =	ssyncset.done $0x0  }
0x46: {  	s14 =	rddreg [dreg:$0x11];
	[sflag:s25] =	ssyncadd.s32 $0xFFFFE000  }
0x47: {  	[spmem:s14] =	stream.linear.scatter [tilespmem:s24], [sflag:$0x9], $0x2000, $0x38;
	[tilespmem:$0x1E400] =	vst v63  }
0x48: {  	_ =	swait.ge [sflag:s25], $0x2000  }
0x49: {  	[sflag:s25] =	ssyncset.done $0x0  }
0x4a: {  	s15 =	rddreg [dreg:$0x12];
	[sflag:s25] =	ssyncadd.s32 $0xFFFFE000  }
0x4b: {  	[spmem:s15] =	stream.linear.scatter [tilespmem:s24], [sflag:$0x9], $0x2000, $0x38;
	[tilespmem:$0x1E400] =	vst v63  }
0x4c: {  	_ =	swait.ge [sflag:s25], $0x2000  }
0x4d: {  	[sflag:s25] =	ssyncset.done $0x0  }
0x4e: {  	[sflag:s25] =	ssyncadd.s32 $0xFFFFE000  }
0x4f: {  	[spmem:s17] =	stream.linear.scatter [tilespmem:s24], [sflag:$0x9], $0x2000, $0x38;
	[tilespmem:$0x1E400] =	vst v63  }
0x50: {  	_ =	swait.ge [sflag:s25], $0x2000  }
0x51: {  	[sflag:s25] =	ssyncset.done $0x0  }
0x52: {  	[sflag:s25] =	ssyncadd.s32 $0xFFFFE000  }
0x53: {  	[spmem:s18] =	stream.linear.scatter [tilespmem:s24], [sflag:$0x9], $0x2000, $0x38;
	[tilespmem:$0x1E400] =	vst v63  }
0x54: {  	_ =	swait.ge [sflag:s25], $0x2000  }
0x55: {  	[sflag:s25] =	ssyncset.done $0x0  }
0x56: {  	[sflag:s25] =	ssyncadd.s32 $0xFFFFE000  }
0x57: {  	[spmem:s19] =	stream.linear.scatter [tilespmem:s24], [sflag:$0x9], $0x2000, $0x38;
	[tilespmem:$0x1E400] =	vst v63  }
0x58: {  	_ =	swait.ge [sflag:s25], $0x2000  }
0x59: {  	[sflag:s25] =	ssyncset.done $0x0  }
0x5a: {  	[sflag:s25] =	ssyncadd.s32 $0xFFFFE000  }
0x5b: {  	[spmem:s20] =	stream.linear.scatter [tilespmem:s24], [sflag:$0x9], $0x2000, $0x38;
	[tilespmem:$0x1E400] =	vst v63  }
0x5c: {  	_ =	swait.ge [sflag:s25], $0x2000  }
0x5d: {  	[sflag:s25] =	ssyncset.done $0x0  }
0x5e: {  	[sflag:s25] =	ssyncadd.s32 $0xFFFFE000  }
0x5f: {  	[bflag:$0x0] =	sbarrier.arrive $0xFFFF  }
0x60: {  	p0 =	por $0x1, $0x1;
	_ =	swait.ge [sflag:s26], $0x100  }
0x61: {  	s5 =	simm.s32 @p0 $0x80;
	s11 =	simm.s32 @p0 $0x0;
	[sflag:s26] =	ssyncset.done $0x0  }
0x62: {  	s12 =	simm.s32 @p0 $0x400;
	s13 =	simm.s32 @p0 $0x2;
	[sflag:s26] =	ssyncadd.s32 $0xFFFFFF00  }
0x63: {  	[tilespmem:s12], [sflag:$0x5] =	stream.indirect.gather @p0 [hbm4b:s4+s5], $0x80, s11, s5, $0xb8;
	[tilespmem:$0x1E400] =	vst v63  }
0x64: {  	_ =	swait.ge @p0 [sflag:s13], $0x100  }
0x65: {  	[sflag:s13] =	ssyncset.done @p0 $0x0  }
0x66: {  	s5 =	simm.s32 @!p0 $0x7;
	[sflag:s13] =	ssyncadd.s32 @p0 $0xFFFFFF00  }
0x67: {  	_ =	swait.ge @!p0 [sflag:s5], $0x4000  }
0x68: {  	s12 =	simm.s32 @!p0 $0x200;
	s11 =	rddreg [dreg:$0x5];
	[sflag:s5] =	ssyncset.done @!p0 $0x0  }
0x69: {  	[sflag:s5] =	ssyncadd.s32 @!p0 $0xFFFFC000;
	s5 =	simm.s32 @!p0 $0x0;
	s11 =	sadd.s32 @!p0 $0x0, s11  }
0x6a: {  	[tilespmem:s12], [sflag:$0x3] =	stream.linear.gather @!p0 [hbm4b:s11+s5], $0x100, $0x38;
	[tilespmem:$0x1E400] =	vst v63  }
0x6b: {  	s13 =	simm.s32 @!p0 $0x6;
	s11 =	simm.s32 @!p0 $0x80;
	s12 =	simm.s32 @!p0 $0x400  }
0x6c: {  	[tilespmem:s12], [sflag:$0x5] =	stream.indirect.gather @!p0 [hbm4b:s4+s11], $0x80, s5, s11, $0xb8;
	[tilespmem:$0x1E400] =	vst v63  }
0x6d: {  	_ =	swait.ge @!p0 [sflag:s13], $0x4000  }
0x6e: {  	[sflag:s13] =	ssyncset.done @!p0 $0x0  }
0x6f: {  	s12 =	simm.s32 @!p0 $0x380;
	[sflag:s13] =	ssyncadd.s32 @!p0 $0xFFFFC000;
	s13 =	simm.s32 @!p0 $0x4400  }
0x70: {  	[spmem:s1] =	stream.indirect.scatter.add.f32 @!p0 [tilespmem:s13], [sflag:$0x8], $0x80, s12, s11, $0xb8;
	[tilespmem:$0x1E400] =	vst v63  }
0x71: {  	s11 =	simm.s32 @!p0 $0x2  }
0x72: {  	_ =	swait.ge @!p0 [sflag:s11], $0x100  }
0x73: {  	[sflag:s11] =	ssyncset.done @!p0 $0x0  }
0x74: {  	s12 =	simm.s32 @!p0 $0x8;
	[sflag:s11] =	ssyncadd.s32 @!p0 $0xFFFFFF00  }
0x75: {  	_ =	swait.ge @!p0 [sflag:s12], $0x4000  }
0x76: {  	s11 =	rddreg [dreg:$0x4];
	[sflag:s12] =	ssyncset.done @!p0 $0x0  }
0x77: {  	[sflag:s12] =	ssyncadd.s32 @!p0 $0xFFFFC000;
	s12 =	simm.s32 @!p0 $0x300;
	s11 =	sadd.s32 @!p0 $0x0, s11  }
0x78: {  	[tilespmem:s12], [sflag:$0x4] =	stream.linear.gather @!p0 [hbm4b:s11+s5], $0x100, $0x38;
	[tilespmem:$0x1E400] =	vst v63  }
0x79: {  	_ = 	snop  }
0x7a: {  	[tilespmem:s29], [sflag:$0x6] =	stream.indirect.gather [hbm4b:s4+s28], $0x80, s21, s28, $0xb8;
	[tilespmem:$0x1E400] =	vst v63  }
0x7b: {  	_ =	swait.ge [sflag:s30], $0x4000  }
0x7c: {  	[sflag:s30] =	ssyncset.done $0x0  }
0x7d: {  	[sflag:s30] =	ssyncadd.s32 $0xFFFFC000  }
0x7e: {  	[spmem:s1] =	stream.indirect.scatter.add.f32 [tilespmem:s31], [sflag:$0x7], $0x80, s28, s28, $0xb8;
	[tilespmem:$0x1E400] =	vst v63  }
0x7f: {  	_ =	swait.ge [sflag:s0], $0x100  }
0x80: {  	[sflag:s0] =	ssyncset.done $0x0  }
0x81: {  	[sflag:s0] =	ssyncadd.s32 $0xFFFFFF00  }
0x82: {  	_ =	swait.ge [sflag:s2], $0x4000  }
0x83: {  	p0 =	por $0x0, $0x0;
	s5 =	rddreg [dreg:$0x3]  }
0x84: {  	[sflag:s2] =	ssyncset.done $0x0;
	s5 =	sadd.s32 @!p0 $0x0, s5  }
0x85: {  	s11 =	simm.s32 @!p0 $0x0;
	[sflag:s2] =	ssyncadd.s32 $0xFFFFC000;
	s12 =	sadd.s32 @!p0 $0x80, s5  }
0x86: {  	[tilespmem:s11], [sflag:$0x1] =	stream.linear.gather @!p0 [hbm4b:s12+s11], $0x100, $0x38;
	[tilespmem:$0x1E400] =	vst v63  }
0x87: {  	_ = 	snop  }
0x88: {  	[tilespmem:s31], [sflag:$0x5] =	stream.indirect.gather [hbm4b:s4+s28], $0x80, s22, s28, $0xb8;
	[tilespmem:$0x1E400] =	vst v63  }
0x89: {  	_ =	swait.ge [sflag:s6], $0x4000  }
0x8a: {  	[sflag:s6] =	ssyncset.done $0x0  }
0x8b: {  	s16 =	rddreg [dreg:$0x6];
	[sflag:s6] =	ssyncadd.s32 $0xFFFFC000  }
0x8c: {  	[spmem:s1] =	stream.indirect.scatter.add.f32 [tilespmem:s29], [sflag:$0x8], $0x80, s16, s28, $0xb8;
	[tilespmem:$0x1E400] =	vst v63  }
0x8d: {  	_ =	swait.ge [sflag:s7], $0x100  }
0x8e: {  	[sflag:s7] =	ssyncset.done $0x0  }
0x8f: {  	[sflag:s7] =	ssyncadd.s32 $0xFFFFFF00  }
0x90: {  	_ =	swait.ge [sflag:s8], $0x4000  }
0x91: {  	[sflag:s8] =	ssyncset.done $0x0  }
0x92: {  	s5 =	sadd.s32 @!p0 $0xA0, s5;
	s12 =	simm.s32 @!p0 $0x100;
	[sflag:s8] =	ssyncadd.s32 $0xFFFFC000  }
0x93: {  	[tilespmem:s12], [sflag:$0x2] =	stream.linear.gather @!p0 [hbm4b:s5+s11], $0x100, $0x38;
	[tilespmem:$0x1E400] =	vst v63  }
0x94: {  	_ = 	snop  }
0x95: {  	[tilespmem:s29], [sflag:$0x6] =	stream.indirect.gather [hbm4b:s4+s28], $0x80, s23, s28, $0xb8;
	[tilespmem:$0x1E400] =	vst v63  }
0x96: {  	_ =	swait.ge [sflag:s30], $0x4000  }
0x97: {  	[sflag:s30] =	ssyncset.done $0x0  }
0x98: {  	s11 =	simm.s32 $0x80;
	s12 =	rddreg [dreg:$0x7];
	[sflag:s30] =	ssyncadd.s32 $0xFFFFC000  }
.LBB2_4:
0x99: {  	s5 =	smov.u32 s11  }
0x9a: {  	[spmem:s1] =	stream.indirect.scatter.add.f32 [tilespmem:s31], [sflag:$0x7], $0x80, s12, s28, $0xb8;
	[tilespmem:$0x1E400] =	vst v63  }
0x9b: {  	_ =	swait.ge [sflag:s26], $0x100;
	p1 =	seq.s32 s5, $0x0  }
0x9c: {  	[sflag:s26] =	ssyncset.done $0x0;
	s12 =	simm.s32 @p1 $0x80;
	s13 =	simm.s32 @p1 $0x0  }
0x9d: {  	s14 =	simm.s32 @p1 $0x400;
	s15 =	simm.s32 @p1 $0x2;
	[sflag:s26] =	ssyncadd.s32 $0xFFFFFF00  }
0x9e: {  	[tilespmem:s14], [sflag:$0x5] =	stream.indirect.gather @p1 [hbm4b:s4+s12], $0x80, s13, s12, $0xb8;
	[tilespmem:$0x1E400] =	vst v63  }
0x9f: {  	_ =	swait.ge @p1 [sflag:s15], $0x100  }
0xa0: {  	[sflag:s15] =	ssyncset.done @p1 $0x0  }
0xa1: {  	s12 =	simm.s32 @!p1 $0x7;
	[sflag:s15] =	ssyncadd.s32 @p1 $0xFFFFFF00  }
0xa2: {  	_ =	swait.ge @!p1 [sflag:s12], $0x4000  }
0xa3: {  	s14 =	simm.s32 @!p1 $0x200;
	s13 =	rddreg [dreg:$0x5];
	[sflag:s12] =	ssyncset.done @!p1 $0x0  }
0xa4: {  	[sflag:s12] =	ssyncadd.s32 @!p1 $0xFFFFC000;
	s12 =	simm.s32 @!p1 $0x0;
	s13 =	sadd.s32 @!p1 s5, s13  }
0xa5: {  	[tilespmem:s14], [sflag:$0x3] =	stream.linear.gather @!p1 [hbm4b:s13+s12], $0x100, $0x38;
	[tilespmem:$0x1E400] =	vst v63  }
0xa6: {  	s16 =	simm.s32 @!p1 $0x400;
	s15 =	simm.s32 @!p1 $0x80;
	s13 =	simm.s32 @!p1 $0x6  }
0xa7: {  	[tilespmem:s16], [sflag:$0x5] =	stream.indirect.gather @!p1 [hbm4b:s4+s15], $0x80, s12, s15, $0xb8;
	[tilespmem:$0x1E400] =	vst v63  }
0xa8: {  	_ =	swait.ge @!p1 [sflag:s13], $0x4000  }
0xa9: {  	s14 =	simm.s32 @!p1 $0x380;
	[sflag:s13] =	ssyncset.done @!p1 $0x0  }
0xaa: {  	s16 =	simm.s32 @!p1 $0x4400;
	[sflag:s13] =	ssyncadd.s32 @!p1 $0xFFFFC000;
	s13 =	simm.s32 @!p1 $0x2  }
0xab: {  	[spmem:s1] =	stream.indirect.scatter.add.f32 @!p1 [tilespmem:s16], [sflag:$0x8], $0x80, s14, s15, $0xb8;
	[tilespmem:$0x1E400] =	vst v63  }
0xac: {  	_ =	swait.ge @!p1 [sflag:s13], $0x100  }
0xad: {  	[sflag:s13] =	ssyncset.done @!p1 $0x0  }
0xae: {  	s14 =	simm.s32 @!p1 $0x8;
	[sflag:s13] =	ssyncadd.s32 @!p1 $0xFFFFFF00  }
0xaf: {  	_ =	swait.ge @!p1 [sflag:s14], $0x4000  }
0xb0: {  	s13 =	rddreg [dreg:$0x4];
	[sflag:s14] =	ssyncset.done @!p1 $0x0  }
0xb1: {  	[sflag:s14] =	ssyncadd.s32 @!p1 $0xFFFFC000;
	s14 =	simm.s32 @!p1 $0x300;
	s13 =	sadd.s32 @!p1 s5, s13  }
0xb2: {  	[tilespmem:s14], [sflag:$0x4] =	stream.linear.gather @!p1 [hbm4b:s13+s12], $0x100, $0x38;
	[tilespmem:$0x1E400] =	vst v63  }
0xb3: {  	_ = 	snop  }
0xb4: {  	[tilespmem:s29], [sflag:$0x6] =	stream.indirect.gather [hbm4b:s4+s28], $0x80, s21, s28, $0xb8;
	[tilespmem:$0x1E400] =	vst v63  }
0xb5: {  	_ =	swait.ge [sflag:s30], $0x4000  }
0xb6: {  	[sflag:s30] =	ssyncset.done $0x0  }
0xb7: {  	[sflag:s30] =	ssyncadd.s32 $0xFFFFC000  }
0xb8: {  	[spmem:s1] =	stream.indirect.scatter.add.f32 [tilespmem:s31], [sflag:$0x7], $0x80, s28, s28, $0xb8;
	[tilespmem:$0x1E400] =	vst v63  }
0xb9: {  	_ =	swait.ge [sflag:s0], $0x100  }
0xba: {  	[sflag:s0] =	ssyncset.done $0x0  }
0xbb: {  	[sflag:s0] =	ssyncadd.s32 $0xFFFFFF00  }
0xbc: {  	_ =	swait.ge [sflag:s2], $0x4000  }
0xbd: {  	p1 =	seq.s32 s5, $0x980;
	s12 =	rddreg [dreg:$0x3]  }
0xbe: {  	[sflag:s2] =	ssyncset.done $0x0;
	s5 =	sadd.s32 @!p1 s5, s12  }
0xbf: {  	[sflag:s2] =	ssyncadd.s32 $0xFFFFC000;
	s12 =	simm.s32 @!p1 $0x0;
	s13 =	sadd.s32 @!p1 $0x80, s5  }
0xc0: {  	[tilespmem:s12], [sflag:$0x1] =	stream.linear.gather @!p1 [hbm4b:s13+s12], $0x100, $0x38;
	[tilespmem:$0x1E400] =	vst v63  }
0xc1: {  	_ = 	snop  }
0xc2: {  	[tilespmem:s31], [sflag:$0x5] =	stream.indirect.gather [hbm4b:s4+s28], $0x80, s22, s28, $0xb8;
	[tilespmem:$0x1E400] =	vst v63  }
0xc3: {  	_ =	swait.ge [sflag:s6], $0x4000  }
0xc4: {  	[sflag:s6] =	ssyncset.done $0x0  }
0xc5: {  	s16 =	rddreg [dreg:$0x6];
	[sflag:s6] =	ssyncadd.s32 $0xFFFFC000  }
0xc6: {  	[spmem:s1] =	stream.indirect.scatter.add.f32 [tilespmem:s29], [sflag:$0x8], $0x80, s16, s28, $0xb8;
	[tilespmem:$0x1E400] =	vst v63  }
0xc7: {  	_ =	swait.ge [sflag:s7], $0x100  }
0xc8: {  	[sflag:s7] =	ssyncset.done $0x0  }
0xc9: {  	[sflag:s7] =	ssyncadd.s32 $0xFFFFFF00  }
0xca: {  	s11 =	sadd.s32 $0x80, s11;
	_ =	swait.ge [sflag:s8], $0x4000  }
0xcb: {  	p0 =	sne.s32 s11, $0xA00;
	[sflag:s8] =	ssyncset.done $0x0  }
0xcc: {  	s5 =	sadd.s32 @!p1 $0xA0, s5;
	s13 =	simm.s32 @!p1 $0x100;
	[sflag:s8] =	ssyncadd.s32 $0xFFFFC000  }
0xcd: {  	[tilespmem:s13], [sflag:$0x2] =	stream.linear.gather @!p1 [hbm4b:s5+s12], $0x100, $0x38;
	[tilespmem:$0x1E400] =	vst v63  }
.Ltmp1:
0xce: {  	_ = 	snop;
	(pc) =	sbr.rel @p0 .LBB2_4-.Ltmp1, $4  }
0xcf: {  	[tilespmem:s29], [sflag:$0x6] =	stream.indirect.gather [hbm4b:s4+s28], $0x80, s23, s28, $0xb8;
	[tilespmem:$0x1E400] =	vst v63  }
0xd0: {  	_ =	swait.ge [sflag:s30], $0x4000  }
0xd1: {  	[sflag:s30] =	ssyncset.done $0x0  }
0xd2: {  	s12 =	rddreg [dreg:$0x7];
	[sflag:s30] =	ssyncadd.s32 $0xFFFFC000  }
0xd3: {  	[spmem:s1] =	stream.indirect.scatter.add.f32 [tilespmem:s31], [sflag:$0x7], $0x80, s12, s28, $0xb8;
	[tilespmem:$0x1E400] =	vst v63  }
0xd4: {  	_ =	swait.ge [sflag:s6], $0x4000  }
0xd5: {  	[sflag:s6] =	ssyncset.done $0x0  }
0xd6: {  	s5 =	simm.s32 $0x380;
	[sflag:s6] =	ssyncadd.s32 $0xFFFFC000  }
0xd7: {  	[spmem:s1] =	stream.indirect.scatter.add.f32 [tilespmem:s29], [sflag:$0x8], $0x80, s5, s28, $0xb8;
	[tilespmem:$0x1E400] =	vst v63  }
0xd8: {  	_ =	swait.ge [sflag:s2], $0x4000  }
0xd9: {  	[sflag:s2] =	ssyncset.done $0x0  }
0xda: {  	[sflag:s2] =	ssyncadd.s32 $0xFFFFC000  }
0xdb: {  	_ =	swait.ge [sflag:s8], $0x4000  }
0xdc: {  	[sflag:s8] =	ssyncset.done $0x0  }
0xdd: {  	s14 =	stileid.u32;
	[sflag:s8] =	ssyncadd.s32 $0xFFFFC000  }
0xde: {  	s5 =	sshll.u32 s14, $0x6;
	[bflag:$0x0] =	sbarrier.arrive $0xFFFF  }
0xdf: {  	s11 =	sshrl.u32 s9, $0x3;
	s5 =	sor.u32 $0x1C09, s5;
	s15 =	rddreg [dreg:$0xc]  }
0xe0: {  	[hbm:s15], [sflag:s5] =	dma.local [spmem:s11], $0x2800  }
0xe1: {  	_ =	swait.ge [sflag:s25], $0x2800  }
0xe2: {  	s10 =	sadd.s32 $0x1, s10;
	s16 =	rddreg [dreg:$0xd]  }
0xe3: {  	p0 =	sne.s32 s10, s16  }
.Ltmp2:
0xe4: {  	_ = 	snop;
	(pc) =	sbr.rel @p0 .LBB2_1-.Ltmp2, $3  }
0xe5: {  	_ =	sdelay $0x1  }
0xe6: {  	[sflag:s25] =	ssyncset.done $0x0  }
0xe7: {  	[sflag:s25] =	ssyncadd.s32 $0xFFFFD800  }
0xe8: {  	_ =	sfence.sel $0x180000  }
0xe9: {  	[bflag:$0x0] =	sbarrier.arrive $0xFFFF  }
0xea: {  	_ =	strace $0x9000004A  }
0xeb: {  	s0 =	stileid.u32;
	[bflag:$0x2] =	sbarrier.arrive $0xFFFF  }
0xec: {  	p0 =	sne.s32 s0, $0x0;
	s0 =	rddreg [dreg:$0x2]  }
0xed: {  	s0 =	sadd.s32 @!p0 $0x100000, s0  }
0xee: {  	[sflag:s0] =	ssyncadd.tile.s32 @!p0 $0x1;
	_ =	shalt  }
.Lfunc_end2:
_tile_overlayer_lowered:
.L_overlay_start_2:
0xef: {  	(tag) =	ssettag $0x2  }
0xf0: {  	s0 =	rddreg [dreg:$0x0];
	s2 =	stileid.u32  }
0xf1: {  	s1 =	rddreg [dreg:$0x1];
	p0 =	sne.s32 s2, $0x0  }
0xf2: {  	s3 =	rddreg [dreg:$0x2];
	[bflag:$0x3] =	sbarrier.arrive $0xFFFF;
	s2 =	simm.s32 @!p0 $0x1C09  }
0xf3: {  	[timem:s3], [sflag:s2] =	dma.local @!p0 [hbm:s0], s1  }
0xf4: {  	s0 =	simm.s32 @!p0 $0x9  }
0xf5: {  	_ =	swait.ge @!p0 [sflag:s0], s1  }
0xf6: {  	s1 =	ssub.s32 @!p0 $0x0, s1;
	[sflag:s0] =	ssyncset.done @!p0 $0x0  }
0xf7: {  	[sflag:s0] =	ssyncadd.s32 @!p0 s1  }
0xf8: {  	[bflag:$0x3] =	sbarrier.arrive $0xFFFF  }
0xf9: {  	_ =	shalt  }

// kernel: kernel.7.cloned.1.call-start
scs
__scs_entry_jumppad:
0x0: {  	(pc) =	sbr.rel $0x88, $3  }
0x1: {  	(tag) =	ssettag $0x0;
	lr =	simm.s32 $0x1  }
0x2: {  	[smem:$0x3F93] =	sst lr;
	_ =	strace $0xD0000000  }
0x3: {  	_ = 	snop  }
0x4: {  	_ = 	snop  }
0x5: {  	_ = 	snop  }
0x6: {  	_ = 	snop  }
0x7: {  	_ = 	snop  }
__scs_overlays_trampoline_lowered:
0x8: {  	[smem:$0x3FA2] =	sst s0  }
0x9: {  	[smem:$0x3FA3] =	sst s1  }
0xa: {  	[smem:$0x3FA4] =	sst s2  }
0xb: {  	[smem:$0x3FA5] =	sst s3  }
0xc: {  	[smem:$0x3FA6] =	sst s4  }
0xd: {  	[smem:$0x3FA7] =	sst s5  }
0xe: {  	[smem:$0x3FA8] =	sst s6  }
0xf: {  	[smem:$0x3FA9] =	sst s7  }
0x10: {  	[smem:$0x3FAA] =	sst s8  }
0x11: {  	[smem:$0x3FAB] =	sst s9;
	s0 =	simm.s32 @!p0 $0x0  }
0x12: {  	s1 =	sld [smem:$0x3F91];
	s0 =	simm.s32 @p0 $0x1  }
0x13: {  	[smem:$0x3FAC] =	sst s0;
	s0 =	simm.s32 @!p1 $0x0  }
0x14: {  	s2 =	sld [smem:$0x3F90];
	s0 =	simm.s32 @p1 $0x1  }
0x15: {  	[smem:$0x3FAD] =	sst s0;
	s0 =	simm.s32 @!p2 $0x0  }
0x16: {  	s3 =	sld [smem:$0x3FDB];
	s0 =	simm.s32 @p2 $0x1  }
0x17: {  	s4 =	simm.s32 $0x1BF5;
	[smem:$0x3FAF] =	sst s0  }
0x18: {  	s0 =	sld [smem:$0x3F92];
	_ =	swait.ge [sflag:s4], $0x0  }
0x19: {  	s7 =	sld [smem:$0x3F93]  }
0x1a: {  	s8 =	sadd.s32 $0xFFFFE003, lr  }
0x1b: {  	s9 =	sadd.s32 $0xFFFFFEF7, lr;
	s5 =	simm.s32 $0xFFFFFFFF;
	p2 =	slt.u32 s8, $0xFFFFF086  }
0x1c: {  	p1 =	slt.u32 s9, $0xF7A;
	s5 =	simm.s32 @!p2 $0x0  }
0x1d: {  	s5 =	simm.s32 @p1 $0x1;
	p0 =	seq.s32 s7, s2  }
0x1e: {  	s7 =	smul.u32 @!p0 $0xF7A, s2;
	p2 =	seq.s32 @!p0 s5, $0x0  }
0x1f: {  	s9 =	smul.u32 $0xF7A, s1;
	s8 =	simm.s32 @!p0 $0x1BF5;
	p2 =	por !p2, p0  }
0x20: {  	[sflag:s8] =	ssyncset.s32 @!p0 $0xFFFFF086;
	s6 =	sadd.s32 @!p0 s3, s7;
	s7 =	simm.s32 @!p0 $0x108  }
0x21: {  	s3 =	sadd.s32 s3, s9;
	s6 =	sadd.s32 @!p0 $0x88, s6;
	s7 =	simm.s32 @p2 $0x1082  }
0x22: {  	[simem:s7], [sflag:s8] =	dma.local @!p0 [hbm:s6], $0xF7A  }
0x23: {  	s9 =	sor.u32 $0xD0000000, s2;
	s6 =	simm.s32 $0x108;
	_ =	swait.ge @!p0 [sflag:s8], $0x0  }
0x24: {  	s3 =	sadd.s32 $0x88, s3;
	s6 =	simm.s32 @!p1 $0x1082;
	[sflag:s4] =	ssyncset.s32 $0xFFFFF086  }
0x25: {  	[simem:s6], [sflag:s4] =	dma.local [hbm:s3], $0xF7A  }
0x26: {  	[smem:$0x3F93] =	sst s1;
	(tag) =	ssettag s2;
	_ =	strace s9  }
0x27: {  	s1 =	sld [smem:$0x3FA3]  }
0x28: {  	s2 =	sld [smem:$0x3FA4]  }
0x29: {  	s4 =	sld [smem:$0x3FA6]  }
0x2a: {  	p0 =	seq.s32 s5, $0x0;
	s5 =	sld [smem:$0x3FA7]  }
0x2b: {  	s6 =	sld [smem:$0x3FA8]  }
0x2c: {  	s7 =	sld [smem:$0x3FA9]  }
0x2d: {  	s3 =	simm.s32 $0x108;
	s8 =	sld [smem:$0x3FAA]  }
0x2e: {  	s3 =	simm.s32 @!p0 $0x1082;
	s9 =	sld [smem:$0x3FAB]  }
0x2f: {  	lr =	sadd.s32 s0, s3;
	s0 =	sld [smem:$0x3FA2]  }
0x30: {  	s3 =	sld [smem:$0x3FA5]  }
0x31: {  	[smem:$0x3FAE] =	sst s10  }
0x32: {  	s10 =	sld [smem:$0x3FAC];
	_ =	sdelay $0x3  }
0x33: {  	p0 =	seq.s32 s10, $0x1;
	s10 =	sld [smem:$0x3FAE];
	_ =	sdelay $0x3  }
0x34: {  	[smem:$0x3FAE] =	sst s10  }
0x35: {  	s10 =	sld [smem:$0x3FAD];
	_ =	sdelay $0x3  }
0x36: {  	p1 =	seq.s32 s10, $0x1;
	s10 =	sld [smem:$0x3FAE];
	_ =	sdelay $0x3  }
0x37: {  	[smem:$0x3FAE] =	sst s10  }
0x38: {  	s10 =	sld [smem:$0x3FAF]  }
0x39: {  	_ = 	snop;
	(pc) =	sbr.ind lr, $3  }
0x3a: {  	_ = 	snop  }
0x3b: {  	_ = 	snop  }
0x3c: {  	p2 =	seq.s32 s10, $0x1;
	s10 =	sld [smem:$0x3FAE]  }
0x3d: {  	_ =	shalt  }
0x3e: {  	_ =	shalt  }
0x3f: {  	_ =	shalt  }
0x40: {  	_ =	shalt  }
0x41: {  	_ =	shalt  }
0x42: {  	_ =	shalt  }
0x43: {  	_ =	shalt  }
0x44: {  	_ =	shalt  }
0x45: {  	_ =	shalt  }
0x46: {  	_ =	shalt  }
0x47: {  	_ =	shalt  }
0x48: {  	_ =	shalt  }
0x49: {  	_ =	shalt  }
0x4a: {  	_ =	shalt  }
0x4b: {  	_ =	shalt  }
0x4c: {  	_ =	shalt  }
0x4d: {  	_ =	shalt  }
0x4e: {  	_ =	shalt  }
0x4f: {  	_ =	shalt  }
0x50: {  	_ =	shalt  }
0x51: {  	_ =	shalt  }
0x52: {  	_ =	shalt  }
0x53: {  	_ =	shalt  }
0x54: {  	_ =	shalt  }
0x55: {  	_ =	shalt  }
0x56: {  	_ =	shalt  }
0x57: {  	_ =	shalt  }
0x58: {  	_ =	shalt  }
0x59: {  	_ =	shalt  }
0x5a: {  	_ =	shalt  }
0x5b: {  	_ =	shalt  }
0x5c: {  	_ =	shalt  }
0x5d: {  	_ =	shalt  }
0x5e: {  	_ =	shalt  }
0x5f: {  	_ =	shalt  }
0x60: {  	_ =	shalt  }
0x61: {  	_ =	shalt  }
0x62: {  	_ =	shalt  }
0x63: {  	_ =	shalt  }
0x64: {  	_ =	shalt  }
0x65: {  	_ =	shalt  }
0x66: {  	_ =	shalt  }
0x67: {  	_ =	shalt  }
0x68: {  	_ =	shalt  }
0x69: {  	_ =	shalt  }
0x6a: {  	_ =	shalt  }
0x6b: {  	_ =	shalt  }
0x6c: {  	_ =	shalt  }
0x6d: {  	_ =	shalt  }
0x6e: {  	_ =	shalt  }
0x6f: {  	_ =	shalt  }
0x70: {  	_ =	shalt  }
0x71: {  	_ =	shalt  }
0x72: {  	_ =	shalt  }
0x73: {  	_ =	shalt  }
0x74: {  	_ =	shalt  }
0x75: {  	_ =	shalt  }
0x76: {  	_ =	shalt  }
0x77: {  	_ =	shalt  }
0x78: {  	_ =	shalt  }
0x79: {  	_ =	shalt  }
0x7a: {  	_ =	shalt  }
0x7b: {  	_ =	shalt  }
0x7c: {  	_ =	shalt  }
0x7d: {  	_ =	shalt  }
0x7e: {  	_ =	shalt  }
0x7f: {  	_ =	shalt  }
0x80: {  	_ =	shalt  }
0x81: {  	_ =	shalt  }
0x82: {  	_ =	shalt  }
0x83: {  	_ =	shalt  }
0x84: {  	_ =	shalt  }
0x85: {  	_ =	shalt  }
0x86: {  	_ =	shalt  }
0x87: {  	_ =	shalt  }
.Lfunc_end0:
.L_simem_size_0:
called_computation_lowered:
.L_overlay_start_0:
0x88: {  	s2 =	sld [smem:$0x3FD9]  }
0x89: {  	s3 =	sld [smem:$0x3FFE];
	_ =	sdelay $0x1  }
0x8a: {  	s1 =	srdreg.scid  }
0x8b: {  	s0 =	sand.u32 $0x1, s1  }
0x8c: {  	s16 =	sshll.u32 s0, $0xA;
	s2 =	sadd.s32 s3, s2  }
0x8d: {  	s2 =	sadd.s32 s2, s16  }
0x8e: {  	[smem:$0x3FBA] =	sst s2  }
0x8f: {  	_ = 	snop  }
0x90: {  	(tm) =	ssettm $0x1  }
0x91: {  	s17 =	sld [smem:$0x3FFB];
	_ =	sdelay $0x3  }
0x92: {  	_ =	strace s17  }
0x93: {  	s2 =	sld [smem:$0x3FFC];
	_ =	sdelay $0x3  }
0x94: {  	_ =	strace s2  }
0x95: {  	s2 =	sld [smem:$0x3FFD];
	_ =	sdelay $0x3  }
0x96: {  	_ =	strace s2  }
0x97: {  	_ =	strace $0x8FFFFFFF  }
0x98: {  	s18 =	sld [smem:$0x3FDB];
	_ =	sdelay $0x1  }
0x99: {  	s19 =	simm.s32 $_scs_section_size  }
0x9a: {  	s4 =	simm.s32 $_size__tile_overlayer_lowered;
	s5 =	simm.s32 $_tile_overlayer_lowered  }
0x9b: {  	s22 =	simm.s32 $0x1BFF;
	s21 =	sshll.u32 s5, $0x1;
	s2 =	sadd.s32 s19, s18  }
0x9c: {  	s6 =	simm.s32 $0x0;
	s20 =	sshll.u32 s4, $0x1;
	s4 =	sadd.s32 s21, s2  }
0x9d: {  	[timem:s6], [sflag:s22] =	dma.local [hbm:s4], s20  }
0x9e: {  	_ =	swait.ge [sflag:s22], s20  }
0x9f: {  	s3 =	ssub.s32 $0x0, s20;
	[sflag:s22] =	ssyncset.done $0x0  }
0xa0: {  	[sflag:s22] =	ssyncadd.s32 s3;
	_ =	sdelay $0x1  }
0xa1: {  	s23 =	simm.s32 $0x1B8B  }
0xa2: {  	_ =	swait.ge [sflag:s23], $0x1  }
0xa3: {  	[sflag:s23] =	ssyncset.done $0x0  }
0xa4: {  	s25 =	simm.s32 $0x1B8E;
	s24 =	sld [smem:$0x3FFE];
	[sflag:s23] =	ssyncadd.s32 $0xFFFFFFFF  }
0xa5: {  	s26 =	simm.s32 $execute0_lowered;
	[smem:$0x3FD2] =	sst s25  }
0xa6: {  	s4 =	sshll.u32 s26, $0x1;
	_ =	strace $0x80000046;
	[dreg:$0x1] =	wrdreg $0xFFFFFFFF  }
0xa7: {  	s28 =	simm.s32 $_size_execute0_lowered;
	s2 =	sadd.s32 s2, s4;
	[dreg:$0x0] =	wrdreg $0x0  }
0xa8: {  	s4 =	sshll.u32 s28, $0x1;
	[dreg:$0x2] =	wrdreg s2  }
0xa9: {  	[dreg:$0x3] =	wrdreg s4  }
0xaa: {  	[dreg:$0x4] =	wrdreg $0xC0  }
0xab: {  	_ =	task [dreg:s6], $0x5FFFF  }
0xac: {  	[dreg:$0x1] =	wrdreg $0xFFFFFFFF  }
0xad: {  	[dreg:$0x0] =	wrdreg $0x60  }
0xae: {  	[dreg:$0x2] =	wrdreg s24  }
0xaf: {  	[dreg:$0x3] =	wrdreg $0xA4000  }
0xb0: {  	[dreg:$0x4] =	wrdreg $0x9  }
0xb1: {  	_ =	task.clear_ibuf [dreg:s6], $0x5FFFF;
	_ =	strace $0x90000046  }
0xb2: {  	s29 =	simm.s32 $0x9;
	_ =	strace $0x80000048  }
0xb3: {  	_ =	swait.ge [sflag:s29], $0x1  }
0xb4: {  	[sflag:s29] =	ssyncadd.s32 $0xFFFFFFFF  }
0xb5: {  	_ =	strace $0x90000048  }
0xb6: {  	_ =	sfence  }
0xb7: {  	s30 =	sld [smem:$0x0];
	_ =	sdelay $0x2  }
0xb8: {  	s31 =	sshll.u32 s1, $0xD;
	s1 =	sshrl.u32 s1, $0x2  }
0xb9: {  	s3 =	sand.u32 $0x4000, s31;
	s1 =	sadd.s32 s1, s30  }
0xba: {  	s0 =	sor.u32 s3, s0;
	s1 =	sshll.u32 s1, $0x11  }
0xbb: {  	s0 =	sor.u32 s1, s0  }
0xbc: {  	s0 =	sadd.s32 $0x8F2B, s0  }
0xbd: {  	[sflag:s0] =	ssyncadd.remote.s32 $0x1  }
0xbe: {  	_ =	sfence.sel $0xFFFF  }
0xbf: {  	[dreg:$0x0] =	wrdreg $0xFFFFFFFF;
	(pc) =	sbr.abs _section_cstart, $3  }
0xc0: {  	[dreg:$0x1] =	wrdreg $0xFFFFFFFF  }
0xc1: {  	_ =	task.clear_ibuf [dreg:s6], $0x2FFFF;
	_ =	strace $0x9FFFFFFF  }
0xc2: {  	(tm) =	ssettm $0x7FFFFFFF  }
0xc3: {  	_ =	shalt  }
tec
execute0_lowered:
.L_overlay_start_1:
0x0: {  	(tag) =	ssettag $0x1  }
0x1: {  	s0 =	rddreg [dreg:$0x0];
	s11 =	stileid.u32  }
0x2: {  	s1 =	srdreg.scid;
	s5 =	smul.u32 $0x14000, s11  }
0x3: {  	s2 =	rddreg [dreg:$0x1];
	s3 =	simm.s32 $0x0;
	s10 =	smul.u32 $0x50000, s11  }
0x4: {  	s28 =	simm.s32 $0x100;
	s29 =	simm.s32 $0x200;
	s13 =	smul.u32 $0x50, s11  }
0x5: {  	s30 =	simm.s32 $0x300;
	s1 =	sand.u32 $0x1, s1;
	s17 =	smul.u32 $0xA00, s11  }
0x6: {  	[smem:$0x7FF] =	sst s3;
	s7 =	sadd.s32 $0x2C00, s0;
	s4 =	smul.u32 $0x140000, s1  }
0x7: {  	s6 =	sshll.u32 s1, $0x4;
	_ =	strace $0x80000047;
	s8 =	ssub.s32 $0x2, s1  }
0x8: {  	s26 =	smul.u32 $0x500, s1;
	s9 =	sshrl.u32 s8, $0x1;
	s21 =	sshrl.u32 s10, $0x2  }
0x9: {  	s1 =	smul.u32 $0xA000, s1;
	s8 =	ssub.s32 s8, s9;
	s10 =	sadd.s32 s21, s2  }
0xa: {  	s6 =	sor.u32 s11, s6;
	s24 =	smax.u32 s8, $0x1;
	[dreg:$0xa] =	wrdreg s10  }
0xb: {  	s11 =	simm.s32 $0x4400;
	s25 =	sadd.s32 $0x2000, s10;
	[dreg:$0xd] =	wrdreg s24  }
0xc: {  	s5 =	sadd.s32 s5, s4;
	s9 =	sadd.s32 $0x4000, s10;
	[dreg:$0xe] =	wrdreg s25  }
0xd: {  	s4 =	sadd.s32 $0x16C00, s0;
	s12 =	sadd.s32 $0x6000, s10;
	[dreg:$0xf] =	wrdreg s9  }
0xe: {  	s6 =	smul.u32 $0xA00, s6;
	s14 =	sadd.s32 $0x8000, s10;
	[dreg:$0x10] =	wrdreg s12  }
0xf: {  	s1 =	sadd.s32 s1, s7;
	s15 =	sadd.s32 $0xA000, s10;
	[dreg:$0x11] =	wrdreg s14  }
0x10: {  	s5 =	sshrl.u32 s5, $0x3;
	s16 =	sadd.s32 $0xC000, s10;
	[dreg:$0x12] =	wrdreg s15  }
0x11: {  	s19 =	sadd.s32 $0xE000, s10;
	s21 =	sadd.s32 $0x10000, s10;
	[dreg:$0x13] =	wrdreg s16  }
0x12: {  	s1 =	sadd.s32 s17, s1;
	s8 =	simm.s32 $0x4;
	[dreg:$0x14] =	wrdreg s19  }
0x13: {  	s17 =	simm.s32 $0x6;
	s5 =	sadd.s32 s5, s0;
	[dreg:$0x15] =	wrdreg s21  }
0x14: {  	s18 =	sadd.s32 s7, s6;
	s0 =	sadd.s32 $0x2C40, s0;
	[dreg:$0x3] =	wrdreg s1  }
0x15: {  	s1 =	simm.s32 $0x1;
	s12 =	simm.s32 $0x2;
	s14 =	simm.s32 $0x380  }
0x16: {  	s15 =	simm.s32 $0x5;
	s23 =	sadd.s32 $0x8DE00, s5;
	[dreg:$0x6] =	wrdreg s18  }
0x17: {  	s16 =	simm.s32 $0x400;
	s5 =	sadd.s32 $0x3DE00, s5;
	[dreg:$0xb] =	wrdreg s23  }
0x18: {  	s19 =	simm.s32 $0x0;
	s25 =	sadd.s32 $0x80, s18;
	[dreg:$0xc] =	wrdreg s5  }
0x19: {  	s22 =	sadd.s32 $0x20, s18;
	s20 =	sadd.s32 s6, s0;
	[dreg:$0x17] =	wrdreg s25  }
0x1a: {  	s31 =	sadd.s32 $0x60, s18;
	s6 =	simm.s32 $0x7;
	[dreg:$0x7] =	wrdreg s22  }
0x1b: {  	s5 =	sadd.s32 s13, s26;
	s23 =	sadd.s32 $0x12000, s10;
	[dreg:$0x8] =	wrdreg s20  }
0x1c: {  	s26 =	sadd.s32 $0xA0, s18;
	s10 =	simm.s32 $0x80;
	[dreg:$0x9] =	wrdreg s31  }
0x1d: {  	s13 =	simm.s32 $0x8;
	s5 =	sshll.u32 s5, $0x5;
	[dreg:$0x16] =	wrdreg s23  }
0x1e: {  	[dreg:$0x18] =	wrdreg s26;
	s23 =	simm.s32 $0x180;
	s21 =	sadd.s32 s5, s7  }
0x1f: {  	s0 =	sadd.s32 s5, s0;
	s7 =	simm.s32 $0x280;
	s24 =	sadd.s32 $0x60, s21  }
0x20: {  	[dreg:$0x5] =	wrdreg s0;
	s25 =	sadd.s32 $0x100, s21;
	s26 =	sadd.s32 $0xC0, s21  }
0x21: {  	v0 =	vimm.f32 $0.0e+00;
	v1 =	vimm.f32 $1.000000000e+00;
	s0 =	simm.s32 $0x9;
	[dreg:$0x4] =	wrdreg s24;
	s24 =	simm.s32 $0x3  }
.LBB2_1:
0x22: {  	[tilespmem:s3], [sflag:$0x1] =	stream.linear.gather [hbm4b:s18+s3], $0x100, $0x38;
	[tilespmem:$0x1E400] =	vst v63  }
0x23: {  	_ = 	snop  }
0x24: {  	[tilespmem:s28], [sflag:$0x2] =	stream.linear.gather [hbm4b:s22+s3], $0x100, $0x38;
	[tilespmem:$0x1E400] =	vst v63  }
0x25: {  	_ = 	snop  }
0x26: {  	[tilespmem:s29], [sflag:$0x3] =	stream.linear.gather [hbm4b:s20+s3], $0x100, $0x38;
	[tilespmem:$0x1E400] =	vst v63  }
0x27: {  	[dreg:$0x19] =	wrdreg s19;
	s5 =	simm.s32 $0x0;
	s19 =	simm.s32 $0x200  }
0x28: {  	[tilespmem:s30], [sflag:$0x4] =	stream.linear.gather [hbm4b:s31+s3], $0x100, $0x38;
	[tilespmem:$0x1E400] =	vst v63  }
.LBB2_2:
0x29: {  	p0 =	sne.s32 s19, $0x7E00;
	[tilespmem:s5+$0x8470] =	vst v0  }
0x2a: {  	[tilespmem:s5+$0x8400] =	vst v0  }
0x2b: {  	[tilespmem:s5+$0x8410] =	vst v0  }
.Ltmp0:
0x2c: {  	[tilespmem:s5+$0x8420] =	vst v0;
	(pc) =	sbr.rel @p0 .LBB2_2-.Ltmp0, $4  }
0x2d: {  	[tilespmem:s5+$0x8430] =	vst v0  }
0x2e: {  	[tilespmem:s5+$0x8440] =	vst v0  }
0x2f: {  	[tilespmem:s5+$0x8450] =	vst v0  }
0x30: {  	[tilespmem:s5+$0x8460] =	vst v0;
	s5 =	sshra.s32 s19, $0x2;
	s19 =	sadd.s32 $0x200, s19  }
0x31: {  	[tilespmem:s5+$0x8470] =	vst v0  }
0x32: {  	[tilespmem:s5+$0x8400] =	vst v0  }
0x33: {  	[tilespmem:s5+$0x8410] =	vst v0  }
0x34: {  	[tilespmem:s5+$0x8420] =	vst v0  }
0x35: {  	[tilespmem:s5+$0x8430] =	vst v0  }
0x36: {  	[tilespmem:s5+$0x8440] =	vst v0  }
0x37: {  	[tilespmem:s5+$0x8450] =	vst v0  }
0x38: {  	[tilespmem:s5+$0x8460] =	vst v0;
	s9 =	rddreg [dreg:$0xa];
	s19 =	simm.s32 $0x8400  }
0x39: {  	[spmem:s9] =	stream.linear.scatter [tilespmem:s19], [sflag:$0x9], $0x2000, $0x38;
	[tilespmem:$0x1E400] =	vst v63  }
0x3a: {  	_ =	swait.ge [sflag:s0], $0x2000  }
0x3b: {  	[sflag:s0] =	ssyncset.done $0x0  }
0x3c: {  	s20 =	rddreg [dreg:$0xe];
	[sflag:s0] =	ssyncadd.s32 $0xFFFFE000  }
0x3d: {  	[spmem:s20] =	stream.linear.scatter [tilespmem:s19], [sflag:$0x9], $0x2000, $0x38;
	[tilespmem:$0x1E400] =	vst v63  }
0x3e: {  	_ =	swait.ge [sflag:s0], $0x2000  }
0x3f: {  	[sflag:s0] =	ssyncset.done $0x0  }
0x40: {  	s9 =	rddreg [dreg:$0xf];
	[sflag:s0] =	ssyncadd.s32 $0xFFFFE000  }
0x41: {  	[spmem:s9] =	stream.linear.scatter [tilespmem:s19], [sflag:$0x9], $0x2000, $0x38;
	[tilespmem:$0x1E400] =	vst v63  }
0x42: {  	_ =	swait.ge [sflag:s0], $0x2000  }
0x43: {  	[sflag:s0] =	ssyncset.done $0x0  }
0x44: {  	s20 =	rddreg [dreg:$0x10];
	[sflag:s0] =	ssyncadd.s32 $0xFFFFE000  }
0x45: {  	[spmem:s20] =	stream.linear.scatter [tilespmem:s19], [sflag:$0x9], $0x2000, $0x38;
	[tilespmem:$0x1E400] =	vst v63  }
0x46: {  	_ =	swait.ge [sflag:s0], $0x2000  }
0x47: {  	[sflag:s0] =	ssyncset.done $0x0  }
0x48: {  	s9 =	rddreg [dreg:$0x11];
	[sflag:s0] =	ssyncadd.s32 $0xFFFFE000  }
0x49: {  	[spmem:s9] =	stream.linear.scatter [tilespmem:s19], [sflag:$0x9], $0x2000, $0x38;
	[tilespmem:$0x1E400] =	vst v63  }
0x4a: {  	_ =	swait.ge [sflag:s0], $0x2000  }
0x4b: {  	[sflag:s0] =	ssyncset.done $0x0  }
0x4c: {  	s20 =	rddreg [dreg:$0x12];
	[sflag:s0] =	ssyncadd.s32 $0xFFFFE000  }
0x4d: {  	[spmem:s20] =	stream.linear.scatter [tilespmem:s19], [sflag:$0x9], $0x2000, $0x38;
	[tilespmem:$0x1E400] =	vst v63  }
0x4e: {  	_ =	swait.ge [sflag:s0], $0x2000  }
0x4f: {  	[sflag:s0] =	ssyncset.done $0x0  }
0x50: {  	s9 =	rddreg [dreg:$0x13];
	[sflag:s0] =	ssyncadd.s32 $0xFFFFE000  }
0x51: {  	[spmem:s9] =	stream.linear.scatter [tilespmem:s19], [sflag:$0x9], $0x2000, $0x38;
	[tilespmem:$0x1E400] =	vst v63  }
0x52: {  	_ =	swait.ge [sflag:s0], $0x2000  }
0x53: {  	[sflag:s0] =	ssyncset.done $0x0  }
0x54: {  	s20 =	rddreg [dreg:$0x14];
	[sflag:s0] =	ssyncadd.s32 $0xFFFFE000  }
0x55: {  	[spmem:s20] =	stream.linear.scatter [tilespmem:s19], [sflag:$0x9], $0x2000, $0x38;
	[tilespmem:$0x1E400] =	vst v63  }
0x56: {  	_ =	swait.ge [sflag:s0], $0x2000  }
0x57: {  	[sflag:s0] =	ssyncset.done $0x0  }
0x58: {  	s9 =	rddreg [dreg:$0x15];
	[sflag:s0] =	ssyncadd.s32 $0xFFFFE000  }
0x59: {  	[spmem:s9] =	stream.linear.scatter [tilespmem:s19], [sflag:$0x9], $0x2000, $0x38;
	[tilespmem:$0x1E400] =	vst v63  }
0x5a: {  	_ =	swait.ge [sflag:s0], $0x2000  }
0x5b: {  	[sflag:s0] =	ssyncset.done $0x0  }
0x5c: {  	s20 =	rddreg [dreg:$0x16];
	[sflag:s0] =	ssyncadd.s32 $0xFFFFE000  }
0x5d: {  	[spmem:s20] =	stream.linear.scatter [tilespmem:s19], [sflag:$0x9], $0x2000, $0x38;
	[tilespmem:$0x1E400] =	vst v63  }
0x5e: {  	_ =	swait.ge [sflag:s0], $0x2000  }
0x5f: {  	[sflag:s0] =	ssyncset.done $0x0  }
0x60: {  	[sflag:s0] =	ssyncadd.s32 $0xFFFFE000  }
0x61: {  	s5 =	simm.s32 $0x0;
	s19 =	simm.s32 $0x200;
	[bflag:$0x0] =	sbarrier.arrive $0xFFFF  }
.LBB2_4:
0x62: {  	p0 =	sne.s32 s19, $0xFE00;
	[tilespmem:s5+$0x4470] =	vst v1  }
0x63: {  	[tilespmem:s5+$0x4400] =	vst v1  }
0x64: {  	[tilespmem:s5+$0x4410] =	vst v1  }
.Ltmp1:
0x65: {  	[tilespmem:s5+$0x4420] =	vst v1;
	(pc) =	sbr.rel @p0 .LBB2_4-.Ltmp1, $4  }
0x66: {  	[tilespmem:s5+$0x4430] =	vst v1  }
0x67: {  	[tilespmem:s5+$0x4440] =	vst v1  }
0x68: {  	[tilespmem:s5+$0x4450] =	vst v1  }
0x69: {  	[tilespmem:s5+$0x4460] =	vst v1;
	s5 =	sshra.s32 s19, $0x2;
	s19 =	sadd.s32 $0x200, s19  }
0x6a: {  	[tilespmem:s5+$0x4470] =	vst v1  }
0x6b: {  	[tilespmem:s5+$0x4400] =	vst v1  }
0x6c: {  	[tilespmem:s5+$0x4410] =	vst v1  }
0x6d: {  	[tilespmem:s5+$0x4420] =	vst v1  }
0x6e: {  	[tilespmem:s5+$0x4430] =	vst v1  }
0x6f: {  	[tilespmem:s5+$0x4440] =	vst v1  }
0x70: {  	[tilespmem:s5+$0x4450] =	vst v1  }
0x71: {  	[tilespmem:s5+$0x4460] =	vst v1  }
0x72: {  	_ =	swait.ge [sflag:s1], $0x100  }
0x73: {  	[sflag:s1] =	ssyncset.done $0x0  }
0x74: {  	[sflag:s1] =	ssyncadd.s32 $0xFFFFFF00  }
0x75: {  	[spmem:s2] =	stream.indirect.scatter.add.f32 [tilespmem:s11], [sflag:$0x7], $0x80, s10, s10, $0xb8;
	[tilespmem:$0x1E400] =	vst v63  }
0x76: {  	_ =	swait.ge [sflag:s12], $0x100  }
0x77: {  	[sflag:s12] =	ssyncset.done $0x0  }
0x78: {  	[sflag:s12] =	ssyncadd.s32 $0xFFFFFF00  }
0x79: {  	[spmem:s2] =	stream.indirect.scatter.add.f32 [tilespmem:s11], [sflag:$0x8], $0x80, s23, s10, $0xb8;
	[tilespmem:$0x1E400] =	vst v63  }
0x7a: {  	_ =	swait.ge [sflag:s24], $0x100  }
0x7b: {  	[sflag:s24] =	ssyncset.done $0x0  }
0x7c: {  	[sflag:s24] =	ssyncadd.s32 $0xFFFFFF00  }
0x7d: {  	_ =	swait.ge [sflag:s6], $0x4000  }
0x7e: {  	[sflag:s6] =	ssyncset.done $0x0  }
0x7f: {  	s5 =	simm.s32 $0x0;
	s19 =	rddreg [dreg:$0x17];
	[sflag:s6] =	ssyncadd.s32 $0xFFFFC000  }
0x80: {  	[tilespmem:s5], [sflag:$0x1] =	stream.linear.gather [hbm4b:s19+s5], $0x100, $0x38;
	[tilespmem:$0x1E400] =	vst v63  }
0x81: {  	_ = 	snop  }
0x82: {  	[spmem:s2] =	stream.indirect.scatter.add.f32 [tilespmem:s11], [sflag:$0x7], $0x80, s7, s10, $0xb8;
	[tilespmem:$0x1E400] =	vst v63  }
0x83: {  	_ =	swait.ge [sflag:s8], $0x100  }
0x84: {  	[sflag:s8] =	ssyncset.done $0x0  }
0x85: {  	[sflag:s8] =	ssyncadd.s32 $0xFFFFFF00  }
0x86: {  	_ =	swait.ge [sflag:s13], $0x4000  }
0x87: {  	[sflag:s13] =	ssyncset.done $0x0  }
0x88: {  	s20 =	rddreg [dreg:$0x18];
	[sflag:s13] =	ssyncadd.s32 $0xFFFFC000  }
0x89: {  	[tilespmem:s28], [sflag:$0x2] =	stream.linear.gather [hbm4b:s20+s5], $0x100, $0x38;
	[tilespmem:$0x1E400] =	vst v63  }
0x8a: {  	_ = 	snop  }
0x8b: {  	[spmem:s2] =	stream.indirect.scatter.add.f32 [tilespmem:s11], [sflag:$0x8], $0x80, s14, s10, $0xb8;
	[tilespmem:$0x1E400] =	vst v63  }
.LBB2_6:
0x8c: {  	_ =	swait.ge [sflag:s1], $0x100  }
0x8d: {  	[sflag:s1] =	ssyncset.done $0x0  }
0x8e: {  	[sflag:s1] =	ssyncadd.s32 $0xFFFFFF00  }
0x8f: {  	_ =	swait.ge [sflag:s6], $0x4000  }
0x90: {  	[sflag:s6] =	ssyncset.done $0x0  }
0x91: {  	s19 =	sadd.s32 s5, s26;
	[sflag:s6] =	ssyncadd.s32 $0xFFFFC000  }
0x92: {  	[tilespmem:s29], [sflag:$0x3] =	stream.linear.gather [hbm4b:s19+s3], $0x100, $0x38;
	[tilespmem:$0x1E400] =	vst v63  }
0x93: {  	_ = 	snop  }
0x94: {  	[spmem:s2] =	stream.indirect.scatter.add.f32 [tilespmem:s11], [sflag:$0x7], $0x80, s10, s10, $0xb8;
	[tilespmem:$0x1E400] =	vst v63  }
0x95: {  	_ =	swait.ge [sflag:s12], $0x100  }
0x96: {  	[sflag:s12] =	ssyncset.done $0x0  }
0x97: {  	[sflag:s12] =	ssyncadd.s32 $0xFFFFFF00  }
0x98: {  	_ =	swait.ge [sflag:s13], $0x4000  }
0x99: {  	s19 =	sadd.s32 s5, s21;
	[sflag:s13] =	ssyncset.done $0x0  }
0x9a: {  	s20 =	sadd.s32 $0xE0, s19;
	[sflag:s13] =	ssyncadd.s32 $0xFFFFC000  }
0x9b: {  	[tilespmem:s30], [sflag:$0x4] =	stream.linear.gather [hbm4b:s20+s3], $0x100, $0x38;
	[tilespmem:$0x1E400] =	vst v63  }
0x9c: {  	_ = 	snop  }
0x9d: {  	[spmem:s2] =	stream.indirect.scatter.add.f32 [tilespmem:s11], [sflag:$0x8], $0x80, s23, s10, $0xb8;
	[tilespmem:$0x1E400] =	vst v63  }
0x9e: {  	p0 =	seq.s32 s5, $0x900;
	_ =	swait.ge [sflag:s24], $0x100  }
.Ltmp2:
0x9f: {  	[sflag:s24] =	ssyncset.done $0x0;
	(pc) =	sbr.rel @p0 .LBB2_8-.Ltmp2, $4  }
0xa0: {  	[sflag:s24] =	ssyncadd.s32 $0xFFFFFF00  }
0xa1: {  	_ =	swait.ge [sflag:s6], $0x4000  }
0xa2: {  	[sflag:s6] =	ssyncset.done $0x0  }
0xa3: {  	[sflag:s6] =	ssyncadd.s32 $0xFFFFC000  }
0xa4: {  	s20 =	sadd.s32 s5, s25  }
0xa5: {  	[tilespmem:s3], [sflag:$0x1] =	stream.linear.gather [hbm4b:s20+s3], $0x100, $0x38;
	[tilespmem:$0x1E400] =	vst v63  }
0xa6: {  	_ = 	snop  }
0xa7: {  	[spmem:s2] =	stream.indirect.scatter.add.f32 [tilespmem:s11], [sflag:$0x7], $0x80, s7, s10, $0xb8;
	[tilespmem:$0x1E400] =	vst v63  }
0xa8: {  	_ =	swait.ge [sflag:s8], $0x100  }
0xa9: {  	[sflag:s8] =	ssyncset.done $0x0  }
0xaa: {  	[sflag:s8] =	ssyncadd.s32 $0xFFFFFF00  }
0xab: {  	_ =	swait.ge [sflag:s13], $0x4000  }
.Ltmp3:
0xac: {  	[sflag:s13] =	ssyncset.done $0x0;
	(pc) =	sbr.rel .LBB2_6-.Ltmp3, $4  }
0xad: {  	s19 =	sadd.s32 $0x120, s19;
	[sflag:s13] =	ssyncadd.s32 $0xFFFFC000  }
0xae: {  	[tilespmem:s28], [sflag:$0x2] =	stream.linear.gather [hbm4b:s19+s3], $0x100, $0x38;
	[tilespmem:$0x1E400] =	vst v63  }
0xaf: {  	s5 =	sadd.s32 $0x80, s5  }
0xb0: {  	[spmem:s2] =	stream.indirect.scatter.add.f32 [tilespmem:s11], [sflag:$0x8], $0x80, s14, s10, $0xb8;
	[tilespmem:$0x1E400] =	vst v63  }
.LBB2_8:
0xb1: {  	[spmem:s2] =	stream.indirect.scatter.add.f32 [tilespmem:s11], [sflag:$0x7], $0x80, s7, s10, $0xb8;
	[tilespmem:$0x1E400] =	vst v63  }
0xb2: {  	_ =	swait.ge [sflag:s8], $0x100  }
0xb3: {  	[sflag:s8] =	ssyncset.done $0x0  }
0xb4: {  	[sflag:s8] =	ssyncadd.s32 $0xFFFFFF00  }
0xb5: {  	_ =	swait.ge [sflag:s13], $0x4000  }
0xb6: {  	[sflag:s13] =	ssyncset.done $0x0  }
0xb7: {  	[sflag:s13] =	ssyncadd.s32 $0xFFFFC000  }
0xb8: {  	[spmem:s2] =	stream.indirect.scatter.add.f32 [tilespmem:s11], [sflag:$0x8], $0x80, s14, s10, $0xb8;
	[tilespmem:$0x1E400] =	vst v63  }
0xb9: {  	_ =	swait.ge [sflag:s6], $0x4000  }
0xba: {  	[sflag:s6] =	ssyncset.done $0x0  }
0xbb: {  	[sflag:s6] =	ssyncadd.s32 $0xFFFFC000  }
0xbc: {  	_ =	swait.ge [sflag:s13], $0x4000  }
0xbd: {  	[sflag:s13] =	ssyncset.done $0x0  }
0xbe: {  	s5 =	stileid.u32;
	[sflag:s13] =	ssyncadd.s32 $0xFFFFC000  }
0xbf: {  	s5 =	sshll.u32 s5, $0x6;
	[bflag:$0x0] =	sbarrier.arrive $0xFFFF  }
0xc0: {  	s20 =	sor.u32 $0x1C09, s5;
	s5 =	rddreg [dreg:$0xa]  }
0xc1: {  	s19 =	rddreg [dreg:$0xb]  }
0xc2: {  	[dreg:$0x1a] =	wrdreg s20;
	s9 =	sshrl.u32 s5, $0x3  }
0xc3: {  	[dreg:$0x1b] =	wrdreg s9  }
0xc4: {  	[hbm:s19], [sflag:s20] =	dma.local [spmem:s9], $0x2800  }
0xc5: {  	_ =	swait.ge [sflag:s0], $0x2800  }
0xc6: {  	[sflag:s0] =	ssyncset.done $0x0  }
0xc7: {  	s19 =	simm.s32 $0x8400;
	[sflag:s0] =	ssyncadd.s32 $0xFFFFD800  }
0xc8: {  	[spmem:s5] =	stream.linear.scatter [tilespmem:s19], [sflag:$0x9], $0x2000, $0x38;
	[tilespmem:$0x1E400] =	vst v63  }
0xc9: {  	_ =	swait.ge [sflag:s0], $0x2000  }
0xca: {  	[sflag:s0] =	ssyncset.done $0x0  }
0xcb: {  	s9 =	rddreg [dreg:$0xe];
	[sflag:s0] =	ssyncadd.s32 $0xFFFFE000  }
0xcc: {  	[spmem:s9] =	stream.linear.scatter [tilespmem:s19], [sflag:$0x9], $0x2000, $0x38;
	[tilespmem:$0x1E400] =	vst v63  }
0xcd: {  	_ =	swait.ge [sflag:s0], $0x2000  }
0xce: {  	[sflag:s0] =	ssyncset.done $0x0  }
0xcf: {  	s20 =	rddreg [dreg:$0xf];
	[sflag:s0] =	ssyncadd.s32 $0xFFFFE000  }
0xd0: {  	[spmem:s20] =	stream.linear.scatter [tilespmem:s19], [sflag:$0x9], $0x2000, $0x38;
	[tilespmem:$0x1E400] =	vst v63  }
0xd1: {  	_ =	swait.ge [sflag:s0], $0x2000  }
0xd2: {  	[sflag:s0] =	ssyncset.done $0x0  }
0xd3: {  	s9 =	rddreg [dreg:$0x10];
	[sflag:s0] =	ssyncadd.s32 $0xFFFFE000  }
0xd4: {  	[spmem:s9] =	stream.linear.scatter [tilespmem:s19], [sflag:$0x9], $0x2000, $0x38;
	[tilespmem:$0x1E400] =	vst v63  }
0xd5: {  	_ =	swait.ge [sflag:s0], $0x2000  }
0xd6: {  	[sflag:s0] =	ssyncset.done $0x0  }
0xd7: {  	s20 =	rddreg [dreg:$0x11];
	[sflag:s0] =	ssyncadd.s32 $0xFFFFE000  }
0xd8: {  	[spmem:s20] =	stream.linear.scatter [tilespmem:s19], [sflag:$0x9], $0x2000, $0x38;
	[tilespmem:$0x1E400] =	vst v63  }
0xd9: {  	_ =	swait.ge [sflag:s0], $0x2000  }
0xda: {  	[sflag:s0] =	ssyncset.done $0x0  }
0xdb: {  	s9 =	rddreg [dreg:$0x12];
	[sflag:s0] =	ssyncadd.s32 $0xFFFFE000  }
0xdc: {  	[spmem:s9] =	stream.linear.scatter [tilespmem:s19], [sflag:$0x9], $0x2000, $0x38;
	[tilespmem:$0x1E400] =	vst v63  }
0xdd: {  	_ =	swait.ge [sflag:s0], $0x2000  }
0xde: {  	[sflag:s0] =	ssyncset.done $0x0  }
0xdf: {  	s20 =	rddreg [dreg:$0x13];
	[sflag:s0] =	ssyncadd.s32 $0xFFFFE000  }
0xe0: {  	[spmem:s20] =	stream.linear.scatter [tilespmem:s19], [sflag:$0x9], $0x2000, $0x38;
	[tilespmem:$0x1E400] =	vst v63  }
0xe1: {  	_ =	swait.ge [sflag:s0], $0x2000  }
0xe2: {  	[sflag:s0] =	ssyncset.done $0x0  }
0xe3: {  	s9 =	rddreg [dreg:$0x14];
	[sflag:s0] =	ssyncadd.s32 $0xFFFFE000  }
0xe4: {  	[spmem:s9] =	stream.linear.scatter [tilespmem:s19], [sflag:$0x9], $0x2000, $0x38;
	[tilespmem:$0x1E400] =	vst v63  }
0xe5: {  	_ =	swait.ge [sflag:s0], $0x2000  }
0xe6: {  	[sflag:s0] =	ssyncset.done $0x0  }
0xe7: {  	s20 =	rddreg [dreg:$0x15];
	[sflag:s0] =	ssyncadd.s32 $0xFFFFE000  }
0xe8: {  	[spmem:s20] =	stream.linear.scatter [tilespmem:s19], [sflag:$0x9], $0x2000, $0x38;
	[tilespmem:$0x1E400] =	vst v63  }
0xe9: {  	_ =	swait.ge [sflag:s0], $0x2000  }
0xea: {  	[sflag:s0] =	ssyncset.done $0x0  }
0xeb: {  	s9 =	rddreg [dreg:$0x16];
	[sflag:s0] =	ssyncadd.s32 $0xFFFFE000  }
0xec: {  	[spmem:s9] =	stream.linear.scatter [tilespmem:s19], [sflag:$0x9], $0x2000, $0x38;
	[tilespmem:$0x1E400] =	vst v63  }
0xed: {  	_ =	swait.ge [sflag:s0], $0x2000  }
0xee: {  	[sflag:s0] =	ssyncset.done $0x0  }
0xef: {  	[sflag:s0] =	ssyncadd.s32 $0xFFFFE000  }
0xf0: {  	s20 =	simm.s32 $0x0;
	[bflag:$0x0] =	sbarrier.arrive $0xFFFF  }
0xf1: {  	[tilespmem:s20], [sflag:$0x1] =	stream.linear.gather [hbm4b:s18+s20], $0x100, $0x38;
	[tilespmem:$0x1E400] =	vst v63  }
0xf2: {  	_ = 	snop  }
0xf3: {  	[tilespmem:s28], [sflag:$0x2] =	stream.linear.gather [hbm4b:s22+s20], $0x100, $0x38;
	[tilespmem:$0x1E400] =	vst v63  }
0xf4: {  	s22 =	rddreg [dreg:$0x8]  }
0xf5: {  	[tilespmem:s29], [sflag:$0x3] =	stream.linear.gather [hbm4b:s22+s20], $0x100, $0x38;
	[tilespmem:$0x1E400] =	vst v63  }
0xf6: {  	_ = 	snop  }
0xf7: {  	[tilespmem:s30], [sflag:$0x4] =	stream.linear.gather [hbm4b:s31+s20], $0x100, $0x38;
	[tilespmem:$0x1E400] =	vst v63  }
0xf8: {  	p0 =	por $0x1, $0x1;
	_ =	swait.ge [sflag:s1], $0x100  }
0xf9: {  	s5 =	simm.s32 @p0 $0x80;
	s9 =	simm.s32 @p0 $0x400;
	[sflag:s1] =	ssyncset.done $0x0  }
0xfa: {  	s19 =	simm.s32 @p0 $0x2;
	s22 =	simm.s32 @p0 $0x0;
	[sflag:s1] =	ssyncadd.s32 $0xFFFFFF00  }
0xfb: {  	[tilespmem:s9], [sflag:$0x5] =	stream.indirect.gather @p0 [hbm4b:s4+s5], $0x80, s22, s5, $0xb8;
	[tilespmem:$0x1E400] =	vst v63  }
0xfc: {  	_ =	swait.ge @p0 [sflag:s19], $0x100  }
0xfd: {  	[sflag:s19] =	ssyncset.done @p0 $0x0  }
0xfe: {  	s5 =	simm.s32 @!p0 $0x7;
	[sflag:s19] =	ssyncadd.s32 @p0 $0xFFFFFF00  }
0xff: {  	_ =	swait.ge @!p0 [sflag:s5], $0x4000  }
0x100: {  	s19 =	simm.s32 @!p0 $0x200;
	s9 =	rddreg [dreg:$0x5];
	[sflag:s5] =	ssyncset.done @!p0 $0x0  }
0x101: {  	[sflag:s5] =	ssyncadd.s32 @!p0 $0xFFFFC000;
	s5 =	simm.s32 @!p0 $0x0;
	s9 =	sadd.s32 @!p0 $0x0, s9  }
0x102: {  	[tilespmem:s19], [sflag:$0x3] =	stream.linear.gather @!p0 [hbm4b:s9+s5], $0x100, $0x38;
	[tilespmem:$0x1E400] =	vst v63  }
0x103: {  	s22 =	simm.s32 @!p0 $0x6;
	s9 =	simm.s32 @!p0 $0x80;
	s19 =	simm.s32 @!p0 $0x400  }
0x104: {  	[tilespmem:s19], [sflag:$0x5] =	stream.indirect.gather @!p0 [hbm4b:s4+s9], $0x80, s5, s9, $0xb8;
	[tilespmem:$0x1E400] =	vst v63  }
0x105: {  	_ =	swait.ge @!p0 [sflag:s22], $0x4000  }
0x106: {  	[sflag:s22] =	ssyncset.done @!p0 $0x0  }
0x107: {  	s19 =	simm.s32 @!p0 $0x380;
	[sflag:s22] =	ssyncadd.s32 @!p0 $0xFFFFC000;
	s22 =	simm.s32 @!p0 $0x4400  }
0x108: {  	[spmem:s2] =	stream.indirect.scatter.add.f32 @!p0 [tilespmem:s22], [sflag:$0x8], $0x80, s19, s9, $0xb8;
	[tilespmem:$0x1E400] =	vst v63  }
0x109: {  	s9 =	simm.s32 @!p0 $0x2  }
0x10a: {  	_ =	swait.ge @!p0 [sflag:s9], $0x100  }
0x10b: {  	[sflag:s9] =	ssyncset.done @!p0 $0x0  }
0x10c: {  	s19 =	simm.s32 @!p0 $0x8;
	[sflag:s9] =	ssyncadd.s32 @!p0 $0xFFFFFF00  }
0x10d: {  	_ =	swait.ge @!p0 [sflag:s19], $0x4000  }
0x10e: {  	s9 =	rddreg [dreg:$0x4];
	[sflag:s19] =	ssyncset.done @!p0 $0x0  }
0x10f: {  	[sflag:s19] =	ssyncadd.s32 @!p0 $0xFFFFC000;
	s19 =	simm.s32 @!p0 $0x300;
	s9 =	sadd.s32 @!p0 $0x0, s9  }
0x110: {  	[tilespmem:s19], [sflag:$0x4] =	stream.linear.gather @!p0 [hbm4b:s9+s5], $0x100, $0x38;
	[tilespmem:$0x1E400] =	vst v63  }
0x111: {  	_ = 	snop  }
0x112: {  	[tilespmem:s11], [sflag:$0x6] =	stream.indirect.gather [hbm4b:s4+s10], $0x80, s28, s10, $0xb8;
	[tilespmem:$0x1E400] =	vst v63  }
0x113: {  	_ =	swait.ge [sflag:s15], $0x4000  }
0x114: {  	[sflag:s15] =	ssyncset.done $0x0  }
0x115: {  	[sflag:s15] =	ssyncadd.s32 $0xFFFFC000  }
0x116: {  	[spmem:s2] =	stream.indirect.scatter.add.f32 [tilespmem:s16], [sflag:$0x7], $0x80, s10, s10, $0xb8;
	[tilespmem:$0x1E400] =	vst v63  }
0x117: {  	_ =	swait.ge [sflag:s24], $0x100  }
0x118: {  	[sflag:s24] =	ssyncset.done $0x0  }
0x119: {  	[sflag:s24] =	ssyncadd.s32 $0xFFFFFF00  }
0x11a: {  	_ =	swait.ge [sflag:s6], $0x4000  }
0x11b: {  	p0 =	por $0x0, $0x0;
	s5 =	rddreg [dreg:$0x3]  }
0x11c: {  	[sflag:s6] =	ssyncset.done $0x0;
	s5 =	sadd.s32 @!p0 $0x0, s5  }
0x11d: {  	s9 =	simm.s32 @!p0 $0x0;
	[sflag:s6] =	ssyncadd.s32 $0xFFFFC000;
	s19 =	sadd.s32 @!p0 $0x80, s5  }
0x11e: {  	[tilespmem:s9], [sflag:$0x1] =	stream.linear.gather @!p0 [hbm4b:s19+s9], $0x100, $0x38;
	[tilespmem:$0x1E400] =	vst v63  }
0x11f: {  	_ = 	snop  }
0x120: {  	[tilespmem:s16], [sflag:$0x5] =	stream.indirect.gather [hbm4b:s4+s10], $0x80, s29, s10, $0xb8;
	[tilespmem:$0x1E400] =	vst v63  }
0x121: {  	_ =	swait.ge [sflag:s17], $0x4000  }
0x122: {  	[sflag:s17] =	ssyncset.done $0x0  }
0x123: {  	[sflag:s17] =	ssyncadd.s32 $0xFFFFC000  }
0x124: {  	[spmem:s2] =	stream.indirect.scatter.add.f32 [tilespmem:s11], [sflag:$0x8], $0x80, s23, s10, $0xb8;
	[tilespmem:$0x1E400] =	vst v63  }
0x125: {  	_ =	swait.ge [sflag:s8], $0x100  }
0x126: {  	[sflag:s8] =	ssyncset.done $0x0  }
0x127: {  	[sflag:s8] =	ssyncadd.s32 $0xFFFFFF00  }
0x128: {  	_ =	swait.ge [sflag:s13], $0x4000  }
0x129: {  	[sflag:s13] =	ssyncset.done $0x0  }
0x12a: {  	s5 =	sadd.s32 @!p0 $0xA0, s5;
	s19 =	simm.s32 @!p0 $0x100;
	[sflag:s13] =	ssyncadd.s32 $0xFFFFC000  }
0x12b: {  	[tilespmem:s19], [sflag:$0x2] =	stream.linear.gather @!p0 [hbm4b:s5+s9], $0x100, $0x38;
	[tilespmem:$0x1E400] =	vst v63  }
0x12c: {  	_ = 	snop  }
0x12d: {  	[tilespmem:s11], [sflag:$0x6] =	stream.indirect.gather [hbm4b:s4+s10], $0x80, s30, s10, $0xb8;
	[tilespmem:$0x1E400] =	vst v63  }
0x12e: {  	_ =	swait.ge [sflag:s15], $0x4000  }
0x12f: {  	s22 =	simm.s32 $0x80;
	[sflag:s15] =	ssyncset.done $0x0  }
.LBB2_9:
0x130: {  	[sflag:s15] =	ssyncadd.s32 $0xFFFFC000;
	s5 =	smov.u32 s22  }
0x131: {  	[spmem:s2] =	stream.indirect.scatter.add.f32 [tilespmem:s16], [sflag:$0x7], $0x80, s7, s10, $0xb8;
	[tilespmem:$0x1E400] =	vst v63  }
0x132: {  	p1 =	seq.s32 s5, $0x0;
	_ =	swait.ge [sflag:s1], $0x100  }
0x133: {  	s9 =	simm.s32 @p1 $0x80;
	s19 =	simm.s32 @p1 $0x0;
	[sflag:s1] =	ssyncset.done $0x0  }
0x134: {  	s20 =	simm.s32 @p1 $0x400;
	s18 =	simm.s32 @p1 $0x2;
	[sflag:s1] =	ssyncadd.s32 $0xFFFFFF00  }
0x135: {  	[tilespmem:s20], [sflag:$0x5] =	stream.indirect.gather @p1 [hbm4b:s4+s9], $0x80, s19, s9, $0xb8;
	[tilespmem:$0x1E400] =	vst v63  }
0x136: {  	_ =	swait.ge @p1 [sflag:s18], $0x100  }
0x137: {  	[sflag:s18] =	ssyncset.done @p1 $0x0  }
0x138: {  	s9 =	simm.s32 @!p1 $0x7;
	[sflag:s18] =	ssyncadd.s32 @p1 $0xFFFFFF00  }
0x139: {  	_ =	swait.ge @!p1 [sflag:s9], $0x4000  }
0x13a: {  	s19 =	simm.s32 @!p1 $0x200;
	s18 =	rddreg [dreg:$0x5];
	[sflag:s9] =	ssyncset.done @!p1 $0x0  }
0x13b: {  	[sflag:s9] =	ssyncadd.s32 @!p1 $0xFFFFC000;
	s9 =	simm.s32 @!p1 $0x0;
	s18 =	sadd.s32 @!p1 s5, s18  }
0x13c: {  	[tilespmem:s19], [sflag:$0x3] =	stream.linear.gather @!p1 [hbm4b:s18+s9], $0x100, $0x38;
	[tilespmem:$0x1E400] =	vst v63  }
0x13d: {  	s31 =	simm.s32 @!p1 $0x400;
	s20 =	simm.s32 @!p1 $0x80;
	s18 =	simm.s32 @!p1 $0x6  }
0x13e: {  	[tilespmem:s31], [sflag:$0x5] =	stream.indirect.gather @!p1 [hbm4b:s4+s20], $0x80, s9, s20, $0xb8;
	[tilespmem:$0x1E400] =	vst v63  }
0x13f: {  	_ =	swait.ge @!p1 [sflag:s18], $0x4000  }
0x140: {  	s19 =	simm.s32 @!p1 $0x380;
	[sflag:s18] =	ssyncset.done @!p1 $0x0  }
0x141: {  	s31 =	simm.s32 @!p1 $0x4400;
	[sflag:s18] =	ssyncadd.s32 @!p1 $0xFFFFC000;
	s18 =	simm.s32 @!p1 $0x2  }
0x142: {  	[spmem:s2] =	stream.indirect.scatter.add.f32 @!p1 [tilespmem:s31], [sflag:$0x8], $0x80, s19, s20, $0xb8;
	[tilespmem:$0x1E400] =	vst v63  }
0x143: {  	_ =	swait.ge @!p1 [sflag:s18], $0x100  }
0x144: {  	[sflag:s18] =	ssyncset.done @!p1 $0x0  }
0x145: {  	s19 =	simm.s32 @!p1 $0x8;
	[sflag:s18] =	ssyncadd.s32 @!p1 $0xFFFFFF00  }
0x146: {  	_ =	swait.ge @!p1 [sflag:s19], $0x4000  }
0x147: {  	s18 =	rddreg [dreg:$0x4];
	[sflag:s19] =	ssyncset.done @!p1 $0x0  }
0x148: {  	[sflag:s19] =	ssyncadd.s32 @!p1 $0xFFFFC000;
	s19 =	simm.s32 @!p1 $0x300;
	s18 =	sadd.s32 @!p1 s5, s18  }
0x149: {  	[tilespmem:s19], [sflag:$0x4] =	stream.linear.gather @!p1 [hbm4b:s18+s9], $0x100, $0x38;
	[tilespmem:$0x1E400] =	vst v63  }
0x14a: {  	_ = 	snop  }
0x14b: {  	[tilespmem:s11], [sflag:$0x6] =	stream.indirect.gather [hbm4b:s4+s10], $0x80, s28, s10, $0xb8;
	[tilespmem:$0x1E400] =	vst v63  }
0x14c: {  	_ =	swait.ge [sflag:s15], $0x4000  }
0x14d: {  	[sflag:s15] =	ssyncset.done $0x0  }
0x14e: {  	[sflag:s15] =	ssyncadd.s32 $0xFFFFC000  }
0x14f: {  	[spmem:s2] =	stream.indirect.scatter.add.f32 [tilespmem:s16], [sflag:$0x7], $0x80, s10, s10, $0xb8;
	[tilespmem:$0x1E400] =	vst v63  }
0x150: {  	_ =	swait.ge [sflag:s24], $0x100  }
0x151: {  	[sflag:s24] =	ssyncset.done $0x0  }
0x152: {  	[sflag:s24] =	ssyncadd.s32 $0xFFFFFF00  }
0x153: {  	_ =	swait.ge [sflag:s6], $0x4000  }
0x154: {  	p1 =	seq.s32 s5, $0x980;
	s9 =	rddreg [dreg:$0x3]  }
0x155: {  	[sflag:s6] =	ssyncset.done $0x0;
	s5 =	sadd.s32 @!p1 s5, s9  }
0x156: {  	[sflag:s6] =	ssyncadd.s32 $0xFFFFC000;
	s9 =	simm.s32 @!p1 $0x0;
	s18 =	sadd.s32 @!p1 $0x80, s5  }
0x157: {  	[tilespmem:s9], [sflag:$0x1] =	stream.linear.gather @!p1 [hbm4b:s18+s9], $0x100, $0x38;
	[tilespmem:$0x1E400] =	vst v63  }
0x158: {  	_ = 	snop  }
0x159: {  	[tilespmem:s16], [sflag:$0x5] =	stream.indirect.gather [hbm4b:s4+s10], $0x80, s29, s10, $0xb8;
	[tilespmem:$0x1E400] =	vst v63  }
0x15a: {  	_ =	swait.ge [sflag:s17], $0x4000  }
0x15b: {  	[sflag:s17] =	ssyncset.done $0x0  }
0x15c: {  	[sflag:s17] =	ssyncadd.s32 $0xFFFFC000  }
0x15d: {  	[spmem:s2] =	stream.indirect.scatter.add.f32 [tilespmem:s11], [sflag:$0x8], $0x80, s23, s10, $0xb8;
	[tilespmem:$0x1E400] =	vst v63  }
0x15e: {  	_ =	swait.ge [sflag:s8], $0x100  }
0x15f: {  	[sflag:s8] =	ssyncset.done $0x0  }
0x160: {  	[sflag:s8] =	ssyncadd.s32 $0xFFFFFF00  }
0x161: {  	s22 =	sadd.s32 $0x80, s22;
	_ =	swait.ge [sflag:s13], $0x4000  }
0x162: {  	p0 =	sne.s32 s22, $0xA00;
	[sflag:s13] =	ssyncset.done $0x0  }
0x163: {  	s5 =	sadd.s32 @!p1 $0xA0, s5;
	s18 =	simm.s32 @!p1 $0x100;
	[sflag:s13] =	ssyncadd.s32 $0xFFFFC000  }
0x164: {  	[tilespmem:s18], [sflag:$0x2] =	stream.linear.gather @!p1 [hbm4b:s5+s9], $0x100, $0x38;
	[tilespmem:$0x1E400] =	vst v63  }
.Ltmp4:
0x165: {  	_ = 	snop;
	(pc) =	sbr.rel @p0 .LBB2_9-.Ltmp4, $4  }
0x166: {  	_ = 	snop  }
0x167: {  	[tilespmem:s11], [sflag:$0x6] =	stream.indirect.gather [hbm4b:s4+s10], $0x80, s30, s10, $0xb8;
	[tilespmem:$0x1E400] =	vst v63  }
0x168: {  	_ =	swait.ge [sflag:s15], $0x4000  }
0x169: {  	[sflag:s15] =	ssyncset.done $0x0  }
0x16a: {  	[sflag:s15] =	ssyncadd.s32 $0xFFFFC000  }
0x16b: {  	[spmem:s2] =	stream.indirect.scatter.add.f32 [tilespmem:s16], [sflag:$0x7], $0x80, s7, s10, $0xb8;
	[tilespmem:$0x1E400] =	vst v63  }
0x16c: {  	_ =	swait.ge [sflag:s17], $0x4000  }
0x16d: {  	[sflag:s17] =	ssyncset.done $0x0  }
0x16e: {  	[sflag:s17] =	ssyncadd.s32 $0xFFFFC000  }
0x16f: {  	[spmem:s2] =	stream.indirect.scatter.add.f32 [tilespmem:s11], [sflag:$0x8], $0x80, s14, s10, $0xb8;
	[tilespmem:$0x1E400] =	vst v63  }
0x170: {  	_ =	swait.ge [sflag:s6], $0x4000  }
0x171: {  	[sflag:s6] =	ssyncset.done $0x0  }
0x172: {  	[sflag:s6] =	ssyncadd.s32 $0xFFFFC000  }
0x173: {  	_ =	swait.ge [sflag:s13], $0x4000  }
0x174: {  	[sflag:s13] =	ssyncset.done $0x0  }
0x175: {  	[sflag:s13] =	ssyncadd.s32 $0xFFFFC000  }
0x176: {  	[bflag:$0x0] =	sbarrier.arrive $0xFFFF  }
0x177: {  	s5 =	rddreg [dreg:$0xc]  }
0x178: {  	s9 =	rddreg [dreg:$0x1a]  }
0x179: {  	s18 =	rddreg [dreg:$0x1b]  }
0x17a: {  	[hbm:s5], [sflag:s9] =	dma.local [spmem:s18], $0x2800  }
0x17b: {  	_ =	swait.ge [sflag:s0], $0x2800  }
0x17c: {  	s19 =	rddreg [dreg:$0x19]  }
0x17d: {  	s22 =	rddreg [dreg:$0xd];
	s19 =	sadd.s32 $0x1, s19  }
0x17e: {  	p0 =	sne.s32 s19, s22  }
.Ltmp5:
0x17f: {  	_ = 	snop;
	(pc) =	sbr.rel @p0 .LBB2_1-.Ltmp5, $4  }
0x180: {  	s18 =	rddreg [dreg:$0x6]  }
0x181: {  	s20 =	rddreg [dreg:$0x8]  }
0x182: {  	[sflag:s0] =	ssyncset.done $0x0;
	s31 =	rddreg [dreg:$0x9]  }
0x183: {  	[sflag:s0] =	ssyncadd.s32 $0xFFFFD800;
	s22 =	rddreg [dreg:$0x7]  }
0x184: {  	_ =	sfence.sel $0x180000  }
0x185: {  	[bflag:$0x0] =	sbarrier.arrive $0xFFFF  }
0x186: {  	_ =	strace $0x90000047  }
0x187: {  	s0 =	stileid.u32;
	[bflag:$0x2] =	sbarrier.arrive $0xFFFF  }
0x188: {  	p0 =	sne.s32 s0, $0x0;
	s0 =	rddreg [dreg:$0x2]  }
0x189: {  	s0 =	sadd.s32 @!p0 $0x100000, s0  }
0x18a: {  	[sflag:s0] =	ssyncadd.tile.s32 @!p0 $0x1;
	_ =	shalt  }
.Lfunc_end2:
_tile_overlayer_lowered:
.L_overlay_start_2:
0x18b: {  	(tag) =	ssettag $0x2  }
0x18c: {  	s0 =	rddreg [dreg:$0x0];
	s2 =	stileid.u32  }
0x18d: {  	s1 =	rddreg [dreg:$0x1];
	p0 =	sne.s32 s2, $0x0  }
0x18e: {  	s3 =	rddreg [dreg:$0x2];
	[bflag:$0x3] =	sbarrier.arrive $0xFFFF;
	s2 =	simm.s32 @!p0 $0x1C09  }
0x18f: {  	[timem:s3], [sflag:s2] =	dma.local @!p0 [hbm:s0], s1  }
0x190: {  	s0 =	simm.s32 @!p0 $0x9  }
0x191: {  	_ =	swait.ge @!p0 [sflag:s0], s1  }
0x192: {  	s1 =	ssub.s32 @!p0 $0x0, s1;
	[sflag:s0] =	ssyncset.done @!p0 $0x0  }
0x193: {  	[sflag:s0] =	ssyncadd.s32 @!p0 s1  }
0x194: {  	[bflag:$0x3] =	sbarrier.arrive $0xFFFF  }
0x195: {  	_ =	shalt  }

</sc_bundles>
